<compile_context>
chip_gen: v7x
topology: tpu7x:2x2x1
jax: 0.10.2.dev20260603
libtpu: 0.0.44.dev20260713+nightly
codegen_flags: <defaults>
</compile_context>

<pallas_src>
import jax
import jax.numpy as jnp
from jax import lax
from jax.experimental import pallas as pl
from jax.experimental.pallas import tpu as pltpu
from jax.experimental.pallas import tpu_sc as plsc

NC = 2
NS = 16
NW = NC * NS
CK = 100
GP = 20
ZR = 16


def _make_sc_segsum(np_, e, d, gather):
    ept = e // NW
    nchunks = ept // CK
    ngroups = nchunks // GP
    assert nchunks % GP == 0 and GP % 2 == 0
    rpt = np_ // NS
    mesh = plsc.VectorSubcoreMesh(core_axis_name="c", subcore_axis_name="s")

    out_type = [jax.ShapeDtypeStruct((NC, np_, d), jnp.float32)]
    scratch = [
        pltpu.VMEM((GP, CK), jnp.int32),
        pltpu.VMEM((GP, CK), jnp.int32),
        pltpu.VMEM((CK, d), jnp.float32),
        pltpu.VMEM((CK, d), jnp.float32),
        pltpu.VMEM((ZR, d), jnp.float32),
        pltpu.VMEM_SHARED((np_, d), jnp.float32),
        pltpu.SemaphoreType.DMA,
        pltpu.SemaphoreType.DMA,
    ]

    def body(x_hbm, src_hbm, dst_hbm, sum_out, srcv, dstv, rows0, rows1,
             zbuf, acc_sh, sem0, sem1):
        cid = lax.axis_index("c")
        sid = lax.axis_index("s")
        wid = sid * NC + cid

        zeros16 = jnp.zeros((16,), jnp.float32)

        def zfill(i, _):
            zbuf[i // (d // 16), pl.ds((i % (d // 16)) * 16, 16)] = zeros16
            return 0
        lax.fori_loop(0, ZR * (d // 16), zfill, 0)

        if not gather:
            ones16 = jnp.ones((16,), jnp.float32)

            def ofill(i, _):
                rows0[i // (d // 16), pl.ds((i % (d // 16)) * 16, 16)] = ones16
                return 0
            lax.fori_loop(0, CK * (d // 16), ofill, 0)

        def zcopy(i, _):
            pltpu.sync_copy(zbuf, acc_sh.at[pl.ds(sid * rpt + i * ZR, ZR)])
            return 0
        lax.fori_loop(0, rpt // ZR, zcopy, 0)
        plsc.subcore_barrier()

        if gather:
            def group(g, _):
                pltpu.sync_copy(dst_hbm.at[wid, g], dstv)
                pltpu.sync_copy(src_hbm.at[wid, g], srcv)
                pltpu.async_copy(x_hbm.at[srcv.at[0]], rows0, sem0)

                def pair(i, _):
                    j0 = 2 * i
                    pltpu.async_copy(x_hbm.at[srcv.at[j0 + 1]], rows1, sem1)
                    pltpu.make_async_copy(
                        x_hbm.at[srcv.at[j0]], rows0, sem0).wait()
                    pltpu.sync_copy(rows0, acc_sh.at[dstv.at[j0]], add=True)

                    @pl.when(j0 + 2 < GP)
                    def _():
                        pltpu.async_copy(x_hbm.at[srcv.at[j0 + 2]], rows0, sem0)
                    pltpu.make_async_copy(
                        x_hbm.at[srcv.at[j0 + 1]], rows1, sem1).wait()
                    pltpu.sync_copy(rows1, acc_sh.at[dstv.at[j0 + 1]], add=True)
                    return 0
                lax.fori_loop(0, GP // 2, pair, 0)
                return 0
            lax.fori_loop(0, ngroups, group, 0)
        else:
            def group(g, _):
                pltpu.sync_copy(dst_hbm.at[wid, g], dstv)

                def chunk(j, _):
                    pltpu.sync_copy(rows0, acc_sh.at[dstv.at[j]], add=True)
                    return 0
                lax.fori_loop(0, GP, chunk, 0)
                return 0
            lax.fori_loop(0, ngroups, group, 0)
        plsc.subcore_barrier()

        off = sid * rpt
        pltpu.sync_copy(acc_sh.at[pl.ds(off, rpt)],
                        sum_out.at[cid, pl.ds(off, rpt)])

    return pl.kernel(body, out_type=out_type, mesh=mesh,
                     scratch_types=scratch)


def _dotT(a, w):
    return lax.dot_general(a, w, (((1,), (1,)), ((), ())),
                           preferred_element_type=jnp.float32)


def _tc1_body(x_ref, s_ref, c_ref, w1l_ref, b1l_ref, w1r_ref,
              w2r_ref, b2l_ref, h_ref, pre2_ref):
    cnt = c_ref[0][:, 0:1] + c_ref[1][:, 0:1]
    inv = 1.0 / jnp.maximum(cnt, 1.0)
    agg = (s_ref[0] + s_ref[1]) * inv
    h = jnp.maximum(
        _dotT(agg, w1l_ref[...]) + b1l_ref[...] + _dotT(x_ref[...], w1r_ref[...]),
        0.0)
    h_ref[...] = h
    pre2_ref[...] = _dotT(h, w2r_ref[...]) + b2l_ref[...]


def _tc2_body(s_ref, c_ref, pre2_ref, w2l_ref, out_ref):
    cnt = c_ref[0][:, 0:1] + c_ref[1][:, 0:1]
    inv = 1.0 / jnp.maximum(cnt, 1.0)
    agg = (s_ref[0] + s_ref[1]) * inv
    z = _dotT(agg, w2l_ref[...]) + pre2_ref[...]
    m = jnp.max(z, axis=1, keepdims=True)
    zs = z - m
    out_ref[...] = zs - jnp.log(jnp.sum(jnp.exp(zs), axis=1, keepdims=True))


def kernel(x, edge_index, W1l, b1l, W1r, W2l, b2l, W2r):
    n, d = x.shape
    e = edge_index.shape[1]
    h_dim = W1l.shape[0]
    c_dim = W2l.shape[0]
    np_ = ((n + NS * ZR - 1) // (NS * ZR)) * (NS * ZR)
    assert e % (NW * CK * GP) == 0 and (np_ // NS) % ZR == 0
    ngroups = e // (NW * CK * GP)

    src = edge_index[0].reshape(NW, ngroups, GP, CK)
    dst = edge_index[1].reshape(NW, ngroups, GP, CK)

    sc_cnt = _make_sc_segsum(np_, e, d, gather=False)
    (cntp,) = sc_cnt(x, src, dst)

    sc_a = _make_sc_segsum(np_, e, d, gather=True)
    (s1p,) = sc_a(x, src, dst)

    rb = 2000
    grid = (n // rb,)
    full = lambda shape: pl.BlockSpec(shape, lambda i: (0,) * len(shape))
    rows = lambda m: pl.BlockSpec((rb, m), lambda i: (i, 0))
    parts = lambda m: pl.BlockSpec((NC, rb, m), lambda i: (0, i, 0))

    h, pre2 = pl.pallas_call(
        _tc1_body,
        grid=grid,
        in_specs=[rows(d), parts(d), parts(d), full((h_dim, d)),
                  full((1, h_dim)), full((h_dim, d)),
                  full((c_dim, h_dim)), full((1, c_dim))],
        out_specs=[rows(h_dim), rows(c_dim)],
        out_shape=[jax.ShapeDtypeStruct((n, h_dim), jnp.float32),
                   jax.ShapeDtypeStruct((n, c_dim), jnp.float32)],
    )(x, s1p, cntp, W1l, b1l.reshape(1, -1), W1r, W2r,
      b2l.reshape(1, -1))

    sc_b = _make_sc_segsum(np_, e, h_dim, gather=True)
    (s2p,) = sc_b(h, src, dst)

    out = pl.pallas_call(
        _tc2_body,
        grid=grid,
        in_specs=[parts(h_dim), parts(d), rows(c_dim), full((c_dim, h_dim))],
        out_specs=rows(c_dim),
        out_shape=jax.ShapeDtypeStruct((n, c_dim), jnp.float32),
    )(s2p, cntp, pre2, W2l)
    return out

# --- scband reference (transcript-rebuilt; emitter-appended) ---
"""Pipeline reference for scband-graph-sage-2662879723964 (READ-ONLY COPY).

The authoritative reference and input builder live on the scoring server;
editing this copy changes nothing except your own understanding.
"""

import jax, jax.numpy as jnp
import numpy as np

N = 10000
E = 320000
D = 128
H = 128
C = 64


def setup_inputs(seed: int = 0) -> dict:
    key = jax.random.key(seed)
    ks = jax.random.split(key, 8)
    x = jax.random.normal(ks[0], (N, D), dtype=jnp.float32)
    edge_index = jax.random.randint(ks[1], (2, E), 0, N, dtype=jnp.int32)
    # layer 1 params: SAGEConv(D -> H)
    W1l = jax.random.normal(ks[2], (H, D), dtype=jnp.float32) * (1.0 / np.sqrt(D))
    b1l = jnp.zeros((H,), dtype=jnp.float32)
    W1r = jax.random.normal(ks[3], (H, D), dtype=jnp.float32) * (1.0 / np.sqrt(D))
    # layer 2 params: SAGEConv(H -> C)
    W2l = jax.random.normal(ks[4], (C, H), dtype=jnp.float32) * (1.0 / np.sqrt(H))
    b2l = jnp.zeros((C,), dtype=jnp.float32)
    W2r = jax.random.normal(ks[5], (C, H), dtype=jnp.float32) * (1.0 / np.sqrt(H))
    return {"x": x, "edge_index": edge_index, "W1l": W1l, "b1l": b1l, "W1r": W1r,
            "W2l": W2l, "b2l": b2l, "W2r": W2r}


def _sage_conv(h, edge_index, Wl, bl, Wr):
    # PyG SAGEConv with aggr='mean':
    #   out = lin_l(mean_{j in N(i)} x_j) + lin_r(x_i)
    src = edge_index[0]
    dst = edge_index[1]
    msgs = h[src]  # gather source features per edge
    agg_sum = jax.ops.segment_sum(msgs, dst, num_segments=N)
    cnt = jax.ops.segment_sum(jnp.ones((E,), dtype=jnp.float32), dst, num_segments=N)
    agg = agg_sum / jnp.maximum(cnt, 1.0)[:, None]  # mean; zero for isolated nodes
    return agg @ Wl.T + bl + h @ Wr.T


def reference(x, edge_index, W1l, b1l, W1r, W2l, b2l, W2r):
    h = _sage_conv(x, edge_index, W1l, b1l, W1r)
    h = jax.nn.relu(h)
    # dropout is identity in eval mode (training=False)
    out = _sage_conv(h, edge_index, W2l, b2l, W2r)
    return jax.nn.log_softmax(out, axis=1)

if __name__ == "__main__":
    import jax
    _d = setup_inputs()
    print(jax.jit(kernel)(*tuple(_d.values())))

</pallas_src>

<mosaic_0001>
#map = affine_map<(d0, d1) -> (0, 0)>
#map1 = affine_map<(d0, d1) -> (0, 0, 0, 0)>
#map2 = affine_map<(d0, d1) -> (0, 0, 0)>
module attributes {stable_mosaic.version = 14 : i64} {
  func.func @body(%arg0: i32, %arg1: i32, %arg2: memref<10000x128xf32, #tpu.memory_space<hbm>>, %arg3: memref<32x5x20x100xi32, #tpu.memory_space<hbm>>, %arg4: memref<32x5x20x100xi32, #tpu.memory_space<hbm>>, %arg5: memref<2x10240x128xf32, #tpu.memory_space<hbm>>, %arg6: memref<20x100xi32, #tpu.memory_space<vmem>>, %arg7: memref<20x100xi32, #tpu.memory_space<vmem>>, %arg8: memref<100x128xf32, #tpu.memory_space<vmem>>, %arg9: memref<100x128xf32, #tpu.memory_space<vmem>>, %arg10: memref<16x128xf32, #tpu.memory_space<vmem>>, %arg11: memref<10240x128xf32, #tpu.memory_space<vmem_shared>>, %arg12: memref<!tpu.dma_semaphore, #tpu.memory_space<semaphore_mem>>, %arg13: memref<!tpu.dma_semaphore, #tpu.memory_space<semaphore_mem>>) attributes {dimension_semantics = [#tpu.dimension_semantics<core_parallel>, #tpu.dimension_semantics<subcore_parallel>], iteration_bounds = array<i64: 2, 16>, scalar_prefetch = 0 : i64, scratch_operands = 8 : i64, tpu.core_type = #tpu.core_type<sc_vector_subcore>, window_params = [{transform_indices = #map}, {transform_indices = #map1}, {transform_indices = #map1}, {transform_indices = #map2}]} {
    %mul3A = arith.constant 2 : i32
    %mul3A_0 = arith.muli %arg1, %mul3A : i32
    %add3A = arith.addi %mul3A_0, %arg0 : i32
    %broadcast_in_dim3A = arith.constant 0.000000e+00 : f32
    %broadcast_in_dim3A_1 = vector.broadcast %broadcast_in_dim3A : f32 to vector<16xf32>
    %scan3A = arith.constant 0 : i32
    %scan3A_2 = arith.constant 0 : i32
    %scan3A_3 = arith.constant 128 : i32
    %scan3A_4 = arith.addi %scan3A_2, %scan3A_3 : i32
    %scan3A_5 = arith.constant 1 : i32
    %scan3A_6 = scf.for %scan3A_25 = %scan3A_2 to %scan3A_4 step %scan3A_5 iter_args(%scan3A_26 = %scan3A) -> (i32)  : i32 {
      %jit3A = arith.constant 8 : i32
      %div3A = arith.divsi %scan3A_25, %jit3A : i32
      %sign3A = arith.constant 0 : i32
      %sign3A_27 = arith.cmpi sgt, %scan3A_25, %sign3A : i32
      %sign3A_28 = arith.extui %sign3A_27 : i1 to i32
      %sign3A_29 = arith.constant 0 : i32
      %sign3A_30 = arith.cmpi slt, %scan3A_25, %sign3A_29 : i32
      %sign3A_31 = arith.extui %sign3A_30 : i1 to i32
      %sign3A_32 = arith.subi %sign3A_28, %sign3A_31 : i32
      %sign3A_33 = arith.constant 0 : i32
      %sign3A_34 = arith.cmpi sgt, %jit3A, %sign3A_33 : i32
      %sign3A_35 = arith.extui %sign3A_34 : i1 to i32
      %sign3A_36 = arith.constant 0 : i32
      %sign3A_37 = arith.cmpi slt, %jit3A, %sign3A_36 : i32
      %sign3A_38 = arith.extui %sign3A_37 : i1 to i32
      %sign3A_39 = arith.subi %sign3A_35, %sign3A_38 : i32
      %ne3A = arith.cmpi ne, %sign3A_32, %sign3A_39 : i32
      %rem3A = arith.remsi %scan3A_25, %jit3A : i32
      %ne3A_40 = arith.constant 0 : i32
      %ne3A_41 = arith.cmpi ne, %rem3A, %ne3A_40 : i32
      %and3A = arith.andi %ne3A, %ne3A_41 : i1
      %sub3A = arith.constant 1 : i32
      %sub3A_42 = arith.subi %div3A, %sub3A : i32
      %select_n3A = arith.select %and3A, %sub3A_42, %div3A : i32
      %jit3A_43 = arith.constant 8 : i32
      %eq3A = arith.constant 0 : i32
      %eq3A_44 = arith.cmpi eq, %jit3A_43, %eq3A : i32
      %jit3A_45 = arith.constant 1 : i32
      %select_n3A_46 = arith.select %eq3A_44, %jit3A_45, %jit3A_43 : i32
      %rem3A_47 = arith.remsi %scan3A_25, %select_n3A_46 : i32
      %ne3A_48 = arith.constant 0 : i32
      %ne3A_49 = arith.cmpi ne, %rem3A_47, %ne3A_48 : i32
      %lt3A = arith.constant 0 : i32
      %lt3A_50 = arith.cmpi slt, %rem3A_47, %lt3A : i32
      %lt3A_51 = arith.constant 0 : i32
      %lt3A_52 = arith.cmpi slt, %select_n3A_46, %lt3A_51 : i32
      %ne3A_53 = arith.xori %lt3A_50, %lt3A_52 : i1
      %and3A_54 = arith.andi %ne3A_53, %ne3A_49 : i1
      %add3A_55 = arith.addi %rem3A_47, %select_n3A_46 : i32
      %select_n3A_56 = arith.select %and3A_54, %add3A_55, %rem3A_47 : i32
      %mul3A_57 = arith.constant 16 : i32
      %mul3A_58 = arith.muli %select_n3A_56, %mul3A_57 : i32
      %swap3A = arith.index_cast %select_n3A : i32 to index
      %swap3A_59 = arith.index_cast %mul3A_58 : i32 to index
      %swap3A_60 = tpu.vector_load %arg10[%swap3A, %swap3A_59] {strides = array<i32>} : memref<16x128xf32, #tpu.memory_space<vmem>>, vector<1x16xf32>,
      %swap3A_61 = vector.shape_cast %swap3A_60 : vector<1x16xf32> to vector<16xf32>
      %swap3A_62 = vector.shape_cast %broadcast_in_dim3A_1 : vector<16xf32> to vector<1x16xf32>
      tpu.vector_store %arg10[%swap3A, %swap3A_59], %swap3A_62 {strides = array<i32>} : memref<16x128xf32, #tpu.memory_space<vmem>>, vector<1x16xf32>,
      %scan3A_63 = arith.constant 0 : i32
      scf.yield %scan3A_63 : i32
    }
    %scan3A_7 = arith.constant 128 : i32
    %scan3A_8 = arith.constant 0 : i32
    %scan3A_9 = arith.constant 0 : i32
    %scan3A_10 = arith.constant 40 : i32
    %scan3A_11 = arith.addi %scan3A_9, %scan3A_10 : i32
    %scan3A_12 = arith.constant 1 : i32
    %scan3A_13 = scf.for %scan3A_25 = %scan3A_9 to %scan3A_11 step %scan3A_12 iter_args(%scan3A_26 = %scan3A_8) -> (i32)  : i32 {
      %mul3A_27 = arith.constant 640 : i32
      %mul3A_28 = arith.muli %arg1, %mul3A_27 : i32
      %mul3A_29 = arith.constant 16 : i32
      %mul3A_30 = arith.muli %scan3A_25, %mul3A_29 : i32
      %add3A_31 = arith.addi %mul3A_28, %mul3A_30 : i32
      "tpu.region"() ({
        %run_scoped3A = tpu.sem_alloc : memref<!tpu.dma_semaphore, #tpu.memory_space<semaphore_mem>>
        %dma_start3A = arith.constant 0 : i32
        %dma_start3A_33 = tpu.memref_slice %arg11[%add3A_31, %dma_start3A] : memref<10240x128xf32, #tpu.memory_space<vmem_shared>> -> memref<16x128xf32, #tpu.memory_space<vmem_shared>>
        %dma_start3A_34 = arith.constant 0 : i32
        %dma_start3A_35 = tpu.memref_slice %arg11[%add3A_31, %dma_start3A_34] : memref<10240x128xf32, #tpu.memory_space<vmem_shared>> -> memref<16x128xf32, #tpu.memory_space<vmem_shared>>
        tpu.enqueue_dma source(%arg10 : memref<16x128xf32, #tpu.memory_space<vmem>>) target(%dma_start3A_35 : memref<16x128xf32, #tpu.memory_space<vmem_shared>>) target_semaphore(%run_scoped3A : memref<!tpu.dma_semaphore, #tpu.memory_space<semaphore_mem>>)
        %dma_wait3A = arith.constant 0 : i32
        %dma_wait3A_36 = tpu.memref_slice %arg11[%add3A_31, %dma_wait3A] : memref<10240x128xf32, #tpu.memory_space<vmem_shared>> -> memref<16x128xf32, #tpu.memory_space<vmem_shared>>
        %dma_wait3A_37 = arith.constant 0 : i32
        %dma_wait3A_38 = tpu.memref_slice %arg11[%add3A_31, %dma_wait3A_37] : memref<10240x128xf32, #tpu.memory_space<vmem_shared>> -> memref<16x128xf32, #tpu.memory_space<vmem_shared>>
        tpu.wait_dma2 semaphore(%run_scoped3A : memref<!tpu.dma_semaphore, #tpu.memory_space<semaphore_mem>>) src(%arg10 : memref<16x128xf32, #tpu.memory_space<vmem>>) dst(%dma_wait3A_38 : memref<16x128xf32, #tpu.memory_space<vmem_shared>>)
        tpu.yield
      }) : () -> ()
      %scan3A_32 = arith.constant 0 : i32
      scf.yield %scan3A_32 : i32
    }
    %scan3A_14 = arith.constant 40 : i32
    %barrier3A = arith.constant 0 : index
    tpu.barrier barrier_id(%barrier3A)
    %scan3A_15 = arith.constant 0 : i32
    %scan3A_16 = arith.constant 0 : i32
    %scan3A_17 = arith.constant 5 : i32
    %scan3A_18 = arith.addi %scan3A_16, %scan3A_17 : i32
    %scan3A_19 = arith.constant 1 : i32
    %scan3A_20 = scf.for %scan3A_25 = %scan3A_16 to %scan3A_18 step %scan3A_19 iter_args(%scan3A_26 = %scan3A_15) -> (i32)  : i32 {
      "tpu.region"() ({
        %run_scoped3A = tpu.sem_alloc : memref<!tpu.dma_semaphore, #tpu.memory_space<semaphore_mem>>
        %dma_start3A_41 = arith.constant 0 : i32
        %dma_start3A_42 = arith.constant 0 : i32
        %dma_start3A_43 = tpu.memref_slice %arg4[%add3A, %scan3A_25, %dma_start3A_41, %dma_start3A_42] : memref<32x5x20x100xi32, #tpu.memory_space<hbm>> -> memref<1x1x20x100xi32, #tpu.memory_space<hbm>>
        %dma_start3A_44 = tpu.memref_squeeze %dma_start3A_43 : memref<1x1x20x100xi32, #tpu.memory_space<hbm>> -> memref<20x100xi32, #tpu.memory_space<hbm>>
        %dma_start3A_45 = arith.constant 0 : i32
        %dma_start3A_46 = arith.constant 0 : i32
        %dma_start3A_47 = tpu.memref_slice %arg4[%add3A, %scan3A_25, %dma_start3A_45, %dma_start3A_46] : memref<32x5x20x100xi32, #tpu.memory_space<hbm>> -> memref<1x1x20x100xi32, #tpu.memory_space<hbm>>
        %dma_start3A_48 = tpu.memref_squeeze %dma_start3A_47 : memref<1x1x20x100xi32, #tpu.memory_space<hbm>> -> memref<20x100xi32, #tpu.memory_space<hbm>>
        tpu.enqueue_dma source(%dma_start3A_48 : memref<20x100xi32, #tpu.memory_space<hbm>>) target(%arg7 : memref<20x100xi32, #tpu.memory_space<vmem>>) target_semaphore(%run_scoped3A : memref<!tpu.dma_semaphore, #tpu.memory_space<semaphore_mem>>)
        %dma_wait3A = arith.constant 0 : i32
        %dma_wait3A_49 = arith.constant 0 : i32
        %dma_wait3A_50 = tpu.memref_slice %arg4[%add3A, %scan3A_25, %dma_wait3A, %dma_wait3A_49] : memref<32x5x20x100xi32, #tpu.memory_space<hbm>> -> memref<1x1x20x100xi32, #tpu.memory_space<hbm>>
        %dma_wait3A_51 = tpu.memref_squeeze %dma_wait3A_50 : memref<1x1x20x100xi32, #tpu.memory_space<hbm>> -> memref<20x100xi32, #tpu.memory_space<hbm>>
        %dma_wait3A_52 = arith.constant 0 : i32
        %dma_wait3A_53 = arith.constant 0 : i32
        %dma_wait3A_54 = tpu.memref_slice %arg4[%add3A, %scan3A_25, %dma_wait3A_52, %dma_wait3A_53] : memref<32x5x20x100xi32, #tpu.memory_space<hbm>> -> memref<1x1x20x100xi32, #tpu.memory_space<hbm>>
        %dma_wait3A_55 = tpu.memref_squeeze %dma_wait3A_54 : memref<1x1x20x100xi32, #tpu.memory_space<hbm>> -> memref<20x100xi32, #tpu.memory_space<hbm>>
        tpu.wait_dma2 semaphore(%run_scoped3A : memref<!tpu.dma_semaphore, #tpu.memory_space<semaphore_mem>>) src(%dma_wait3A_55 : memref<20x100xi32, #tpu.memory_space<hbm>>) dst(%arg7 : memref<20x100xi32, #tpu.memory_space<vmem>>)
        tpu.yield
      }) : () -> ()
      "tpu.region"() ({
        %run_scoped3A = tpu.sem_alloc : memref<!tpu.dma_semaphore, #tpu.memory_space<semaphore_mem>>
        %dma_start3A_41 = arith.constant 0 : i32
        %dma_start3A_42 = arith.constant 0 : i32
        %dma_start3A_43 = tpu.memref_slice %arg3[%add3A, %scan3A_25, %dma_start3A_41, %dma_start3A_42] : memref<32x5x20x100xi32, #tpu.memory_space<hbm>> -> memref<1x1x20x100xi32, #tpu.memory_space<hbm>>
        %dma_start3A_44 = tpu.memref_squeeze %dma_start3A_43 : memref<1x1x20x100xi32, #tpu.memory_space<hbm>> -> memref<20x100xi32, #tpu.memory_space<hbm>>
        %dma_start3A_45 = arith.constant 0 : i32
        %dma_start3A_46 = arith.constant 0 : i32
        %dma_start3A_47 = tpu.memref_slice %arg3[%add3A, %scan3A_25, %dma_start3A_45, %dma_start3A_46] : memref<32x5x20x100xi32, #tpu.memory_space<hbm>> -> memref<1x1x20x100xi32, #tpu.memory_space<hbm>>
        %dma_start3A_48 = tpu.memref_squeeze %dma_start3A_47 : memref<1x1x20x100xi32, #tpu.memory_space<hbm>> -> memref<20x100xi32, #tpu.memory_space<hbm>>
        tpu.enqueue_dma source(%dma_start3A_48 : memref<20x100xi32, #tpu.memory_space<hbm>>) target(%arg6 : memref<20x100xi32, #tpu.memory_space<vmem>>) target_semaphore(%run_scoped3A : memref<!tpu.dma_semaphore, #tpu.memory_space<semaphore_mem>>)
        %dma_wait3A = arith.constant 0 : i32
        %dma_wait3A_49 = arith.constant 0 : i32
        %dma_wait3A_50 = tpu.memref_slice %arg3[%add3A, %scan3A_25, %dma_wait3A, %dma_wait3A_49] : memref<32x5x20x100xi32, #tpu.memory_space<hbm>> -> memref<1x1x20x100xi32, #tpu.memory_space<hbm>>
        %dma_wait3A_51 = tpu.memref_squeeze %dma_wait3A_50 : memref<1x1x20x100xi32, #tpu.memory_space<hbm>> -> memref<20x100xi32, #tpu.memory_space<hbm>>
        %dma_wait3A_52 = arith.constant 0 : i32
        %dma_wait3A_53 = arith.constant 0 : i32
        %dma_wait3A_54 = tpu.memref_slice %arg3[%add3A, %scan3A_25, %dma_wait3A_52, %dma_wait3A_53] : memref<32x5x20x100xi32, #tpu.memory_space<hbm>> -> memref<1x1x20x100xi32, #tpu.memory_space<hbm>>
        %dma_wait3A_55 = tpu.memref_squeeze %dma_wait3A_54 : memref<1x1x20x100xi32, #tpu.memory_space<hbm>> -> memref<20x100xi32, #tpu.memory_space<hbm>>
        tpu.wait_dma2 semaphore(%run_scoped3A : memref<!tpu.dma_semaphore, #tpu.memory_space<semaphore_mem>>) src(%dma_wait3A_55 : memref<20x100xi32, #tpu.memory_space<hbm>>) dst(%arg6 : memref<20x100xi32, #tpu.memory_space<vmem>>)
        tpu.yield
      }) : () -> ()
      %dma_start3A = arith.constant 0 : i32
      %dma_start3A_27 = arith.constant 0 : i32
      %dma_start3A_28 = tpu.memref_slice %arg6[%dma_start3A, %dma_start3A_27] : memref<20x100xi32, #tpu.memory_space<vmem>> -> memref<1x100xi32, #tpu.memory_space<vmem>>
      %dma_start3A_29 = tpu.memref_squeeze %dma_start3A_28 : memref<1x100xi32, #tpu.memory_space<vmem>> -> memref<100xi32, #tpu.memory_space<vmem>>
      %dma_start3A_30 = arith.constant 0 : i32
      %dma_start3A_31 = arith.constant 0 : i32
      %dma_start3A_32 = tpu.memref_slice %arg2[%dma_start3A_30, %dma_start3A_31] : memref<10000x128xf32, #tpu.memory_space<hbm>> -> memref<10000x128xf32, #tpu.memory_space<hbm>>
      tpu.enqueue_indirect_dma source(%dma_start3A_32 : memref<10000x128xf32, #tpu.memory_space<hbm>>) target(%arg8 : memref<100x128xf32, #tpu.memory_space<vmem>>) offsets(%dma_start3A_29 : memref<100xi32, #tpu.memory_space<vmem>>) semaphore(%arg12 : memref<!tpu.dma_semaphore, #tpu.memory_space<semaphore_mem>>)
      %scan3A_33 = arith.constant 0 : i32
      %scan3A_34 = arith.constant 0 : i32
      %scan3A_35 = arith.constant 10 : i32
      %scan3A_36 = arith.addi %scan3A_34, %scan3A_35 : i32
      %scan3A_37 = arith.constant 1 : i32
      %scan3A_38 = scf.for %scan3A_41 = %scan3A_34 to %scan3A_36 step %scan3A_37 iter_args(%scan3A_42 = %scan3A_33) -> (i32)  : i32 {
        %mul3A_43 = arith.constant 2 : i32
        %mul3A_44 = arith.muli %mul3A_43, %scan3A_41 : i32
        %add3A_45 = arith.constant 1 : i32
        %add3A_46 = arith.addi %mul3A_44, %add3A_45 : i32
        %dma_start3A_47 = arith.constant 0 : i32
        %dma_start3A_48 = tpu.memref_slice %arg6[%add3A_46, %dma_start3A_47] : memref<20x100xi32, #tpu.memory_space<vmem>> -> memref<1x100xi32, #tpu.memory_space<vmem>>
        %dma_start3A_49 = tpu.memref_squeeze %dma_start3A_48 : memref<1x100xi32, #tpu.memory_space<vmem>> -> memref<100xi32, #tpu.memory_space<vmem>>
        %dma_start3A_50 = arith.constant 0 : i32
        %dma_start3A_51 = arith.constant 0 : i32
        %dma_start3A_52 = tpu.memref_slice %arg2[%dma_start3A_50, %dma_start3A_51] : memref<10000x128xf32, #tpu.memory_space<hbm>> -> memref<10000x128xf32, #tpu.memory_space<hbm>>
        tpu.enqueue_indirect_dma source(%dma_start3A_52 : memref<10000x128xf32, #tpu.memory_space<hbm>>) target(%arg9 : memref<100x128xf32, #tpu.memory_space<vmem>>) offsets(%dma_start3A_49 : memref<100xi32, #tpu.memory_space<vmem>>) semaphore(%arg13 : memref<!tpu.dma_semaphore, #tpu.memory_space<semaphore_mem>>)
        %dma_wait3A = arith.constant 0 : i32
        %dma_wait3A_53 = tpu.memref_slice %arg6[%mul3A_44, %dma_wait3A] : memref<20x100xi32, #tpu.memory_space<vmem>> -> memref<1x100xi32, #tpu.memory_space<vmem>>
        %dma_wait3A_54 = tpu.memref_squeeze %dma_wait3A_53 : memref<1x100xi32, #tpu.memory_space<vmem>> -> memref<100xi32, #tpu.memory_space<vmem>>
        %dma_wait3A_55 = arith.constant 0 : i32
        %dma_wait3A_56 = arith.constant 0 : i32
        %dma_wait3A_57 = tpu.memref_slice %arg2[%dma_wait3A_55, %dma_wait3A_56] : memref<10000x128xf32, #tpu.memory_space<hbm>> -> memref<10000x128xf32, #tpu.memory_space<hbm>>
        tpu.wait_indirect_dma semaphore(%arg12 : memref<!tpu.dma_semaphore, #tpu.memory_space<semaphore_mem>>) src(%dma_wait3A_57 : memref<10000x128xf32, #tpu.memory_space<hbm>>) dst(%arg8 : memref<100x128xf32, #tpu.memory_space<vmem>>)
        "tpu.region"() ({
          %run_scoped3A = tpu.sem_alloc : memref<!tpu.dma_semaphore, #tpu.memory_space<semaphore_mem>>
          %dma_start3A_73 = arith.constant 0 : i32
          %dma_start3A_74 = tpu.memref_slice %arg7[%mul3A_44, %dma_start3A_73] : memref<20x100xi32, #tpu.memory_space<vmem>> -> memref<1x100xi32, #tpu.memory_space<vmem>>
          %dma_start3A_75 = tpu.memref_squeeze %dma_start3A_74 : memref<1x100xi32, #tpu.memory_space<vmem>> -> memref<100xi32, #tpu.memory_space<vmem>>
          %dma_start3A_76 = arith.constant 0 : i32
          %dma_start3A_77 = arith.constant 0 : i32
          %dma_start3A_78 = tpu.memref_slice %arg11[%dma_start3A_76, %dma_start3A_77] : memref<10240x128xf32, #tpu.memory_space<vmem_shared>> -> memref<10240x128xf32, #tpu.memory_space<vmem_shared>>
          tpu.enqueue_indirect_dma source(%arg8 : memref<100x128xf32, #tpu.memory_space<vmem>>) target(%dma_start3A_78 : memref<10240x128xf32, #tpu.memory_space<vmem_shared>>) offsets(%dma_start3A_75 : memref<100xi32, #tpu.memory_space<vmem>>) semaphore(%run_scoped3A : memref<!tpu.dma_semaphore, #tpu.memory_space<semaphore_mem>>) {add = true}
          %dma_wait3A_79 = arith.constant 0 : i32
          %dma_wait3A_80 = tpu.memref_slice %arg7[%mul3A_44, %dma_wait3A_79] : memref<20x100xi32, #tpu.memory_space<vmem>> -> memref<1x100xi32, #tpu.memory_space<vmem>>
          %dma_wait3A_81 = tpu.memref_squeeze %dma_wait3A_80 : memref<1x100xi32, #tpu.memory_space<vmem>> -> memref<100xi32, #tpu.memory_space<vmem>>
          %dma_wait3A_82 = arith.constant 0 : i32
          %dma_wait3A_83 = arith.constant 0 : i32
          %dma_wait3A_84 = tpu.memref_slice %arg11[%dma_wait3A_82, %dma_wait3A_83] : memref<10240x128xf32, #tpu.memory_space<vmem_shared>> -> memref<10240x128xf32, #tpu.memory_space<vmem_shared>>
          tpu.wait_indirect_dma semaphore(%run_scoped3A : memref<!tpu.dma_semaphore, #tpu.memory_space<semaphore_mem>>) src(%arg8 : memref<100x128xf32, #tpu.memory_space<vmem>>) dst(%dma_wait3A_84 : memref<10240x128xf32, #tpu.memory_space<vmem_shared>>)
          tpu.yield
        }) : () -> ()
        %add3A_58 = arith.constant 2 : i32
        %add3A_59 = arith.addi %mul3A_44, %add3A_58 : i32
        %lt3A = arith.constant 20 : i32
        %lt3A_60 = arith.cmpi slt, %add3A_59, %lt3A : i32
        %convert_element_type3A = arith.extui %lt3A_60 : i1 to i32
        %cond3A = arith.constant 0 : i32
        %cond3A_61 = arith.cmpi ne, %convert_element_type3A, %cond3A : i32
        scf.if %cond3A_61 {
          %add3A_73 = arith.constant 2 : i32
          %add3A_74 = arith.addi %mul3A_44, %add3A_73 : i32
          %dma_start3A_75 = arith.constant 0 : i32
          %dma_start3A_76 = tpu.memref_slice %arg6[%add3A_74, %dma_start3A_75] : memref<20x100xi32, #tpu.memory_space<vmem>> -> memref<1x100xi32, #tpu.memory_space<vmem>>
          %dma_start3A_77 = tpu.memref_squeeze %dma_start3A_76 : memref<1x100xi32, #tpu.memory_space<vmem>> -> memref<100xi32, #tpu.memory_space<vmem>>
          %dma_start3A_78 = arith.constant 0 : i32
          %dma_start3A_79 = arith.constant 0 : i32
          %dma_start3A_80 = tpu.memref_slice %arg2[%dma_start3A_78, %dma_start3A_79] : memref<10000x128xf32, #tpu.memory_space<hbm>> -> memref<10000x128xf32, #tpu.memory_space<hbm>>
          tpu.enqueue_indirect_dma source(%dma_start3A_80 : memref<10000x128xf32, #tpu.memory_space<hbm>>) target(%arg8 : memref<100x128xf32, #tpu.memory_space<vmem>>) offsets(%dma_start3A_77 : memref<100xi32, #tpu.memory_space<vmem>>) semaphore(%arg12 : memref<!tpu.dma_semaphore, #tpu.memory_space<semaphore_mem>>)
        } else {
        }
        %add3A_62 = arith.constant 1 : i32
        %add3A_63 = arith.addi %mul3A_44, %add3A_62 : i32
        %dma_wait3A_64 = arith.constant 0 : i32
        %dma_wait3A_65 = tpu.memref_slice %arg6[%add3A_63, %dma_wait3A_64] : memref<20x100xi32, #tpu.memory_space<vmem>> -> memref<1x100xi32, #tpu.memory_space<vmem>>
        %dma_wait3A_66 = tpu.memref_squeeze %dma_wait3A_65 : memref<1x100xi32, #tpu.memory_space<vmem>> -> memref<100xi32, #tpu.memory_space<vmem>>
        %dma_wait3A_67 = arith.constant 0 : i32
        %dma_wait3A_68 = arith.constant 0 : i32
        %dma_wait3A_69 = tpu.memref_slice %arg2[%dma_wait3A_67, %dma_wait3A_68] : memref<10000x128xf32, #tpu.memory_space<hbm>> -> memref<10000x128xf32, #tpu.memory_space<hbm>>
        tpu.wait_indirect_dma semaphore(%arg13 : memref<!tpu.dma_semaphore, #tpu.memory_space<semaphore_mem>>) src(%dma_wait3A_69 : memref<10000x128xf32, #tpu.memory_space<hbm>>) dst(%arg9 : memref<100x128xf32, #tpu.memory_space<vmem>>)
        %add3A_70 = arith.constant 1 : i32
        %add3A_71 = arith.addi %mul3A_44, %add3A_70 : i32
        "tpu.region"() ({
          %run_scoped3A = tpu.sem_alloc : memref<!tpu.dma_semaphore, #tpu.memory_space<semaphore_mem>>
          %dma_start3A_73 = arith.constant 0 : i32
          %dma_start3A_74 = tpu.memref_slice %arg7[%add3A_71, %dma_start3A_73] : memref<20x100xi32, #tpu.memory_space<vmem>> -> memref<1x100xi32, #tpu.memory_space<vmem>>
          %dma_start3A_75 = tpu.memref_squeeze %dma_start3A_74 : memref<1x100xi32, #tpu.memory_space<vmem>> -> memref<100xi32, #tpu.memory_space<vmem>>
          %dma_start3A_76 = arith.constant 0 : i32
          %dma_start3A_77 = arith.constant 0 : i32
          %dma_start3A_78 = tpu.memref_slice %arg11[%dma_start3A_76, %dma_start3A_77] : memref<10240x128xf32, #tpu.memory_space<vmem_shared>> -> memref<10240x128xf32, #tpu.memory_space<vmem_shared>>
          tpu.enqueue_indirect_dma source(%arg9 : memref<100x128xf32, #tpu.memory_space<vmem>>) target(%dma_start3A_78 : memref<10240x128xf32, #tpu.memory_space<vmem_shared>>) offsets(%dma_start3A_75 : memref<100xi32, #tpu.memory_space<vmem>>) semaphore(%run_scoped3A : memref<!tpu.dma_semaphore, #tpu.memory_space<semaphore_mem>>) {add = true}
          %dma_wait3A_79 = arith.constant 0 : i32
          %dma_wait3A_80 = tpu.memref_slice %arg7[%add3A_71, %dma_wait3A_79] : memref<20x100xi32, #tpu.memory_space<vmem>> -> memref<1x100xi32, #tpu.memory_space<vmem>>
          %dma_wait3A_81 = tpu.memref_squeeze %dma_wait3A_80 : memref<1x100xi32, #tpu.memory_space<vmem>> -> memref<100xi32, #tpu.memory_space<vmem>>
          %dma_wait3A_82 = arith.constant 0 : i32
          %dma_wait3A_83 = arith.constant 0 : i32
          %dma_wait3A_84 = tpu.memref_slice %arg11[%dma_wait3A_82, %dma_wait3A_83] : memref<10240x128xf32, #tpu.memory_space<vmem_shared>> -> memref<10240x128xf32, #tpu.memory_space<vmem_shared>>
          tpu.wait_indirect_dma semaphore(%run_scoped3A : memref<!tpu.dma_semaphore, #tpu.memory_space<semaphore_mem>>) src(%arg9 : memref<100x128xf32, #tpu.memory_space<vmem>>) dst(%dma_wait3A_84 : memref<10240x128xf32, #tpu.memory_space<vmem_shared>>)
          tpu.yield
        }) : () -> ()
        %scan3A_72 = arith.constant 0 : i32
        scf.yield %scan3A_72 : i32
      }
      %scan3A_39 = arith.constant 10 : i32
      %scan3A_40 = arith.constant 0 : i32
      scf.yield %scan3A_40 : i32
    }
    %scan3A_21 = arith.constant 5 : i32
    %barrier3A_22 = arith.constant 0 : index
    tpu.barrier barrier_id(%barrier3A_22)
    %mul3A_23 = arith.constant 640 : i32
    %mul3A_24 = arith.muli %arg1, %mul3A_23 : i32
    "tpu.region"() ({
      %run_scoped3A = tpu.sem_alloc : memref<!tpu.dma_semaphore, #tpu.memory_space<semaphore_mem>>
      %dma_start3A = arith.constant 0 : i32
      %dma_start3A_25 = tpu.memref_slice %arg5[%arg0, %mul3A_24, %dma_start3A] : memref<2x10240x128xf32, #tpu.memory_space<hbm>> -> memref<1x640x128xf32, #tpu.memory_space<hbm>>
      %dma_start3A_26 = tpu.memref_squeeze %dma_start3A_25 : memref<1x640x128xf32, #tpu.memory_space<hbm>> -> memref<640x128xf32, #tpu.memory_space<hbm>>
      %dma_start3A_27 = arith.constant 0 : i32
      %dma_start3A_28 = tpu.memref_slice %arg11[%mul3A_24, %dma_start3A_27] : memref<10240x128xf32, #tpu.memory_space<vmem_shared>> -> memref<640x128xf32, #tpu.memory_space<vmem_shared>>
      tpu.enqueue_dma source(%dma_start3A_28 : memref<640x128xf32, #tpu.memory_space<vmem_shared>>) target(%dma_start3A_26 : memref<640x128xf32, #tpu.memory_space<hbm>>) target_semaphore(%run_scoped3A : memref<!tpu.dma_semaphore, #tpu.memory_space<semaphore_mem>>)
      %dma_wait3A = arith.constant 0 : i32
      %dma_wait3A_29 = tpu.memref_slice %arg5[%arg0, %mul3A_24, %dma_wait3A] : memref<2x10240x128xf32, #tpu.memory_space<hbm>> -> memref<1x640x128xf32, #tpu.memory_space<hbm>>
      %dma_wait3A_30 = tpu.memref_squeeze %dma_wait3A_29 : memref<1x640x128xf32, #tpu.memory_space<hbm>> -> memref<640x128xf32, #tpu.memory_space<hbm>>
      %dma_wait3A_31 = arith.constant 0 : i32
      %dma_wait3A_32 = tpu.memref_slice %arg11[%mul3A_24, %dma_wait3A_31] : memref<10240x128xf32, #tpu.memory_space<vmem_shared>> -> memref<640x128xf32, #tpu.memory_space<vmem_shared>>
      tpu.wait_dma2 semaphore(%run_scoped3A : memref<!tpu.dma_semaphore, #tpu.memory_space<semaphore_mem>>) src(%dma_wait3A_32 : memref<640x128xf32, #tpu.memory_space<vmem_shared>>) dst(%dma_wait3A_30 : memref<640x128xf32, #tpu.memory_space<hbm>>)
      tpu.yield
    }) : () -> ()
    return
  }
}

#map = affine_map<(d0, d1) -> (0, 0)>
#map1 = affine_map<(d0, d1) -> (0, 0, 0, 0)>
#map2 = affine_map<(d0, d1) -> (0, 0, 0)>
module attributes {stable_mosaic.version = 14 : i64} {
  func.func @body(%arg0: i32, %arg1: i32, %arg2: memref<10000x128xf32, #tpu.memory_space<hbm>>, %arg3: memref<32x5x20x100xi32, #tpu.memory_space<hbm>>, %arg4: memref<32x5x20x100xi32, #tpu.memory_space<hbm>>, %arg5: memref<2x10240x128xf32, #tpu.memory_space<hbm>>, %arg6: memref<20x100xi32, #tpu.memory_space<vmem>>, %arg7: memref<20x100xi32, #tpu.memory_space<vmem>>, %arg8: memref<100x128xf32, #tpu.memory_space<vmem>>, %arg9: memref<100x128xf32, #tpu.memory_space<vmem>>, %arg10: memref<16x128xf32, #tpu.memory_space<vmem>>, %arg11: memref<10240x128xf32, #tpu.memory_space<vmem_shared>>, %arg12: memref<!tpu.dma_semaphore, #tpu.memory_space<semaphore_mem>>, %arg13: memref<!tpu.dma_semaphore, #tpu.memory_space<semaphore_mem>>) attributes {dimension_semantics = [#tpu.dimension_semantics<core_parallel>, #tpu.dimension_semantics<subcore_parallel>], iteration_bounds = array<i64: 2, 16>, scalar_prefetch = 0 : i64, scratch_operands = 8 : i64, tpu.core_type = #tpu.core_type<sc_vector_subcore>, window_params = [{transform_indices = #map}, {transform_indices = #map1}, {transform_indices = #map1}, {transform_indices = #map2}]} {
    %mul3A = arith.constant 2 : i32
    %mul3A_0 = arith.muli %arg1, %mul3A : i32
    %add3A = arith.addi %mul3A_0, %arg0 : i32
    %broadcast_in_dim3A = arith.constant 0.000000e+00 : f32
    %broadcast_in_dim3A_1 = vector.broadcast %broadcast_in_dim3A : f32 to vector<16xf32>
    %scan3A = arith.constant 0 : i32
    %scan3A_2 = arith.constant 0 : i32
    %scan3A_3 = arith.constant 128 : i32
    %scan3A_4 = arith.addi %scan3A_2, %scan3A_3 : i32
    %scan3A_5 = arith.constant 1 : i32
    %scan3A_6 = scf.for %scan3A_34 = %scan3A_2 to %scan3A_4 step %scan3A_5 iter_args(%scan3A_35 = %scan3A) -> (i32)  : i32 {
      %jit3A = arith.constant 8 : i32
      %div3A = arith.divsi %scan3A_34, %jit3A : i32
      %sign3A = arith.constant 0 : i32
      %sign3A_36 = arith.cmpi sgt, %scan3A_34, %sign3A : i32
      %sign3A_37 = arith.extui %sign3A_36 : i1 to i32
      %sign3A_38 = arith.constant 0 : i32
      %sign3A_39 = arith.cmpi slt, %scan3A_34, %sign3A_38 : i32
      %sign3A_40 = arith.extui %sign3A_39 : i1 to i32
      %sign3A_41 = arith.subi %sign3A_37, %sign3A_40 : i32
      %sign3A_42 = arith.constant 0 : i32
      %sign3A_43 = arith.cmpi sgt, %jit3A, %sign3A_42 : i32
      %sign3A_44 = arith.extui %sign3A_43 : i1 to i32
      %sign3A_45 = arith.constant 0 : i32
      %sign3A_46 = arith.cmpi slt, %jit3A, %sign3A_45 : i32
      %sign3A_47 = arith.extui %sign3A_46 : i1 to i32
      %sign3A_48 = arith.subi %sign3A_44, %sign3A_47 : i32
      %ne3A = arith.cmpi ne, %sign3A_41, %sign3A_48 : i32
      %rem3A = arith.remsi %scan3A_34, %jit3A : i32
      %ne3A_49 = arith.constant 0 : i32
      %ne3A_50 = arith.cmpi ne, %rem3A, %ne3A_49 : i32
      %and3A = arith.andi %ne3A, %ne3A_50 : i1
      %sub3A = arith.constant 1 : i32
      %sub3A_51 = arith.subi %div3A, %sub3A : i32
      %select_n3A = arith.select %and3A, %sub3A_51, %div3A : i32
      %jit3A_52 = arith.constant 8 : i32
      %eq3A = arith.constant 0 : i32
      %eq3A_53 = arith.cmpi eq, %jit3A_52, %eq3A : i32
      %jit3A_54 = arith.constant 1 : i32
      %select_n3A_55 = arith.select %eq3A_53, %jit3A_54, %jit3A_52 : i32
      %rem3A_56 = arith.remsi %scan3A_34, %select_n3A_55 : i32
      %ne3A_57 = arith.constant 0 : i32
      %ne3A_58 = arith.cmpi ne, %rem3A_56, %ne3A_57 : i32
      %lt3A = arith.constant 0 : i32
      %lt3A_59 = arith.cmpi slt, %rem3A_56, %lt3A : i32
      %lt3A_60 = arith.constant 0 : i32
      %lt3A_61 = arith.cmpi slt, %select_n3A_55, %lt3A_60 : i32
      %ne3A_62 = arith.xori %lt3A_59, %lt3A_61 : i1
      %and3A_63 = arith.andi %ne3A_62, %ne3A_58 : i1
      %add3A_64 = arith.addi %rem3A_56, %select_n3A_55 : i32
      %select_n3A_65 = arith.select %and3A_63, %add3A_64, %rem3A_56 : i32
      %mul3A_66 = arith.constant 16 : i32
      %mul3A_67 = arith.muli %select_n3A_65, %mul3A_66 : i32
      %swap3A = arith.index_cast %select_n3A : i32 to index
      %swap3A_68 = arith.index_cast %mul3A_67 : i32 to index
      %swap3A_69 = tpu.vector_load %arg10[%swap3A, %swap3A_68] {strides = array<i32>} : memref<16x128xf32, #tpu.memory_space<vmem>>, vector<1x16xf32>,
      %swap3A_70 = vector.shape_cast %swap3A_69 : vector<1x16xf32> to vector<16xf32>
      %swap3A_71 = vector.shape_cast %broadcast_in_dim3A_1 : vector<16xf32> to vector<1x16xf32>
      tpu.vector_store %arg10[%swap3A, %swap3A_68], %swap3A_71 {strides = array<i32>} : memref<16x128xf32, #tpu.memory_space<vmem>>, vector<1x16xf32>,
      %scan3A_72 = arith.constant 0 : i32
      scf.yield %scan3A_72 : i32
    }
    %scan3A_7 = arith.constant 128 : i32
    %broadcast_in_dim3A_8 = arith.constant 1.000000e+00 : f32
    %broadcast_in_dim3A_9 = vector.broadcast %broadcast_in_dim3A_8 : f32 to vector<16xf32>
    %scan3A_10 = arith.constant 0 : i32
    %scan3A_11 = arith.constant 0 : i32
    %scan3A_12 = arith.constant 800 : i32
    %scan3A_13 = arith.addi %scan3A_11, %scan3A_12 : i32
    %scan3A_14 = arith.constant 1 : i32
    %scan3A_15 = scf.for %scan3A_34 = %scan3A_11 to %scan3A_13 step %scan3A_14 iter_args(%scan3A_35 = %scan3A_10) -> (i32)  : i32 {
      %jit3A = arith.constant 8 : i32
      %div3A = arith.divsi %scan3A_34, %jit3A : i32
      %sign3A = arith.constant 0 : i32
      %sign3A_36 = arith.cmpi sgt, %scan3A_34, %sign3A : i32
      %sign3A_37 = arith.extui %sign3A_36 : i1 to i32
      %sign3A_38 = arith.constant 0 : i32
      %sign3A_39 = arith.cmpi slt, %scan3A_34, %sign3A_38 : i32
      %sign3A_40 = arith.extui %sign3A_39 : i1 to i32
      %sign3A_41 = arith.subi %sign3A_37, %sign3A_40 : i32
      %sign3A_42 = arith.constant 0 : i32
      %sign3A_43 = arith.cmpi sgt, %jit3A, %sign3A_42 : i32
      %sign3A_44 = arith.extui %sign3A_43 : i1 to i32
      %sign3A_45 = arith.constant 0 : i32
      %sign3A_46 = arith.cmpi slt, %jit3A, %sign3A_45 : i32
      %sign3A_47 = arith.extui %sign3A_46 : i1 to i32
      %sign3A_48 = arith.subi %sign3A_44, %sign3A_47 : i32
      %ne3A = arith.cmpi ne, %sign3A_41, %sign3A_48 : i32
      %rem3A = arith.remsi %scan3A_34, %jit3A : i32
      %ne3A_49 = arith.constant 0 : i32
      %ne3A_50 = arith.cmpi ne, %rem3A, %ne3A_49 : i32
      %and3A = arith.andi %ne3A, %ne3A_50 : i1
      %sub3A = arith.constant 1 : i32
      %sub3A_51 = arith.subi %div3A, %sub3A : i32
      %select_n3A = arith.select %and3A, %sub3A_51, %div3A : i32
      %jit3A_52 = arith.constant 8 : i32
      %eq3A = arith.constant 0 : i32
      %eq3A_53 = arith.cmpi eq, %jit3A_52, %eq3A : i32
      %jit3A_54 = arith.constant 1 : i32
      %select_n3A_55 = arith.select %eq3A_53, %jit3A_54, %jit3A_52 : i32
      %rem3A_56 = arith.remsi %scan3A_34, %select_n3A_55 : i32
      %ne3A_57 = arith.constant 0 : i32
      %ne3A_58 = arith.cmpi ne, %rem3A_56, %ne3A_57 : i32
      %lt3A = arith.constant 0 : i32
      %lt3A_59 = arith.cmpi slt, %rem3A_56, %lt3A : i32
      %lt3A_60 = arith.constant 0 : i32
      %lt3A_61 = arith.cmpi slt, %select_n3A_55, %lt3A_60 : i32
      %ne3A_62 = arith.xori %lt3A_59, %lt3A_61 : i1
      %and3A_63 = arith.andi %ne3A_62, %ne3A_58 : i1
      %add3A_64 = arith.addi %rem3A_56, %select_n3A_55 : i32
      %select_n3A_65 = arith.select %and3A_63, %add3A_64, %rem3A_56 : i32
      %mul3A_66 = arith.constant 16 : i32
      %mul3A_67 = arith.muli %select_n3A_65, %mul3A_66 : i32
      %swap3A = arith.index_cast %select_n3A : i32 to index
      %swap3A_68 = arith.index_cast %mul3A_67 : i32 to index
      %swap3A_69 = tpu.vector_load %arg8[%swap3A, %swap3A_68] {strides = array<i32>} : memref<100x128xf32, #tpu.memory_space<vmem>>, vector<1x16xf32>,
      %swap3A_70 = vector.shape_cast %swap3A_69 : vector<1x16xf32> to vector<16xf32>
      %swap3A_71 = vector.shape_cast %broadcast_in_dim3A_9 : vector<16xf32> to vector<1x16xf32>
      tpu.vector_store %arg8[%swap3A, %swap3A_68], %swap3A_71 {strides = array<i32>} : memref<100x128xf32, #tpu.memory_space<vmem>>, vector<1x16xf32>,
      %scan3A_72 = arith.constant 0 : i32
      scf.yield %scan3A_72 : i32
    }
    %scan3A_16 = arith.constant 800 : i32
    %scan3A_17 = arith.constant 0 : i32
    %scan3A_18 = arith.constant 0 : i32
    %scan3A_19 = arith.constant 40 : i32
    %scan3A_20 = arith.addi %scan3A_18, %scan3A_19 : i32
    %scan3A_21 = arith.constant 1 : i32
    %scan3A_22 = scf.for %scan3A_34 = %scan3A_18 to %scan3A_20 step %scan3A_21 iter_args(%scan3A_35 = %scan3A_17) -> (i32)  : i32 {
      %mul3A_36 = arith.constant 640 : i32
      %mul3A_37 = arith.muli %arg1, %mul3A_36 : i32
      %mul3A_38 = arith.constant 16 : i32
      %mul3A_39 = arith.muli %scan3A_34, %mul3A_38 : i32
      %add3A_40 = arith.addi %mul3A_37, %mul3A_39 : i32
      "tpu.region"() ({
        %run_scoped3A = tpu.sem_alloc : memref<!tpu.dma_semaphore, #tpu.memory_space<semaphore_mem>>
        %dma_start3A = arith.constant 0 : i32
        %dma_start3A_42 = tpu.memref_slice %arg11[%add3A_40, %dma_start3A] : memref<10240x128xf32, #tpu.memory_space<vmem_shared>> -> memref<16x128xf32, #tpu.memory_space<vmem_shared>>
        %dma_start3A_43 = arith.constant 0 : i32
        %dma_start3A_44 = tpu.memref_slice %arg11[%add3A_40, %dma_start3A_43] : memref<10240x128xf32, #tpu.memory_space<vmem_shared>> -> memref<16x128xf32, #tpu.memory_space<vmem_shared>>
        tpu.enqueue_dma source(%arg10 : memref<16x128xf32, #tpu.memory_space<vmem>>) target(%dma_start3A_44 : memref<16x128xf32, #tpu.memory_space<vmem_shared>>) target_semaphore(%run_scoped3A : memref<!tpu.dma_semaphore, #tpu.memory_space<semaphore_mem>>)
        %dma_wait3A = arith.constant 0 : i32
        %dma_wait3A_45 = tpu.memref_slice %arg11[%add3A_40, %dma_wait3A] : memref<10240x128xf32, #tpu.memory_space<vmem_shared>> -> memref<16x128xf32, #tpu.memory_space<vmem_shared>>
        %dma_wait3A_46 = arith.constant 0 : i32
        %dma_wait3A_47 = tpu.memref_slice %arg11[%add3A_40, %dma_wait3A_46] : memref<10240x128xf32, #tpu.memory_space<vmem_shared>> -> memref<16x128xf32, #tpu.memory_space<vmem_shared>>
        tpu.wait_dma2 semaphore(%run_scoped3A : memref<!tpu.dma_semaphore, #tpu.memory_space<semaphore_mem>>) src(%arg10 : memref<16x128xf32, #tpu.memory_space<vmem>>) dst(%dma_wait3A_47 : memref<16x128xf32, #tpu.memory_space<vmem_shared>>)
        tpu.yield
      }) : () -> ()
      %scan3A_41 = arith.constant 0 : i32
      scf.yield %scan3A_41 : i32
    }
    %scan3A_23 = arith.constant 40 : i32
    %barrier3A = arith.constant 0 : index
    tpu.barrier barrier_id(%barrier3A)
    %scan3A_24 = arith.constant 0 : i32
    %scan3A_25 = arith.constant 0 : i32
    %scan3A_26 = arith.constant 5 : i32
    %scan3A_27 = arith.addi %scan3A_25, %scan3A_26 : i32
    %scan3A_28 = arith.constant 1 : i32
    %scan3A_29 = scf.for %scan3A_34 = %scan3A_25 to %scan3A_27 step %scan3A_28 iter_args(%scan3A_35 = %scan3A_24) -> (i32)  : i32 {
      "tpu.region"() ({
        %run_scoped3A = tpu.sem_alloc : memref<!tpu.dma_semaphore, #tpu.memory_space<semaphore_mem>>
        %dma_start3A = arith.constant 0 : i32
        %dma_start3A_44 = arith.constant 0 : i32
        %dma_start3A_45 = tpu.memref_slice %arg4[%add3A, %scan3A_34, %dma_start3A, %dma_start3A_44] : memref<32x5x20x100xi32, #tpu.memory_space<hbm>> -> memref<1x1x20x100xi32, #tpu.memory_space<hbm>>
        %dma_start3A_46 = tpu.memref_squeeze %dma_start3A_45 : memref<1x1x20x100xi32, #tpu.memory_space<hbm>> -> memref<20x100xi32, #tpu.memory_space<hbm>>
        %dma_start3A_47 = arith.constant 0 : i32
        %dma_start3A_48 = arith.constant 0 : i32
        %dma_start3A_49 = tpu.memref_slice %arg4[%add3A, %scan3A_34, %dma_start3A_47, %dma_start3A_48] : memref<32x5x20x100xi32, #tpu.memory_space<hbm>> -> memref<1x1x20x100xi32, #tpu.memory_space<hbm>>
        %dma_start3A_50 = tpu.memref_squeeze %dma_start3A_49 : memref<1x1x20x100xi32, #tpu.memory_space<hbm>> -> memref<20x100xi32, #tpu.memory_space<hbm>>
        tpu.enqueue_dma source(%dma_start3A_50 : memref<20x100xi32, #tpu.memory_space<hbm>>) target(%arg7 : memref<20x100xi32, #tpu.memory_space<vmem>>) target_semaphore(%run_scoped3A : memref<!tpu.dma_semaphore, #tpu.memory_space<semaphore_mem>>)
        %dma_wait3A = arith.constant 0 : i32
        %dma_wait3A_51 = arith.constant 0 : i32
        %dma_wait3A_52 = tpu.memref_slice %arg4[%add3A, %scan3A_34, %dma_wait3A, %dma_wait3A_51] : memref<32x5x20x100xi32, #tpu.memory_space<hbm>> -> memref<1x1x20x100xi32, #tpu.memory_space<hbm>>
        %dma_wait3A_53 = tpu.memref_squeeze %dma_wait3A_52 : memref<1x1x20x100xi32, #tpu.memory_space<hbm>> -> memref<20x100xi32, #tpu.memory_space<hbm>>
        %dma_wait3A_54 = arith.constant 0 : i32
        %dma_wait3A_55 = arith.constant 0 : i32
        %dma_wait3A_56 = tpu.memref_slice %arg4[%add3A, %scan3A_34, %dma_wait3A_54, %dma_wait3A_55] : memref<32x5x20x100xi32, #tpu.memory_space<hbm>> -> memref<1x1x20x100xi32, #tpu.memory_space<hbm>>
        %dma_wait3A_57 = tpu.memref_squeeze %dma_wait3A_56 : memref<1x1x20x100xi32, #tpu.memory_space<hbm>> -> memref<20x100xi32, #tpu.memory_space<hbm>>
        tpu.wait_dma2 semaphore(%run_scoped3A : memref<!tpu.dma_semaphore, #tpu.memory_space<semaphore_mem>>) src(%dma_wait3A_57 : memref<20x100xi32, #tpu.memory_space<hbm>>) dst(%arg7 : memref<20x100xi32, #tpu.memory_space<vmem>>)
        tpu.yield
      }) : () -> ()
      %scan3A_36 = arith.constant 0 : i32
      %scan3A_37 = arith.constant 0 : i32
      %scan3A_38 = arith.constant 20 : i32
      %scan3A_39 = arith.addi %scan3A_37, %scan3A_38 : i32
      %scan3A_40 = arith.constant 1 : i32
      %scan3A_41 = scf.for %scan3A_44 = %scan3A_37 to %scan3A_39 step %scan3A_40 iter_args(%scan3A_45 = %scan3A_36) -> (i32)  : i32 {
        "tpu.region"() ({
          %run_scoped3A = tpu.sem_alloc : memref<!tpu.dma_semaphore, #tpu.memory_space<semaphore_mem>>
          %dma_start3A = arith.constant 0 : i32
          %dma_start3A_47 = tpu.memref_slice %arg7[%scan3A_44, %dma_start3A] : memref<20x100xi32, #tpu.memory_space<vmem>> -> memref<1x100xi32, #tpu.memory_space<vmem>>
          %dma_start3A_48 = tpu.memref_squeeze %dma_start3A_47 : memref<1x100xi32, #tpu.memory_space<vmem>> -> memref<100xi32, #tpu.memory_space<vmem>>
          %dma_start3A_49 = arith.constant 0 : i32
          %dma_start3A_50 = arith.constant 0 : i32
          %dma_start3A_51 = tpu.memref_slice %arg11[%dma_start3A_49, %dma_start3A_50] : memref<10240x128xf32, #tpu.memory_space<vmem_shared>> -> memref<10240x128xf32, #tpu.memory_space<vmem_shared>>
          tpu.enqueue_indirect_dma source(%arg8 : memref<100x128xf32, #tpu.memory_space<vmem>>) target(%dma_start3A_51 : memref<10240x128xf32, #tpu.memory_space<vmem_shared>>) offsets(%dma_start3A_48 : memref<100xi32, #tpu.memory_space<vmem>>) semaphore(%run_scoped3A : memref<!tpu.dma_semaphore, #tpu.memory_space<semaphore_mem>>) {add = true}
          %dma_wait3A = arith.constant 0 : i32
          %dma_wait3A_52 = tpu.memref_slice %arg7[%scan3A_44, %dma_wait3A] : memref<20x100xi32, #tpu.memory_space<vmem>> -> memref<1x100xi32, #tpu.memory_space<vmem>>
          %dma_wait3A_53 = tpu.memref_squeeze %dma_wait3A_52 : memref<1x100xi32, #tpu.memory_space<vmem>> -> memref<100xi32, #tpu.memory_space<vmem>>
          %dma_wait3A_54 = arith.constant 0 : i32
          %dma_wait3A_55 = arith.constant 0 : i32
          %dma_wait3A_56 = tpu.memref_slice %arg11[%dma_wait3A_54, %dma_wait3A_55] : memref<10240x128xf32, #tpu.memory_space<vmem_shared>> -> memref<10240x128xf32, #tpu.memory_space<vmem_shared>>
          tpu.wait_indirect_dma semaphore(%run_scoped3A : memref<!tpu.dma_semaphore, #tpu.memory_space<semaphore_mem>>) src(%arg8 : memref<100x128xf32, #tpu.memory_space<vmem>>) dst(%dma_wait3A_56 : memref<10240x128xf32, #tpu.memory_space<vmem_shared>>)
          tpu.yield
        }) : () -> ()
        %scan3A_46 = arith.constant 0 : i32
        scf.yield %scan3A_46 : i32
      }
      %scan3A_42 = arith.constant 20 : i32
      %scan3A_43 = arith.constant 0 : i32
      scf.yield %scan3A_43 : i32
    }
    %scan3A_30 = arith.constant 5 : i32
    %barrier3A_31 = arith.constant 0 : index
    tpu.barrier barrier_id(%barrier3A_31)
    %mul3A_32 = arith.constant 640 : i32
    %mul3A_33 = arith.muli %arg1, %mul3A_32 : i32
    "tpu.region"() ({
      %run_scoped3A = tpu.sem_alloc : memref<!tpu.dma_semaphore, #tpu.memory_space<semaphore_mem>>
      %dma_start3A = arith.constant 0 : i32
      %dma_start3A_34 = tpu.memref_slice %arg5[%arg0, %mul3A_33, %dma_start3A] : memref<2x10240x128xf32, #tpu.memory_space<hbm>> -> memref<1x640x128xf32, #tpu.memory_space<hbm>>
      %dma_start3A_35 = tpu.memref_squeeze %dma_start3A_34 : memref<1x640x128xf32, #tpu.memory_space<hbm>> -> memref<640x128xf32, #tpu.memory_space<hbm>>
      %dma_start3A_36 = arith.constant 0 : i32
      %dma_start3A_37 = tpu.memref_slice %arg11[%mul3A_33, %dma_start3A_36] : memref<10240x128xf32, #tpu.memory_space<vmem_shared>> -> memref<640x128xf32, #tpu.memory_space<vmem_shared>>
      tpu.enqueue_dma source(%dma_start3A_37 : memref<640x128xf32, #tpu.memory_space<vmem_shared>>) target(%dma_start3A_35 : memref<640x128xf32, #tpu.memory_space<hbm>>) target_semaphore(%run_scoped3A : memref<!tpu.dma_semaphore, #tpu.memory_space<semaphore_mem>>)
      %dma_wait3A = arith.constant 0 : i32
      %dma_wait3A_38 = tpu.memref_slice %arg5[%arg0, %mul3A_33, %dma_wait3A] : memref<2x10240x128xf32, #tpu.memory_space<hbm>> -> memref<1x640x128xf32, #tpu.memory_space<hbm>>
      %dma_wait3A_39 = tpu.memref_squeeze %dma_wait3A_38 : memref<1x640x128xf32, #tpu.memory_space<hbm>> -> memref<640x128xf32, #tpu.memory_space<hbm>>
      %dma_wait3A_40 = arith.constant 0 : i32
      %dma_wait3A_41 = tpu.memref_slice %arg11[%mul3A_33, %dma_wait3A_40] : memref<10240x128xf32, #tpu.memory_space<vmem_shared>> -> memref<640x128xf32, #tpu.memory_space<vmem_shared>>
      tpu.wait_dma2 semaphore(%run_scoped3A : memref<!tpu.dma_semaphore, #tpu.memory_space<semaphore_mem>>) src(%dma_wait3A_41 : memref<640x128xf32, #tpu.memory_space<vmem_shared>>) dst(%dma_wait3A_39 : memref<640x128xf32, #tpu.memory_space<hbm>>)
      tpu.yield
    }) : () -> ()
    return
  }
}

#map = affine_map<(d0, d1) -> (0, 0)>
#map1 = affine_map<(d0, d1) -> (0, 0, 0, 0)>
#map2 = affine_map<(d0, d1) -> (0, 0, 0)>
module attributes {stable_mosaic.version = 14 : i64} {
  func.func @body(%arg0: i32, %arg1: i32, %arg2: memref<10000x128xf32, #tpu.memory_space<hbm>>, %arg3: memref<32x5x20x100xi32, #tpu.memory_space<hbm>>, %arg4: memref<32x5x20x100xi32, #tpu.memory_space<hbm>>, %arg5: memref<2x10240x128xf32, #tpu.memory_space<hbm>>, %arg6: memref<20x100xi32, #tpu.memory_space<vmem>>, %arg7: memref<20x100xi32, #tpu.memory_space<vmem>>, %arg8: memref<100x128xf32, #tpu.memory_space<vmem>>, %arg9: memref<100x128xf32, #tpu.memory_space<vmem>>, %arg10: memref<16x128xf32, #tpu.memory_space<vmem>>, %arg11: memref<10240x128xf32, #tpu.memory_space<vmem_shared>>, %arg12: memref<!tpu.dma_semaphore, #tpu.memory_space<semaphore_mem>>, %arg13: memref<!tpu.dma_semaphore, #tpu.memory_space<semaphore_mem>>) attributes {dimension_semantics = [#tpu.dimension_semantics<core_parallel>, #tpu.dimension_semantics<subcore_parallel>], iteration_bounds = array<i64: 2, 16>, scalar_prefetch = 0 : i64, scratch_operands = 8 : i64, tpu.core_type = #tpu.core_type<sc_vector_subcore>, window_params = [{transform_indices = #map}, {transform_indices = #map1}, {transform_indices = #map1}, {transform_indices = #map2}]} {
    %mul3A = arith.constant 2 : i32
    %mul3A_0 = arith.muli %arg1, %mul3A : i32
    %add3A = arith.addi %mul3A_0, %arg0 : i32
    %broadcast_in_dim3A = arith.constant 0.000000e+00 : f32
    %broadcast_in_dim3A_1 = vector.broadcast %broadcast_in_dim3A : f32 to vector<16xf32>
    %scan3A = arith.constant 0 : i32
    %scan3A_2 = arith.constant 0 : i32
    %scan3A_3 = arith.constant 128 : i32
    %scan3A_4 = arith.addi %scan3A_2, %scan3A_3 : i32
    %scan3A_5 = arith.constant 1 : i32
    %scan3A_6 = scf.for %scan3A_25 = %scan3A_2 to %scan3A_4 step %scan3A_5 iter_args(%scan3A_26 = %scan3A) -> (i32)  : i32 {
      %jit3A = arith.constant 8 : i32
      %div3A = arith.divsi %scan3A_25, %jit3A : i32
      %sign3A = arith.constant 0 : i32
      %sign3A_27 = arith.cmpi sgt, %scan3A_25, %sign3A : i32
      %sign3A_28 = arith.extui %sign3A_27 : i1 to i32
      %sign3A_29 = arith.constant 0 : i32
      %sign3A_30 = arith.cmpi slt, %scan3A_25, %sign3A_29 : i32
      %sign3A_31 = arith.extui %sign3A_30 : i1 to i32
      %sign3A_32 = arith.subi %sign3A_28, %sign3A_31 : i32
      %sign3A_33 = arith.constant 0 : i32
      %sign3A_34 = arith.cmpi sgt, %jit3A, %sign3A_33 : i32
      %sign3A_35 = arith.extui %sign3A_34 : i1 to i32
      %sign3A_36 = arith.constant 0 : i32
      %sign3A_37 = arith.cmpi slt, %jit3A, %sign3A_36 : i32
      %sign3A_38 = arith.extui %sign3A_37 : i1 to i32
      %sign3A_39 = arith.subi %sign3A_35, %sign3A_38 : i32
      %ne3A = arith.cmpi ne, %sign3A_32, %sign3A_39 : i32
      %rem3A = arith.remsi %scan3A_25, %jit3A : i32
      %ne3A_40 = arith.constant 0 : i32
      %ne3A_41 = arith.cmpi ne, %rem3A, %ne3A_40 : i32
      %and3A = arith.andi %ne3A, %ne3A_41 : i1
      %sub3A = arith.constant 1 : i32
      %sub3A_42 = arith.subi %div3A, %sub3A : i32
      %select_n3A = arith.select %and3A, %sub3A_42, %div3A : i32
      %jit3A_43 = arith.constant 8 : i32
      %eq3A = arith.constant 0 : i32
      %eq3A_44 = arith.cmpi eq, %jit3A_43, %eq3A : i32
      %jit3A_45 = arith.constant 1 : i32
      %select_n3A_46 = arith.select %eq3A_44, %jit3A_45, %jit3A_43 : i32
      %rem3A_47 = arith.remsi %scan3A_25, %select_n3A_46 : i32
      %ne3A_48 = arith.constant 0 : i32
      %ne3A_49 = arith.cmpi ne, %rem3A_47, %ne3A_48 : i32
      %lt3A = arith.constant 0 : i32
      %lt3A_50 = arith.cmpi slt, %rem3A_47, %lt3A : i32
      %lt3A_51 = arith.constant 0 : i32
      %lt3A_52 = arith.cmpi slt, %select_n3A_46, %lt3A_51 : i32
      %ne3A_53 = arith.xori %lt3A_50, %lt3A_52 : i1
      %and3A_54 = arith.andi %ne3A_53, %ne3A_49 : i1
      %add3A_55 = arith.addi %rem3A_47, %select_n3A_46 : i32
      %select_n3A_56 = arith.select %and3A_54, %add3A_55, %rem3A_47 : i32
      %mul3A_57 = arith.constant 16 : i32
      %mul3A_58 = arith.muli %select_n3A_56, %mul3A_57 : i32
      %swap3A = arith.index_cast %select_n3A : i32 to index
      %swap3A_59 = arith.index_cast %mul3A_58 : i32 to index
      %swap3A_60 = tpu.vector_load %arg10[%swap3A, %swap3A_59] {strides = array<i32>} : memref<16x128xf32, #tpu.memory_space<vmem>>, vector<1x16xf32>,
      %swap3A_61 = vector.shape_cast %swap3A_60 : vector<1x16xf32> to vector<16xf32>
      %swap3A_62 = vector.shape_cast %broadcast_in_dim3A_1 : vector<16xf32> to vector<1x16xf32>
      tpu.vector_store %arg10[%swap3A, %swap3A_59], %swap3A_62 {strides = array<i32>} : memref<16x128xf32, #tpu.memory_space<vmem>>, vector<1x16xf32>,
      %scan3A_63 = arith.constant 0 : i32
      scf.yield %scan3A_63 : i32
    }
    %scan3A_7 = arith.constant 128 : i32
    %scan3A_8 = arith.constant 0 : i32
    %scan3A_9 = arith.constant 0 : i32
    %scan3A_10 = arith.constant 40 : i32
    %scan3A_11 = arith.addi %scan3A_9, %scan3A_10 : i32
    %scan3A_12 = arith.constant 1 : i32
    %scan3A_13 = scf.for %scan3A_25 = %scan3A_9 to %scan3A_11 step %scan3A_12 iter_args(%scan3A_26 = %scan3A_8) -> (i32)  : i32 {
      %mul3A_27 = arith.constant 640 : i32
      %mul3A_28 = arith.muli %arg1, %mul3A_27 : i32
      %mul3A_29 = arith.constant 16 : i32
      %mul3A_30 = arith.muli %scan3A_25, %mul3A_29 : i32
      %add3A_31 = arith.addi %mul3A_28, %mul3A_30 : i32
      "tpu.region"() ({
        %run_scoped3A = tpu.sem_alloc : memref<!tpu.dma_semaphore, #tpu.memory_space<semaphore_mem>>
        %dma_start3A = arith.constant 0 : i32
        %dma_start3A_33 = tpu.memref_slice %arg11[%add3A_31, %dma_start3A] : memref<10240x128xf32, #tpu.memory_space<vmem_shared>> -> memref<16x128xf32, #tpu.memory_space<vmem_shared>>
        %dma_start3A_34 = arith.constant 0 : i32
        %dma_start3A_35 = tpu.memref_slice %arg11[%add3A_31, %dma_start3A_34] : memref<10240x128xf32, #tpu.memory_space<vmem_shared>> -> memref<16x128xf32, #tpu.memory_space<vmem_shared>>
        tpu.enqueue_dma source(%arg10 : memref<16x128xf32, #tpu.memory_space<vmem>>) target(%dma_start3A_35 : memref<16x128xf32, #tpu.memory_space<vmem_shared>>) target_semaphore(%run_scoped3A : memref<!tpu.dma_semaphore, #tpu.memory_space<semaphore_mem>>)
        %dma_wait3A = arith.constant 0 : i32
        %dma_wait3A_36 = tpu.memref_slice %arg11[%add3A_31, %dma_wait3A] : memref<10240x128xf32, #tpu.memory_space<vmem_shared>> -> memref<16x128xf32, #tpu.memory_space<vmem_shared>>
        %dma_wait3A_37 = arith.constant 0 : i32
        %dma_wait3A_38 = tpu.memref_slice %arg11[%add3A_31, %dma_wait3A_37] : memref<10240x128xf32, #tpu.memory_space<vmem_shared>> -> memref<16x128xf32, #tpu.memory_space<vmem_shared>>
        tpu.wait_dma2 semaphore(%run_scoped3A : memref<!tpu.dma_semaphore, #tpu.memory_space<semaphore_mem>>) src(%arg10 : memref<16x128xf32, #tpu.memory_space<vmem>>) dst(%dma_wait3A_38 : memref<16x128xf32, #tpu.memory_space<vmem_shared>>)
        tpu.yield
      }) : () -> ()
      %scan3A_32 = arith.constant 0 : i32
      scf.yield %scan3A_32 : i32
    }
    %scan3A_14 = arith.constant 40 : i32
    %barrier3A = arith.constant 0 : index
    tpu.barrier barrier_id(%barrier3A)
    %scan3A_15 = arith.constant 0 : i32
    %scan3A_16 = arith.constant 0 : i32
    %scan3A_17 = arith.constant 5 : i32
    %scan3A_18 = arith.addi %scan3A_16, %scan3A_17 : i32
    %scan3A_19 = arith.constant 1 : i32
    %scan3A_20 = scf.for %scan3A_25 = %scan3A_16 to %scan3A_18 step %scan3A_19 iter_args(%scan3A_26 = %scan3A_15) -> (i32)  : i32 {
      "tpu.region"() ({
        %run_scoped3A = tpu.sem_alloc : memref<!tpu.dma_semaphore, #tpu.memory_space<semaphore_mem>>
        %dma_start3A_41 = arith.constant 0 : i32
        %dma_start3A_42 = arith.constant 0 : i32
        %dma_start3A_43 = tpu.memref_slice %arg4[%add3A, %scan3A_25, %dma_start3A_41, %dma_start3A_42] : memref<32x5x20x100xi32, #tpu.memory_space<hbm>> -> memref<1x1x20x100xi32, #tpu.memory_space<hbm>>
        %dma_start3A_44 = tpu.memref_squeeze %dma_start3A_43 : memref<1x1x20x100xi32, #tpu.memory_space<hbm>> -> memref<20x100xi32, #tpu.memory_space<hbm>>
        %dma_start3A_45 = arith.constant 0 : i32
        %dma_start3A_46 = arith.constant 0 : i32
        %dma_start3A_47 = tpu.memref_slice %arg4[%add3A, %scan3A_25, %dma_start3A_45, %dma_start3A_46] : memref<32x5x20x100xi32, #tpu.memory_space<hbm>> -> memref<1x1x20x100xi32, #tpu.memory_space<hbm>>
        %dma_start3A_48 = tpu.memref_squeeze %dma_start3A_47 : memref<1x1x20x100xi32, #tpu.memory_space<hbm>> -> memref<20x100xi32, #tpu.memory_space<hbm>>
        tpu.enqueue_dma source(%dma_start3A_48 : memref<20x100xi32, #tpu.memory_space<hbm>>) target(%arg7 : memref<20x100xi32, #tpu.memory_space<vmem>>) target_semaphore(%run_scoped3A : memref<!tpu.dma_semaphore, #tpu.memory_space<semaphore_mem>>)
        %dma_wait3A = arith.constant 0 : i32
        %dma_wait3A_49 = arith.constant 0 : i32
        %dma_wait3A_50 = tpu.memref_slice %arg4[%add3A, %scan3A_25, %dma_wait3A, %dma_wait3A_49] : memref<32x5x20x100xi32, #tpu.memory_space<hbm>> -> memref<1x1x20x100xi32, #tpu.memory_space<hbm>>
        %dma_wait3A_51 = tpu.memref_squeeze %dma_wait3A_50 : memref<1x1x20x100xi32, #tpu.memory_space<hbm>> -> memref<20x100xi32, #tpu.memory_space<hbm>>
        %dma_wait3A_52 = arith.constant 0 : i32
        %dma_wait3A_53 = arith.constant 0 : i32
        %dma_wait3A_54 = tpu.memref_slice %arg4[%add3A, %scan3A_25, %dma_wait3A_52, %dma_wait3A_53] : memref<32x5x20x100xi32, #tpu.memory_space<hbm>> -> memref<1x1x20x100xi32, #tpu.memory_space<hbm>>
        %dma_wait3A_55 = tpu.memref_squeeze %dma_wait3A_54 : memref<1x1x20x100xi32, #tpu.memory_space<hbm>> -> memref<20x100xi32, #tpu.memory_space<hbm>>
        tpu.wait_dma2 semaphore(%run_scoped3A : memref<!tpu.dma_semaphore, #tpu.memory_space<semaphore_mem>>) src(%dma_wait3A_55 : memref<20x100xi32, #tpu.memory_space<hbm>>) dst(%arg7 : memref<20x100xi32, #tpu.memory_space<vmem>>)
        tpu.yield
      }) : () -> ()
      "tpu.region"() ({
        %run_scoped3A = tpu.sem_alloc : memref<!tpu.dma_semaphore, #tpu.memory_space<semaphore_mem>>
        %dma_start3A_41 = arith.constant 0 : i32
        %dma_start3A_42 = arith.constant 0 : i32
        %dma_start3A_43 = tpu.memref_slice %arg3[%add3A, %scan3A_25, %dma_start3A_41, %dma_start3A_42] : memref<32x5x20x100xi32, #tpu.memory_space<hbm>> -> memref<1x1x20x100xi32, #tpu.memory_space<hbm>>
        %dma_start3A_44 = tpu.memref_squeeze %dma_start3A_43 : memref<1x1x20x100xi32, #tpu.memory_space<hbm>> -> memref<20x100xi32, #tpu.memory_space<hbm>>
        %dma_start3A_45 = arith.constant 0 : i32
        %dma_start3A_46 = arith.constant 0 : i32
        %dma_start3A_47 = tpu.memref_slice %arg3[%add3A, %scan3A_25, %dma_start3A_45, %dma_start3A_46] : memref<32x5x20x100xi32, #tpu.memory_space<hbm>> -> memref<1x1x20x100xi32, #tpu.memory_space<hbm>>
        %dma_start3A_48 = tpu.memref_squeeze %dma_start3A_47 : memref<1x1x20x100xi32, #tpu.memory_space<hbm>> -> memref<20x100xi32, #tpu.memory_space<hbm>>
        tpu.enqueue_dma source(%dma_start3A_48 : memref<20x100xi32, #tpu.memory_space<hbm>>) target(%arg6 : memref<20x100xi32, #tpu.memory_space<vmem>>) target_semaphore(%run_scoped3A : memref<!tpu.dma_semaphore, #tpu.memory_space<semaphore_mem>>)
        %dma_wait3A = arith.constant 0 : i32
        %dma_wait3A_49 = arith.constant 0 : i32
        %dma_wait3A_50 = tpu.memref_slice %arg3[%add3A, %scan3A_25, %dma_wait3A, %dma_wait3A_49] : memref<32x5x20x100xi32, #tpu.memory_space<hbm>> -> memref<1x1x20x100xi32, #tpu.memory_space<hbm>>
        %dma_wait3A_51 = tpu.memref_squeeze %dma_wait3A_50 : memref<1x1x20x100xi32, #tpu.memory_space<hbm>> -> memref<20x100xi32, #tpu.memory_space<hbm>>
        %dma_wait3A_52 = arith.constant 0 : i32
        %dma_wait3A_53 = arith.constant 0 : i32
        %dma_wait3A_54 = tpu.memref_slice %arg3[%add3A, %scan3A_25, %dma_wait3A_52, %dma_wait3A_53] : memref<32x5x20x100xi32, #tpu.memory_space<hbm>> -> memref<1x1x20x100xi32, #tpu.memory_space<hbm>>
        %dma_wait3A_55 = tpu.memref_squeeze %dma_wait3A_54 : memref<1x1x20x100xi32, #tpu.memory_space<hbm>> -> memref<20x100xi32, #tpu.memory_space<hbm>>
        tpu.wait_dma2 semaphore(%run_scoped3A : memref<!tpu.dma_semaphore, #tpu.memory_space<semaphore_mem>>) src(%dma_wait3A_55 : memref<20x100xi32, #tpu.memory_space<hbm>>) dst(%arg6 : memref<20x100xi32, #tpu.memory_space<vmem>>)
        tpu.yield
      }) : () -> ()
      %dma_start3A = arith.constant 0 : i32
      %dma_start3A_27 = arith.constant 0 : i32
      %dma_start3A_28 = tpu.memref_slice %arg6[%dma_start3A, %dma_start3A_27] : memref<20x100xi32, #tpu.memory_space<vmem>> -> memref<1x100xi32, #tpu.memory_space<vmem>>
      %dma_start3A_29 = tpu.memref_squeeze %dma_start3A_28 : memref<1x100xi32, #tpu.memory_space<vmem>> -> memref<100xi32, #tpu.memory_space<vmem>>
      %dma_start3A_30 = arith.constant 0 : i32
      %dma_start3A_31 = arith.constant 0 : i32
      %dma_start3A_32 = tpu.memref_slice %arg2[%dma_start3A_30, %dma_start3A_31] : memref<10000x128xf32, #tpu.memory_space<hbm>> -> memref<10000x128xf32, #tpu.memory_space<hbm>>
      tpu.enqueue_indirect_dma source(%dma_start3A_32 : memref<10000x128xf32, #tpu.memory_space<hbm>>) target(%arg8 : memref<100x128xf32, #tpu.memory_space<vmem>>) offsets(%dma_start3A_29 : memref<100xi32, #tpu.memory_space<vmem>>) semaphore(%arg12 : memref<!tpu.dma_semaphore, #tpu.memory_space<semaphore_mem>>)
      %scan3A_33 = arith.constant 0 : i32
      %scan3A_34 = arith.constant 0 : i32
      %scan3A_35 = arith.constant 10 : i32
      %scan3A_36 = arith.addi %scan3A_34, %scan3A_35 : i32
      %scan3A_37 = arith.constant 1 : i32
      %scan3A_38 = scf.for %scan3A_41 = %scan3A_34 to %scan3A_36 step %scan3A_37 iter_args(%scan3A_42 = %scan3A_33) -> (i32)  : i32 {
        %mul3A_43 = arith.constant 2 : i32
        %mul3A_44 = arith.muli %mul3A_43, %scan3A_41 : i32
        %add3A_45 = arith.constant 1 : i32
        %add3A_46 = arith.addi %mul3A_44, %add3A_45 : i32
        %dma_start3A_47 = arith.constant 0 : i32
        %dma_start3A_48 = tpu.memref_slice %arg6[%add3A_46, %dma_start3A_47] : memref<20x100xi32, #tpu.memory_space<vmem>> -> memref<1x100xi32, #tpu.memory_space<vmem>>
        %dma_start3A_49 = tpu.memref_squeeze %dma_start3A_48 : memref<1x100xi32, #tpu.memory_space<vmem>> -> memref<100xi32, #tpu.memory_space<vmem>>
        %dma_start3A_50 = arith.constant 0 : i32
        %dma_start3A_51 = arith.constant 0 : i32
        %dma_start3A_52 = tpu.memref_slice %arg2[%dma_start3A_50, %dma_start3A_51] : memref<10000x128xf32, #tpu.memory_space<hbm>> -> memref<10000x128xf32, #tpu.memory_space<hbm>>
        tpu.enqueue_indirect_dma source(%dma_start3A_52 : memref<10000x128xf32, #tpu.memory_space<hbm>>) target(%arg9 : memref<100x128xf32, #tpu.memory_space<vmem>>) offsets(%dma_start3A_49 : memref<100xi32, #tpu.memory_space<vmem>>) semaphore(%arg13 : memref<!tpu.dma_semaphore, #tpu.memory_space<semaphore_mem>>)
        %dma_wait3A = arith.constant 0 : i32
        %dma_wait3A_53 = tpu.memref_slice %arg6[%mul3A_44, %dma_wait3A] : memref<20x100xi32, #tpu.memory_space<vmem>> -> memref<1x100xi32, #tpu.memory_space<vmem>>
        %dma_wait3A_54 = tpu.memref_squeeze %dma_wait3A_53 : memref<1x100xi32, #tpu.memory_space<vmem>> -> memref<100xi32, #tpu.memory_space<vmem>>
        %dma_wait3A_55 = arith.constant 0 : i32
        %dma_wait3A_56 = arith.constant 0 : i32
        %dma_wait3A_57 = tpu.memref_slice %arg2[%dma_wait3A_55, %dma_wait3A_56] : memref<10000x128xf32, #tpu.memory_space<hbm>> -> memref<10000x128xf32, #tpu.memory_space<hbm>>
        tpu.wait_indirect_dma semaphore(%arg12 : memref<!tpu.dma_semaphore, #tpu.memory_space<semaphore_mem>>) src(%dma_wait3A_57 : memref<10000x128xf32, #tpu.memory_space<hbm>>) dst(%arg8 : memref<100x128xf32, #tpu.memory_space<vmem>>)
        "tpu.region"() ({
          %run_scoped3A = tpu.sem_alloc : memref<!tpu.dma_semaphore, #tpu.memory_space<semaphore_mem>>
          %dma_start3A_73 = arith.constant 0 : i32
          %dma_start3A_74 = tpu.memref_slice %arg7[%mul3A_44, %dma_start3A_73] : memref<20x100xi32, #tpu.memory_space<vmem>> -> memref<1x100xi32, #tpu.memory_space<vmem>>
          %dma_start3A_75 = tpu.memref_squeeze %dma_start3A_74 : memref<1x100xi32, #tpu.memory_space<vmem>> -> memref<100xi32, #tpu.memory_space<vmem>>
          %dma_start3A_76 = arith.constant 0 : i32
          %dma_start3A_77 = arith.constant 0 : i32
          %dma_start3A_78 = tpu.memref_slice %arg11[%dma_start3A_76, %dma_start3A_77] : memref<10240x128xf32, #tpu.memory_space<vmem_shared>> -> memref<10240x128xf32, #tpu.memory_space<vmem_shared>>
          tpu.enqueue_indirect_dma source(%arg8 : memref<100x128xf32, #tpu.memory_space<vmem>>) target(%dma_start3A_78 : memref<10240x128xf32, #tpu.memory_space<vmem_shared>>) offsets(%dma_start3A_75 : memref<100xi32, #tpu.memory_space<vmem>>) semaphore(%run_scoped3A : memref<!tpu.dma_semaphore, #tpu.memory_space<semaphore_mem>>) {add = true}
          %dma_wait3A_79 = arith.constant 0 : i32
          %dma_wait3A_80 = tpu.memref_slice %arg7[%mul3A_44, %dma_wait3A_79] : memref<20x100xi32, #tpu.memory_space<vmem>> -> memref<1x100xi32, #tpu.memory_space<vmem>>
          %dma_wait3A_81 = tpu.memref_squeeze %dma_wait3A_80 : memref<1x100xi32, #tpu.memory_space<vmem>> -> memref<100xi32, #tpu.memory_space<vmem>>
          %dma_wait3A_82 = arith.constant 0 : i32
          %dma_wait3A_83 = arith.constant 0 : i32
          %dma_wait3A_84 = tpu.memref_slice %arg11[%dma_wait3A_82, %dma_wait3A_83] : memref<10240x128xf32, #tpu.memory_space<vmem_shared>> -> memref<10240x128xf32, #tpu.memory_space<vmem_shared>>
          tpu.wait_indirect_dma semaphore(%run_scoped3A : memref<!tpu.dma_semaphore, #tpu.memory_space<semaphore_mem>>) src(%arg8 : memref<100x128xf32, #tpu.memory_space<vmem>>) dst(%dma_wait3A_84 : memref<10240x128xf32, #tpu.memory_space<vmem_shared>>)
          tpu.yield
        }) : () -> ()
        %add3A_58 = arith.constant 2 : i32
        %add3A_59 = arith.addi %mul3A_44, %add3A_58 : i32
        %lt3A = arith.constant 20 : i32
        %lt3A_60 = arith.cmpi slt, %add3A_59, %lt3A : i32
        %convert_element_type3A = arith.extui %lt3A_60 : i1 to i32
        %cond3A = arith.constant 0 : i32
        %cond3A_61 = arith.cmpi ne, %convert_element_type3A, %cond3A : i32
        scf.if %cond3A_61 {
          %add3A_73 = arith.constant 2 : i32
          %add3A_74 = arith.addi %mul3A_44, %add3A_73 : i32
          %dma_start3A_75 = arith.constant 0 : i32
          %dma_start3A_76 = tpu.memref_slice %arg6[%add3A_74, %dma_start3A_75] : memref<20x100xi32, #tpu.memory_space<vmem>> -> memref<1x100xi32, #tpu.memory_space<vmem>>
          %dma_start3A_77 = tpu.memref_squeeze %dma_start3A_76 : memref<1x100xi32, #tpu.memory_space<vmem>> -> memref<100xi32, #tpu.memory_space<vmem>>
          %dma_start3A_78 = arith.constant 0 : i32
          %dma_start3A_79 = arith.constant 0 : i32
          %dma_start3A_80 = tpu.memref_slice %arg2[%dma_start3A_78, %dma_start3A_79] : memref<10000x128xf32, #tpu.memory_space<hbm>> -> memref<10000x128xf32, #tpu.memory_space<hbm>>
          tpu.enqueue_indirect_dma source(%dma_start3A_80 : memref<10000x128xf32, #tpu.memory_space<hbm>>) target(%arg8 : memref<100x128xf32, #tpu.memory_space<vmem>>) offsets(%dma_start3A_77 : memref<100xi32, #tpu.memory_space<vmem>>) semaphore(%arg12 : memref<!tpu.dma_semaphore, #tpu.memory_space<semaphore_mem>>)
        } else {
        }
        %add3A_62 = arith.constant 1 : i32
        %add3A_63 = arith.addi %mul3A_44, %add3A_62 : i32
        %dma_wait3A_64 = arith.constant 0 : i32
        %dma_wait3A_65 = tpu.memref_slice %arg6[%add3A_63, %dma_wait3A_64] : memref<20x100xi32, #tpu.memory_space<vmem>> -> memref<1x100xi32, #tpu.memory_space<vmem>>
        %dma_wait3A_66 = tpu.memref_squeeze %dma_wait3A_65 : memref<1x100xi32, #tpu.memory_space<vmem>> -> memref<100xi32, #tpu.memory_space<vmem>>
        %dma_wait3A_67 = arith.constant 0 : i32
        %dma_wait3A_68 = arith.constant 0 : i32
        %dma_wait3A_69 = tpu.memref_slice %arg2[%dma_wait3A_67, %dma_wait3A_68] : memref<10000x128xf32, #tpu.memory_space<hbm>> -> memref<10000x128xf32, #tpu.memory_space<hbm>>
        tpu.wait_indirect_dma semaphore(%arg13 : memref<!tpu.dma_semaphore, #tpu.memory_space<semaphore_mem>>) src(%dma_wait3A_69 : memref<10000x128xf32, #tpu.memory_space<hbm>>) dst(%arg9 : memref<100x128xf32, #tpu.memory_space<vmem>>)
        %add3A_70 = arith.constant 1 : i32
        %add3A_71 = arith.addi %mul3A_44, %add3A_70 : i32
        "tpu.region"() ({
          %run_scoped3A = tpu.sem_alloc : memref<!tpu.dma_semaphore, #tpu.memory_space<semaphore_mem>>
          %dma_start3A_73 = arith.constant 0 : i32
          %dma_start3A_74 = tpu.memref_slice %arg7[%add3A_71, %dma_start3A_73] : memref<20x100xi32, #tpu.memory_space<vmem>> -> memref<1x100xi32, #tpu.memory_space<vmem>>
          %dma_start3A_75 = tpu.memref_squeeze %dma_start3A_74 : memref<1x100xi32, #tpu.memory_space<vmem>> -> memref<100xi32, #tpu.memory_space<vmem>>
          %dma_start3A_76 = arith.constant 0 : i32
          %dma_start3A_77 = arith.constant 0 : i32
          %dma_start3A_78 = tpu.memref_slice %arg11[%dma_start3A_76, %dma_start3A_77] : memref<10240x128xf32, #tpu.memory_space<vmem_shared>> -> memref<10240x128xf32, #tpu.memory_space<vmem_shared>>
          tpu.enqueue_indirect_dma source(%arg9 : memref<100x128xf32, #tpu.memory_space<vmem>>) target(%dma_start3A_78 : memref<10240x128xf32, #tpu.memory_space<vmem_shared>>) offsets(%dma_start3A_75 : memref<100xi32, #tpu.memory_space<vmem>>) semaphore(%run_scoped3A : memref<!tpu.dma_semaphore, #tpu.memory_space<semaphore_mem>>) {add = true}
          %dma_wait3A_79 = arith.constant 0 : i32
          %dma_wait3A_80 = tpu.memref_slice %arg7[%add3A_71, %dma_wait3A_79] : memref<20x100xi32, #tpu.memory_space<vmem>> -> memref<1x100xi32, #tpu.memory_space<vmem>>
          %dma_wait3A_81 = tpu.memref_squeeze %dma_wait3A_80 : memref<1x100xi32, #tpu.memory_space<vmem>> -> memref<100xi32, #tpu.memory_space<vmem>>
          %dma_wait3A_82 = arith.constant 0 : i32
          %dma_wait3A_83 = arith.constant 0 : i32
          %dma_wait3A_84 = tpu.memref_slice %arg11[%dma_wait3A_82, %dma_wait3A_83] : memref<10240x128xf32, #tpu.memory_space<vmem_shared>> -> memref<10240x128xf32, #tpu.memory_space<vmem_shared>>
          tpu.wait_indirect_dma semaphore(%run_scoped3A : memref<!tpu.dma_semaphore, #tpu.memory_space<semaphore_mem>>) src(%arg9 : memref<100x128xf32, #tpu.memory_space<vmem>>) dst(%dma_wait3A_84 : memref<10240x128xf32, #tpu.memory_space<vmem_shared>>)
          tpu.yield
        }) : () -> ()
        %scan3A_72 = arith.constant 0 : i32
        scf.yield %scan3A_72 : i32
      }
      %scan3A_39 = arith.constant 10 : i32
      %scan3A_40 = arith.constant 0 : i32
      scf.yield %scan3A_40 : i32
    }
    %scan3A_21 = arith.constant 5 : i32
    %barrier3A_22 = arith.constant 0 : index
    tpu.barrier barrier_id(%barrier3A_22)
    %mul3A_23 = arith.constant 640 : i32
    %mul3A_24 = arith.muli %arg1, %mul3A_23 : i32
    "tpu.region"() ({
      %run_scoped3A = tpu.sem_alloc : memref<!tpu.dma_semaphore, #tpu.memory_space<semaphore_mem>>
      %dma_start3A = arith.constant 0 : i32
      %dma_start3A_25 = tpu.memref_slice %arg5[%arg0, %mul3A_24, %dma_start3A] : memref<2x10240x128xf32, #tpu.memory_space<hbm>> -> memref<1x640x128xf32, #tpu.memory_space<hbm>>
      %dma_start3A_26 = tpu.memref_squeeze %dma_start3A_25 : memref<1x640x128xf32, #tpu.memory_space<hbm>> -> memref<640x128xf32, #tpu.memory_space<hbm>>
      %dma_start3A_27 = arith.constant 0 : i32
      %dma_start3A_28 = tpu.memref_slice %arg11[%mul3A_24, %dma_start3A_27] : memref<10240x128xf32, #tpu.memory_space<vmem_shared>> -> memref<640x128xf32, #tpu.memory_space<vmem_shared>>
      tpu.enqueue_dma source(%dma_start3A_28 : memref<640x128xf32, #tpu.memory_space<vmem_shared>>) target(%dma_start3A_26 : memref<640x128xf32, #tpu.memory_space<hbm>>) target_semaphore(%run_scoped3A : memref<!tpu.dma_semaphore, #tpu.memory_space<semaphore_mem>>)
      %dma_wait3A = arith.constant 0 : i32
      %dma_wait3A_29 = tpu.memref_slice %arg5[%arg0, %mul3A_24, %dma_wait3A] : memref<2x10240x128xf32, #tpu.memory_space<hbm>> -> memref<1x640x128xf32, #tpu.memory_space<hbm>>
      %dma_wait3A_30 = tpu.memref_squeeze %dma_wait3A_29 : memref<1x640x128xf32, #tpu.memory_space<hbm>> -> memref<640x128xf32, #tpu.memory_space<hbm>>
      %dma_wait3A_31 = arith.constant 0 : i32
      %dma_wait3A_32 = tpu.memref_slice %arg11[%mul3A_24, %dma_wait3A_31] : memref<10240x128xf32, #tpu.memory_space<vmem_shared>> -> memref<640x128xf32, #tpu.memory_space<vmem_shared>>
      tpu.wait_dma2 semaphore(%run_scoped3A : memref<!tpu.dma_semaphore, #tpu.memory_space<semaphore_mem>>) src(%dma_wait3A_32 : memref<640x128xf32, #tpu.memory_space<vmem_shared>>) dst(%dma_wait3A_30 : memref<640x128xf32, #tpu.memory_space<hbm>>)
      tpu.yield
    }) : () -> ()
    return
  }
}

module attributes {stable_mosaic.version = 14 : i64} {
  func.func @_tc2_body(%arg0: i32, %arg1: memref<2x2000x128xf32, #tpu.memory_space<vmem>>, %arg2: memref<2x2000x128xf32, #tpu.memory_space<vmem>>, %arg3: memref<2000x64xf32, #tpu.memory_space<vmem>>, %arg4: memref<64x128xf32, #tpu.memory_space<vmem>>, %arg5: memref<2000x64xf32, #tpu.memory_space<vmem>>) attributes {dimension_semantics = [#tpu.dimension_semantics<arbitrary>], iteration_bounds = array<i64: 5>, scalar_prefetch = 0 : i64, scratch_operands = 0 : i64, tpu.core_type = #tpu.core_type<tc>, window_params = [{transform_indices = @transform_0, window_bounds = array<i64: 2, 2000, 128>}, {transform_indices = @transform_1, window_bounds = array<i64: 2, 2000, 128>}, {transform_indices = @transform_2, window_bounds = array<i64: 2000, 64>}, {pipeline_mode = #tpu.pipeline_mode<synchronous>, transform_indices = @transform_3, window_bounds = array<i64: 64, 128>}, {transform_indices = @transform_4, window_bounds = array<i64: 2000, 64>}]} {
    %get3A = arith.constant 0 : index
    %get3A_0 = arith.constant 0 : index
    %get3A_1 = arith.constant 0 : index
    %get3A_2 = vector.load %arg2[%get3A, %get3A_0, %get3A_1] : memref<2x2000x128xf32, #tpu.memory_space<vmem>>, vector<1x2000x128xf32>
    %get3A_3 = vector.shape_cast %get3A_2 : vector<1x2000x128xf32> to vector<2000x128xf32>
    %slice3A = vector.extract_strided_slice %get3A_3 {offsets = [0, 0], sizes = [2000, 1], strides = [1, 1]} : vector<2000x128xf32> to vector<2000x1xf32>
    %get3A_4 = arith.constant 1 : index
    %get3A_5 = arith.constant 0 : index
    %get3A_6 = arith.constant 0 : index
    %get3A_7 = vector.load %arg2[%get3A_4, %get3A_5, %get3A_6] : memref<2x2000x128xf32, #tpu.memory_space<vmem>>, vector<1x2000x128xf32>
    %get3A_8 = vector.shape_cast %get3A_7 : vector<1x2000x128xf32> to vector<2000x128xf32>
    %slice3A_9 = vector.extract_strided_slice %get3A_8 {offsets = [0, 0], sizes = [2000, 1], strides = [1, 1]} : vector<2000x128xf32> to vector<2000x1xf32>
    %add3A = arith.addf %slice3A, %slice3A_9 : vector<2000x1xf32>
    %max3A = arith.constant 1.000000e+00 : f32
    %max3A_10 = vector.broadcast %max3A : f32 to vector<2000x1xf32>
    %max3A_11 = arith.maximumf %add3A, %max3A_10 : vector<2000x1xf32>
    %div3A = arith.constant 1.000000e+00 : f32
    %div3A_12 = vector.broadcast %div3A : f32 to vector<2000x1xf32>
    %div3A_13 = arith.divf %div3A_12, %max3A_11 : vector<2000x1xf32>
    %get3A_14 = arith.constant 0 : index
    %get3A_15 = arith.constant 0 : index
    %get3A_16 = arith.constant 0 : index
    %get3A_17 = vector.load %arg1[%get3A_14, %get3A_15, %get3A_16] : memref<2x2000x128xf32, #tpu.memory_space<vmem>>, vector<1x2000x128xf32>
    %get3A_18 = vector.shape_cast %get3A_17 : vector<1x2000x128xf32> to vector<2000x128xf32>
    %get3A_19 = arith.constant 1 : index
    %get3A_20 = arith.constant 0 : index
    %get3A_21 = arith.constant 0 : index
    %get3A_22 = vector.load %arg1[%get3A_19, %get3A_20, %get3A_21] : memref<2x2000x128xf32, #tpu.memory_space<vmem>>, vector<1x2000x128xf32>
    %get3A_23 = vector.shape_cast %get3A_22 : vector<1x2000x128xf32> to vector<2000x128xf32>
    %add3A_24 = arith.addf %get3A_18, %get3A_23 : vector<2000x128xf32>
    %mul3A = vector.broadcast %div3A_13 : vector<2000x1xf32> to vector<2000x128xf32>
    %mul3A_25 = arith.mulf %add3A_24, %mul3A : vector<2000x128xf32>
    %get3A_26 = arith.constant 0 : index
    %get3A_27 = arith.constant 0 : index
    %get3A_28 = vector.load %arg4[%get3A_26, %get3A_27] : memref<64x128xf32, #tpu.memory_space<vmem>>, vector<64x128xf32>
    %dot_general3A = arith.constant dense<0.000000e+00> : vector<2000x64xf32>
    %dot_general3A_29 = tpu.matmul %mul3A_25, %get3A_28, %dot_general3A {dimension_numbers = #tpu.dot_dimension_numbers<[1], [1], [0], [0], [0, 0, 1, 0], [], []>, transpose_lhs_hint = false} : vector<2000x128xf32>, vector<64x128xf32>, vector<2000x64xf32> -> vector<2000x64xf32>
    %get3A_30 = arith.constant 0 : index
    %get3A_31 = arith.constant 0 : index
    %get3A_32 = vector.load %arg3[%get3A_30, %get3A_31] : memref<2000x64xf32, #tpu.memory_space<vmem>>, vector<2000x64xf32>
    %add3A_33 = arith.addf %dot_general3A_29, %get3A_32 : vector<2000x64xf32>
    %reduce_max3A = arith.constant dense<0xFF800000> : vector<2000xf32>
    %reduce_max3A_34 = vector.multi_reduction <maximumf>, %add3A_33, %reduce_max3A [1] : vector<2000x64xf32> to vector<2000xf32>
    %broadcast_in_dim3A = vector.shape_cast %reduce_max3A_34 : vector<2000xf32> to vector<2000x1xf32>
    %sub3A = vector.broadcast %broadcast_in_dim3A : vector<2000x1xf32> to vector<2000x64xf32>
    %sub3A_35 = arith.subf %add3A_33, %sub3A : vector<2000x64xf32>
    %exp3A = math.exp %sub3A_35 : vector<2000x64xf32>
    %reduce_sum3A = arith.constant dense<0.000000e+00> : vector<2000xf32>
    %reduce_sum3A_36 = vector.multi_reduction <add>, %exp3A, %reduce_sum3A [1] : vector<2000x64xf32> to vector<2000xf32>
    %broadcast_in_dim3A_37 = vector.shape_cast %reduce_sum3A_36 : vector<2000xf32> to vector<2000x1xf32>
    %log3A = math.log %broadcast_in_dim3A_37 : vector<2000x1xf32>
    %sub3A_38 = vector.broadcast %log3A : vector<2000x1xf32> to vector<2000x64xf32>
    %sub3A_39 = arith.subf %sub3A_35, %sub3A_38 : vector<2000x64xf32>
    %swap3A = arith.constant 0 : index
    %swap3A_40 = arith.constant 0 : index
    %swap3A_41 = vector.load %arg5[%swap3A, %swap3A_40] : memref<2000x64xf32, #tpu.memory_space<vmem>>, vector<2000x64xf32>
    tpu.vector_store %arg5[%swap3A, %swap3A_40], %sub3A_39 {strides = array<i32>} : memref<2000x64xf32, #tpu.memory_space<vmem>>, vector<2000x64xf32>,
    return
  }
  func.func @transform_0(%arg0: i32) -> (i32, i32, i32) {
    %c0_i32 = arith.constant 0 : i32
    %c0_i32_0 = arith.constant 0 : i32
    %c0_i32_1 = arith.constant 0 : i32
    return %c0_i32, %arg0, %c0_i32_0 : i32, i32, i32
  }
  func.func @transform_1(%arg0: i32) -> (i32, i32, i32) {
    %c0_i32 = arith.constant 0 : i32
    %c0_i32_0 = arith.constant 0 : i32
    %c0_i32_1 = arith.constant 0 : i32
    return %c0_i32, %arg0, %c0_i32_0 : i32, i32, i32
  }
  func.func @transform_2(%arg0: i32) -> (i32, i32) {
    %c0_i32 = arith.constant 0 : i32
    %c0_i32_0 = arith.constant 0 : i32
    return %arg0, %c0_i32 : i32, i32
  }
  func.func @transform_3(%arg0: i32) -> (i32, i32) {
    %c0_i32 = arith.constant 0 : i32
    %c0_i32_0 = arith.constant 0 : i32
    %c0_i32_1 = arith.constant 0 : i32
    return %c0_i32, %c0_i32_0 : i32, i32
  }
  func.func @transform_4(%arg0: i32) -> (i32, i32) {
    %c0_i32 = arith.constant 0 : i32
    %c0_i32_0 = arith.constant 0 : i32
    return %arg0, %c0_i32 : i32, i32
  }
}

module attributes {stable_mosaic.version = 14 : i64} {
  func.func @_tc1_body(%arg0: i32, %arg1: memref<2000x128xf32, #tpu.memory_space<vmem>>, %arg2: memref<2x2000x128xf32, #tpu.memory_space<vmem>>, %arg3: memref<2x2000x128xf32, #tpu.memory_space<vmem>>, %arg4: memref<128x128xf32, #tpu.memory_space<vmem>>, %arg5: memref<1x128xf32, #tpu.memory_space<vmem>>, %arg6: memref<128x128xf32, #tpu.memory_space<vmem>>, %arg7: memref<64x128xf32, #tpu.memory_space<vmem>>, %arg8: memref<1x64xf32, #tpu.memory_space<vmem>>, %arg9: memref<2000x128xf32, #tpu.memory_space<vmem>>, %arg10: memref<2000x64xf32, #tpu.memory_space<vmem>>) attributes {dimension_semantics = [#tpu.dimension_semantics<arbitrary>], iteration_bounds = array<i64: 5>, scalar_prefetch = 0 : i64, scratch_operands = 0 : i64, tpu.core_type = #tpu.core_type<tc>, window_params = [{transform_indices = @transform_0, window_bounds = array<i64: 2000, 128>}, {transform_indices = @transform_1, window_bounds = array<i64: 2, 2000, 128>}, {transform_indices = @transform_2, window_bounds = array<i64: 2, 2000, 128>}, {pipeline_mode = #tpu.pipeline_mode<synchronous>, transform_indices = @transform_3, window_bounds = array<i64: 128, 128>}, {pipeline_mode = #tpu.pipeline_mode<synchronous>, transform_indices = @transform_4, window_bounds = array<i64: 1, 128>}, {pipeline_mode = #tpu.pipeline_mode<synchronous>, transform_indices = @transform_5, window_bounds = array<i64: 128, 128>}, {pipeline_mode = #tpu.pipeline_mode<synchronous>, transform_indices = @transform_6, window_bounds = array<i64: 64, 128>}, {pipeline_mode = #tpu.pipeline_mode<synchronous>, transform_indices = @transform_7, window_bounds = array<i64: 1, 64>}, {transform_indices = @transform_8, window_bounds = array<i64: 2000, 128>}, {transform_indices = @transform_9, window_bounds = array<i64: 2000, 64>}]} {
    %get3A = arith.constant 0 : index
    %get3A_0 = arith.constant 0 : index
    %get3A_1 = arith.constant 0 : index
    %get3A_2 = vector.load %arg3[%get3A, %get3A_0, %get3A_1] : memref<2x2000x128xf32, #tpu.memory_space<vmem>>, vector<1x2000x128xf32>
    %get3A_3 = vector.shape_cast %get3A_2 : vector<1x2000x128xf32> to vector<2000x128xf32>
    %slice3A = vector.extract_strided_slice %get3A_3 {offsets = [0, 0], sizes = [2000, 1], strides = [1, 1]} : vector<2000x128xf32> to vector<2000x1xf32>
    %get3A_4 = arith.constant 1 : index
    %get3A_5 = arith.constant 0 : index
    %get3A_6 = arith.constant 0 : index
    %get3A_7 = vector.load %arg3[%get3A_4, %get3A_5, %get3A_6] : memref<2x2000x128xf32, #tpu.memory_space<vmem>>, vector<1x2000x128xf32>
    %get3A_8 = vector.shape_cast %get3A_7 : vector<1x2000x128xf32> to vector<2000x128xf32>
    %slice3A_9 = vector.extract_strided_slice %get3A_8 {offsets = [0, 0], sizes = [2000, 1], strides = [1, 1]} : vector<2000x128xf32> to vector<2000x1xf32>
    %add3A = arith.addf %slice3A, %slice3A_9 : vector<2000x1xf32>
    %max3A = arith.constant 1.000000e+00 : f32
    %max3A_10 = vector.broadcast %max3A : f32 to vector<2000x1xf32>
    %max3A_11 = arith.maximumf %add3A, %max3A_10 : vector<2000x1xf32>
    %div3A = arith.constant 1.000000e+00 : f32
    %div3A_12 = vector.broadcast %div3A : f32 to vector<2000x1xf32>
    %div3A_13 = arith.divf %div3A_12, %max3A_11 : vector<2000x1xf32>
    %get3A_14 = arith.constant 0 : index
    %get3A_15 = arith.constant 0 : index
    %get3A_16 = arith.constant 0 : index
    %get3A_17 = vector.load %arg2[%get3A_14, %get3A_15, %get3A_16] : memref<2x2000x128xf32, #tpu.memory_space<vmem>>, vector<1x2000x128xf32>
    %get3A_18 = vector.shape_cast %get3A_17 : vector<1x2000x128xf32> to vector<2000x128xf32>
    %get3A_19 = arith.constant 1 : index
    %get3A_20 = arith.constant 0 : index
    %get3A_21 = arith.constant 0 : index
    %get3A_22 = vector.load %arg2[%get3A_19, %get3A_20, %get3A_21] : memref<2x2000x128xf32, #tpu.memory_space<vmem>>, vector<1x2000x128xf32>
    %get3A_23 = vector.shape_cast %get3A_22 : vector<1x2000x128xf32> to vector<2000x128xf32>
    %add3A_24 = arith.addf %get3A_18, %get3A_23 : vector<2000x128xf32>
    %mul3A = vector.broadcast %div3A_13 : vector<2000x1xf32> to vector<2000x128xf32>
    %mul3A_25 = arith.mulf %add3A_24, %mul3A : vector<2000x128xf32>
    %get3A_26 = arith.constant 0 : index
    %get3A_27 = arith.constant 0 : index
    %get3A_28 = vector.load %arg4[%get3A_26, %get3A_27] : memref<128x128xf32, #tpu.memory_space<vmem>>, vector<128x128xf32>
    %dot_general3A = arith.constant dense<0.000000e+00> : vector<2000x128xf32>
    %dot_general3A_29 = tpu.matmul %mul3A_25, %get3A_28, %dot_general3A {dimension_numbers = #tpu.dot_dimension_numbers<[1], [1], [0], [0], [0, 0, 1, 0], [], []>, transpose_lhs_hint = false} : vector<2000x128xf32>, vector<128x128xf32>, vector<2000x128xf32> -> vector<2000x128xf32>
    %get3A_30 = arith.constant 0 : index
    %get3A_31 = arith.constant 0 : index
    %get3A_32 = vector.load %arg5[%get3A_30, %get3A_31] : memref<1x128xf32, #tpu.memory_space<vmem>>, vector<1x128xf32>
    %add3A_33 = vector.broadcast %get3A_32 : vector<1x128xf32> to vector<2000x128xf32>
    %add3A_34 = arith.addf %dot_general3A_29, %add3A_33 : vector<2000x128xf32>
    %get3A_35 = arith.constant 0 : index
    %get3A_36 = arith.constant 0 : index
    %get3A_37 = vector.load %arg1[%get3A_35, %get3A_36] : memref<2000x128xf32, #tpu.memory_space<vmem>>, vector<2000x128xf32>
    %get3A_38 = arith.constant 0 : index
    %get3A_39 = arith.constant 0 : index
    %get3A_40 = vector.load %arg6[%get3A_38, %get3A_39] : memref<128x128xf32, #tpu.memory_space<vmem>>, vector<128x128xf32>
    %dot_general3A_41 = arith.constant dense<0.000000e+00> : vector<2000x128xf32>
    %dot_general3A_42 = tpu.matmul %get3A_37, %get3A_40, %dot_general3A_41 {dimension_numbers = #tpu.dot_dimension_numbers<[1], [1], [0], [0], [0, 0, 1, 0], [], []>, transpose_lhs_hint = false} : vector<2000x128xf32>, vector<128x128xf32>, vector<2000x128xf32> -> vector<2000x128xf32>
    %add3A_43 = arith.addf %add3A_34, %dot_general3A_42 : vector<2000x128xf32>
    %max3A_44 = arith.constant 0.000000e+00 : f32
    %max3A_45 = vector.broadcast %max3A_44 : f32 to vector<2000x128xf32>
    %max3A_46 = arith.maximumf %add3A_43, %max3A_45 : vector<2000x128xf32>
    %swap3A = arith.constant 0 : index
    %swap3A_47 = arith.constant 0 : index
    %swap3A_48 = vector.load %arg9[%swap3A, %swap3A_47] : memref<2000x128xf32, #tpu.memory_space<vmem>>, vector<2000x128xf32>
    tpu.vector_store %arg9[%swap3A, %swap3A_47], %max3A_46 {strides = array<i32>} : memref<2000x128xf32, #tpu.memory_space<vmem>>, vector<2000x128xf32>,
    %get3A_49 = arith.constant 0 : index
    %get3A_50 = arith.constant 0 : index
    %get3A_51 = vector.load %arg7[%get3A_49, %get3A_50] : memref<64x128xf32, #tpu.memory_space<vmem>>, vector<64x128xf32>
    %dot_general3A_52 = arith.constant dense<0.000000e+00> : vector<2000x64xf32>
    %dot_general3A_53 = tpu.matmul %max3A_46, %get3A_51, %dot_general3A_52 {dimension_numbers = #tpu.dot_dimension_numbers<[1], [1], [0], [0], [0, 0, 1, 0], [], []>, transpose_lhs_hint = false} : vector<2000x128xf32>, vector<64x128xf32>, vector<2000x64xf32> -> vector<2000x64xf32>
    %get3A_54 = arith.constant 0 : index
    %get3A_55 = arith.constant 0 : index
    %get3A_56 = vector.load %arg8[%get3A_54, %get3A_55] : memref<1x64xf32, #tpu.memory_space<vmem>>, vector<1x64xf32>
    %add3A_57 = vector.broadcast %get3A_56 : vector<1x64xf32> to vector<2000x64xf32>
    %add3A_58 = arith.addf %dot_general3A_53, %add3A_57 : vector<2000x64xf32>
    %swap3A_59 = arith.constant 0 : index
    %swap3A_60 = arith.constant 0 : index
    %swap3A_61 = vector.load %arg10[%swap3A_59, %swap3A_60] : memref<2000x64xf32, #tpu.memory_space<vmem>>, vector<2000x64xf32>
    tpu.vector_store %arg10[%swap3A_59, %swap3A_60], %add3A_58 {strides = array<i32>} : memref<2000x64xf32, #tpu.memory_space<vmem>>, vector<2000x64xf32>,
    return
  }
  func.func @transform_0(%arg0: i32) -> (i32, i32) {
    %c0_i32 = arith.constant 0 : i32
    %c0_i32_0 = arith.constant 0 : i32
    return %arg0, %c0_i32 : i32, i32
  }
  func.func @transform_1(%arg0: i32) -> (i32, i32, i32) {
    %c0_i32 = arith.constant 0 : i32
    %c0_i32_0 = arith.constant 0 : i32
    %c0_i32_1 = arith.constant 0 : i32
    return %c0_i32, %arg0, %c0_i32_0 : i32, i32, i32
  }
  func.func @transform_2(%arg0: i32) -> (i32, i32, i32) {
    %c0_i32 = arith.constant 0 : i32
    %c0_i32_0 = arith.constant 0 : i32
    %c0_i32_1 = arith.constant 0 : i32
    return %c0_i32, %arg0, %c0_i32_0 : i32, i32, i32
  }
  func.func @transform_3(%arg0: i32) -> (i32, i32) {
    %c0_i32 = arith.constant 0 : i32
    %c0_i32_0 = arith.constant 0 : i32
    %c0_i32_1 = arith.constant 0 : i32
    return %c0_i32, %c0_i32_0 : i32, i32
  }
  func.func @transform_4(%arg0: i32) -> (i32, i32) {
    %c0_i32 = arith.constant 0 : i32
    %c0_i32_0 = arith.constant 0 : i32
    %c0_i32_1 = arith.constant 0 : i32
    return %c0_i32, %c0_i32_0 : i32, i32
  }
  func.func @transform_5(%arg0: i32) -> (i32, i32) {
    %c0_i32 = arith.constant 0 : i32
    %c0_i32_0 = arith.constant 0 : i32
    %c0_i32_1 = arith.constant 0 : i32
    return %c0_i32, %c0_i32_0 : i32, i32
  }
  func.func @transform_6(%arg0: i32) -> (i32, i32) {
    %c0_i32 = arith.constant 0 : i32
    %c0_i32_0 = arith.constant 0 : i32
    %c0_i32_1 = arith.constant 0 : i32
    return %c0_i32, %c0_i32_0 : i32, i32
  }
  func.func @transform_7(%arg0: i32) -> (i32, i32) {
    %c0_i32 = arith.constant 0 : i32
    %c0_i32_0 = arith.constant 0 : i32
    %c0_i32_1 = arith.constant 0 : i32
    return %c0_i32, %c0_i32_0 : i32, i32
  }
  func.func @transform_8(%arg0: i32) -> (i32, i32) {
    %c0_i32 = arith.constant 0 : i32
    %c0_i32_0 = arith.constant 0 : i32
    return %arg0, %c0_i32 : i32, i32
  }
  func.func @transform_9(%arg0: i32) -> (i32, i32) {
    %c0_i32 = arith.constant 0 : i32
    %c0_i32_0 = arith.constant 0 : i32
    return %arg0, %c0_i32 : i32, i32
  }
}

</mosaic_0001>

<sc_bundles>
// kernel: kernel.10.cloned.1.call-start
scs
__scs_entry_jumppad:
0x0: {  	(pc) =	sbr.rel $0x88, $3  }
0x1: {  	(tag) =	ssettag $0x0;
	lr =	simm.s32 $0x1  }
0x2: {  	[smem:$0x3F99] =	sst lr;
	_ =	strace $0xD0000000  }
0x3: {  	_ = 	snop  }
0x4: {  	_ = 	snop  }
0x5: {  	_ = 	snop  }
0x6: {  	_ = 	snop  }
0x7: {  	_ = 	snop  }
__scs_overlays_trampoline_lowered:
0x8: {  	[smem:$0x3FA8] =	sst s0  }
0x9: {  	[smem:$0x3FA9] =	sst s1  }
0xa: {  	[smem:$0x3FAA] =	sst s2  }
0xb: {  	[smem:$0x3FAB] =	sst s3  }
0xc: {  	[smem:$0x3FAC] =	sst s4  }
0xd: {  	[smem:$0x3FAD] =	sst s5  }
0xe: {  	[smem:$0x3FAE] =	sst s6  }
0xf: {  	[smem:$0x3FAF] =	sst s7  }
0x10: {  	[smem:$0x3FB0] =	sst s8  }
0x11: {  	[smem:$0x3FB1] =	sst s9;
	s0 =	simm.s32 @!p0 $0x0  }
0x12: {  	s1 =	sld [smem:$0x3F97];
	s0 =	simm.s32 @p0 $0x1  }
0x13: {  	[smem:$0x3FB2] =	sst s0;
	s0 =	simm.s32 @!p1 $0x0  }
0x14: {  	s2 =	sld [smem:$0x3F96];
	s0 =	simm.s32 @p1 $0x1  }
0x15: {  	[smem:$0x3FB3] =	sst s0;
	s0 =	simm.s32 @!p2 $0x0  }
0x16: {  	s3 =	sld [smem:$0x3FDB];
	s0 =	simm.s32 @p2 $0x1  }
0x17: {  	s4 =	simm.s32 $0x1BF5;
	[smem:$0x3FB5] =	sst s0  }
0x18: {  	s0 =	sld [smem:$0x3F98];
	_ =	swait.ge [sflag:s4], $0x0  }
0x19: {  	s7 =	sld [smem:$0x3F99]  }
0x1a: {  	s8 =	sadd.s32 $0xFFFFE003, lr  }
0x1b: {  	s9 =	sadd.s32 $0xFFFFFEF7, lr;
	s5 =	simm.s32 $0xFFFFFFFF;
	p2 =	slt.u32 s8, $0xFFFFF086  }
0x1c: {  	p1 =	slt.u32 s9, $0xF7A;
	s5 =	simm.s32 @!p2 $0x0  }
0x1d: {  	s5 =	simm.s32 @p1 $0x1;
	p0 =	seq.s32 s7, s2  }
0x1e: {  	s7 =	smul.u32 @!p0 $0xF7A, s2;
	p2 =	seq.s32 @!p0 s5, $0x0  }
0x1f: {  	s9 =	smul.u32 $0xF7A, s1;
	s8 =	simm.s32 @!p0 $0x1BF5;
	p2 =	por !p2, p0  }
0x20: {  	[sflag:s8] =	ssyncset.s32 @!p0 $0xFFFFF086;
	s6 =	sadd.s32 @!p0 s3, s7;
	s7 =	simm.s32 @!p0 $0x108  }
0x21: {  	s3 =	sadd.s32 s3, s9;
	s6 =	sadd.s32 @!p0 $0x88, s6;
	s7 =	simm.s32 @p2 $0x1082  }
0x22: {  	[simem:s7], [sflag:s8] =	dma.local @!p0 [hbm:s6], $0xF7A  }
0x23: {  	s9 =	sor.u32 $0xD0000000, s2;
	s6 =	simm.s32 $0x108;
	_ =	swait.ge @!p0 [sflag:s8], $0x0  }
0x24: {  	s3 =	sadd.s32 $0x88, s3;
	s6 =	simm.s32 @!p1 $0x1082;
	[sflag:s4] =	ssyncset.s32 $0xFFFFF086  }
0x25: {  	[simem:s6], [sflag:s4] =	dma.local [hbm:s3], $0xF7A  }
0x26: {  	[smem:$0x3F99] =	sst s1;
	(tag) =	ssettag s2;
	_ =	strace s9  }
0x27: {  	s1 =	sld [smem:$0x3FA9]  }
0x28: {  	s2 =	sld [smem:$0x3FAA]  }
0x29: {  	s4 =	sld [smem:$0x3FAC]  }
0x2a: {  	p0 =	seq.s32 s5, $0x0;
	s5 =	sld [smem:$0x3FAD]  }
0x2b: {  	s6 =	sld [smem:$0x3FAE]  }
0x2c: {  	s7 =	sld [smem:$0x3FAF]  }
0x2d: {  	s3 =	simm.s32 $0x108;
	s8 =	sld [smem:$0x3FB0]  }
0x2e: {  	s3 =	simm.s32 @!p0 $0x1082;
	s9 =	sld [smem:$0x3FB1]  }
0x2f: {  	lr =	sadd.s32 s0, s3;
	s0 =	sld [smem:$0x3FA8]  }
0x30: {  	s3 =	sld [smem:$0x3FAB]  }
0x31: {  	[smem:$0x3FB4] =	sst s10  }
0x32: {  	s10 =	sld [smem:$0x3FB2];
	_ =	sdelay $0x3  }
0x33: {  	p0 =	seq.s32 s10, $0x1;
	s10 =	sld [smem:$0x3FB4];
	_ =	sdelay $0x3  }
0x34: {  	[smem:$0x3FB4] =	sst s10  }
0x35: {  	s10 =	sld [smem:$0x3FB3];
	_ =	sdelay $0x3  }
0x36: {  	p1 =	seq.s32 s10, $0x1;
	s10 =	sld [smem:$0x3FB4];
	_ =	sdelay $0x3  }
0x37: {  	[smem:$0x3FB4] =	sst s10  }
0x38: {  	s10 =	sld [smem:$0x3FB5]  }
0x39: {  	_ = 	snop;
	(pc) =	sbr.ind lr, $3  }
0x3a: {  	_ = 	snop  }
0x3b: {  	_ = 	snop  }
0x3c: {  	p2 =	seq.s32 s10, $0x1;
	s10 =	sld [smem:$0x3FB4]  }
0x3d: {  	_ =	shalt  }
0x3e: {  	_ =	shalt  }
0x3f: {  	_ =	shalt  }
0x40: {  	_ =	shalt  }
0x41: {  	_ =	shalt  }
0x42: {  	_ =	shalt  }
0x43: {  	_ =	shalt  }
0x44: {  	_ =	shalt  }
0x45: {  	_ =	shalt  }
0x46: {  	_ =	shalt  }
0x47: {  	_ =	shalt  }
0x48: {  	_ =	shalt  }
0x49: {  	_ =	shalt  }
0x4a: {  	_ =	shalt  }
0x4b: {  	_ =	shalt  }
0x4c: {  	_ =	shalt  }
0x4d: {  	_ =	shalt  }
0x4e: {  	_ =	shalt  }
0x4f: {  	_ =	shalt  }
0x50: {  	_ =	shalt  }
0x51: {  	_ =	shalt  }
0x52: {  	_ =	shalt  }
0x53: {  	_ =	shalt  }
0x54: {  	_ =	shalt  }
0x55: {  	_ =	shalt  }
0x56: {  	_ =	shalt  }
0x57: {  	_ =	shalt  }
0x58: {  	_ =	shalt  }
0x59: {  	_ =	shalt  }
0x5a: {  	_ =	shalt  }
0x5b: {  	_ =	shalt  }
0x5c: {  	_ =	shalt  }
0x5d: {  	_ =	shalt  }
0x5e: {  	_ =	shalt  }
0x5f: {  	_ =	shalt  }
0x60: {  	_ =	shalt  }
0x61: {  	_ =	shalt  }
0x62: {  	_ =	shalt  }
0x63: {  	_ =	shalt  }
0x64: {  	_ =	shalt  }
0x65: {  	_ =	shalt  }
0x66: {  	_ =	shalt  }
0x67: {  	_ =	shalt  }
0x68: {  	_ =	shalt  }
0x69: {  	_ =	shalt  }
0x6a: {  	_ =	shalt  }
0x6b: {  	_ =	shalt  }
0x6c: {  	_ =	shalt  }
0x6d: {  	_ =	shalt  }
0x6e: {  	_ =	shalt  }
0x6f: {  	_ =	shalt  }
0x70: {  	_ =	shalt  }
0x71: {  	_ =	shalt  }
0x72: {  	_ =	shalt  }
0x73: {  	_ =	shalt  }
0x74: {  	_ =	shalt  }
0x75: {  	_ =	shalt  }
0x76: {  	_ =	shalt  }
0x77: {  	_ =	shalt  }
0x78: {  	_ =	shalt  }
0x79: {  	_ =	shalt  }
0x7a: {  	_ =	shalt  }
0x7b: {  	_ =	shalt  }
0x7c: {  	_ =	shalt  }
0x7d: {  	_ =	shalt  }
0x7e: {  	_ =	shalt  }
0x7f: {  	_ =	shalt  }
0x80: {  	_ =	shalt  }
0x81: {  	_ =	shalt  }
0x82: {  	_ =	shalt  }
0x83: {  	_ =	shalt  }
0x84: {  	_ =	shalt  }
0x85: {  	_ =	shalt  }
0x86: {  	_ =	shalt  }
0x87: {  	_ =	shalt  }
.Lfunc_end0:
.L_simem_size_0:
called_computation.1_lowered:
.L_overlay_start_0:
0x88: {  	s2 =	sld [smem:$0x3FD9]  }
0x89: {  	s3 =	sld [smem:$0x3FFE];
	_ =	sdelay $0x1  }
0x8a: {  	s1 =	srdreg.scid  }
0x8b: {  	s0 =	sand.u32 $0x1, s1  }
0x8c: {  	s17 =	sshll.u32 s0, $0xA;
	s2 =	sadd.s32 s3, s2  }
0x8d: {  	s2 =	sadd.s32 s2, s17  }
0x8e: {  	[smem:$0x3FC0] =	sst s2  }
0x8f: {  	_ = 	snop  }
0x90: {  	s18 =	sld [smem:$0x3FC9]  }
0x91: {  	s4 =	sld [smem:$0x3FD0];
	(tm) =	ssettm $0x1  }
0x92: {  	s19 =	sld [smem:$0x3FFB];
	_ =	sdelay $0x3  }
0x93: {  	_ =	strace s19  }
0x94: {  	s2 =	sld [smem:$0x3FFC];
	_ =	sdelay $0x3  }
0x95: {  	_ =	strace s2  }
0x96: {  	s2 =	sld [smem:$0x3FFD];
	_ =	sdelay $0x3  }
0x97: {  	_ =	strace s2  }
0x98: {  	_ =	strace $0x8FFFFFFF  }
0x99: {  	s20 =	sld [smem:$0x3FDB];
	_ =	sdelay $0x1  }
0x9a: {  	s5 =	simm.s32 $_scs_section_size  }
0x9b: {  	s6 =	simm.s32 $_size__tile_overlayer_lowered;
	s7 =	simm.s32 $_tile_overlayer_lowered  }
0x9c: {  	s8 =	simm.s32 $0x1BFF;
	s21 =	sshll.u32 s7, $0x1;
	s5 =	sadd.s32 s5, s20  }
0x9d: {  	s22 =	simm.s32 $0x0;
	s6 =	sshll.u32 s6, $0x1;
	s7 =	sadd.s32 s21, s5  }
0x9e: {  	[timem:s22], [sflag:s8] =	dma.local [hbm:s7], s6  }
0x9f: {  	_ =	swait.ge [sflag:s8], s6  }
0xa0: {  	s6 =	ssub.s32 $0x0, s6;
	[sflag:s8] =	ssyncset.done $0x0  }
0xa1: {  	[sflag:s8] =	ssyncadd.s32 s6;
	_ =	sdelay $0x1  }
0xa2: {  	s23 =	simm.s32 $0x1B8B  }
0xa3: {  	_ =	swait.ge [sflag:s23], $0x1  }
0xa4: {  	[sflag:s23] =	ssyncset.done $0x0  }
0xa5: {  	[sflag:s23] =	ssyncadd.s32 $0xFFFFFFFF  }
0xa6: {  	s6 =	sld [smem:$0x0]  }
0xa7: {  	s7 =	sand.u32 $0xFFFFFFFE, s1  }
0xa8: {  	p0 =	sne.s32 s1, s7  }
0xa9: {  	s7 =	sshll.u32 @p0 s7, $0xE  }
0xaa: {  	s7 =	sadd.s32 @p0 $0x11B8D, s7;
	s8 =	sshll.u32 @p0 s6, $0x11  }
0xab: {  	s7 =	sor.u32 @p0 s8, s7  }
0xac: {  	[sflag:s7] =	ssyncadd.remote.s32 @p0 $0x1;
	_ =	sdelay $0x1  }
0xad: {  	s7 =	simm.s32 @p0 $0x1B8D  }
0xae: {  	_ =	swait.eq @p0 [sflag:s7], $0x1  }
0xaf: {  	[sflag:s7] =	ssyncadd.s32 @p0 $0xFFFFFFFF  }
0xb0: {  	s8 =	sshll.u32 @!p0 s1, $0xE  }
0xb1: {  	s8 =	sor.u32 @!p0 $0x4000, s8;
	s7 =	simm.s32 @!p0 $0x1B8D  }
0xb2: {  	s6 =	sshll.u32 @!p0 s6, $0x11;
	s8 =	sadd.s32 @!p0 $0x11B8D, s8;
	_ =	swait.eq @!p0 [sflag:s7], $0x1  }
0xb3: {  	s6 =	sor.u32 @!p0 s6, s8;
	[sflag:s7] =	ssyncadd.s32 @!p0 $0xFFFFFFFF  }
0xb4: {  	s25 =	simm.s32 $0x1B8E;
	s24 =	sld [smem:$0x3FFE];
	[sflag:s6] =	ssyncadd.remote.s32 @!p0 $0x1  }
0xb5: {  	s26 =	simm.s32 $execute0_lowered;
	[smem:$0x3FD2] =	sst s25  }
0xb6: {  	s7 =	sshll.u32 s26, $0x1;
	_ =	strace $0x80000049;
	[dreg:$0x1] =	wrdreg $0xFFFFFFFF  }
0xb7: {  	s28 =	simm.s32 $_size_execute0_lowered;
	s5 =	sadd.s32 s5, s7;
	[dreg:$0x0] =	wrdreg $0x0  }
0xb8: {  	s7 =	sshll.u32 s28, $0x1;
	[dreg:$0x2] =	wrdreg s5  }
0xb9: {  	[dreg:$0x3] =	wrdreg s7  }
0xba: {  	[dreg:$0x4] =	wrdreg $0xC0  }
0xbb: {  	_ =	task [dreg:s22], $0x5FFFF  }
0xbc: {  	[dreg:$0x1] =	wrdreg $0xFFFFFFFF  }
0xbd: {  	[dreg:$0x0] =	wrdreg $0x60  }
0xbe: {  	[dreg:$0x2] =	wrdreg s18  }
0xbf: {  	[dreg:$0x3] =	wrdreg s4  }
0xc0: {  	[dreg:$0x4] =	wrdreg s24  }
0xc1: {  	[dreg:$0x5] =	wrdreg $0x88000  }
0xc2: {  	[dreg:$0x6] =	wrdreg $0xA  }
0xc3: {  	_ =	task.clear_ibuf [dreg:s22], $0x7FFFF;
	_ =	strace $0x90000049  }
0xc4: {  	s29 =	simm.s32 $0xA;
	_ =	strace $0x8000004B  }
0xc5: {  	_ =	swait.ge [sflag:s29], $0x1  }
0xc6: {  	[sflag:s29] =	ssyncadd.s32 $0xFFFFFFFF  }
0xc7: {  	_ =	strace $0x9000004B  }
0xc8: {  	_ =	sfence  }
0xc9: {  	s30 =	sld [smem:$0x0];
	_ =	sdelay $0x2  }
0xca: {  	s31 =	sshll.u32 s1, $0xD;
	s1 =	sshrl.u32 s1, $0x2  }
0xcb: {  	s4 =	sand.u32 $0x4000, s31;
	s1 =	sadd.s32 s1, s30  }
0xcc: {  	s0 =	sor.u32 s4, s0;
	s1 =	sshll.u32 s1, $0x11  }
0xcd: {  	s0 =	sor.u32 s1, s0  }
0xce: {  	s0 =	sadd.s32 $0x8F2B, s0  }
0xcf: {  	[sflag:s0] =	ssyncadd.remote.s32 $0x1  }
0xd0: {  	_ =	sfence.sel $0xFFFF  }
0xd1: {  	[dreg:$0x0] =	wrdreg $0xFFFFFFFF;
	(pc) =	sbr.abs _section_cstart, $3  }
0xd2: {  	[dreg:$0x1] =	wrdreg $0xFFFFFFFF  }
0xd3: {  	_ =	task.clear_ibuf [dreg:s22], $0x2FFFF;
	_ =	strace $0x9FFFFFFF  }
0xd4: {  	(tm) =	ssettm $0x7FFFFFFF  }
0xd5: {  	_ =	shalt  }
tec
execute0_lowered:
.L_overlay_start_1:
0x0: {  	(tag) =	ssettag $0x1  }
0x1: {  	s1 =	rddreg [dreg:$0x0]  }
0x2: {  	s2 =	rddreg [dreg:$0x1]  }
0x3: {  	s0 =	srdreg.scid;
	s6 =	rddreg [dreg:$0x2]  }
0x4: {  	s8 =	stileid.u32;
	s3 =	rddreg [dreg:$0x3];
	s4 =	simm.s32 $0x0  }
0x5: {  	s20 =	simm.s32 $0x80;
	s22 =	simm.s32 $0x100;
	[smem:$0x7FF] =	sst s4  }
0x6: {  	s24 =	simm.s32 $0xC80;
	_ =	strace $0x8000004A;
	[dreg:$0x7] =	wrdreg s20  }
0x7: {  	s25 =	simm.s32 $0x180;
	s26 =	simm.s32 $0xD00;
	[dreg:$0x8] =	wrdreg s22  }
0x8: {  	s9 =	simm.s32 $0xD80;
	s10 =	simm.s32 $0x280;
	[dreg:$0x9] =	wrdreg s24  }
0x9: {  	s12 =	simm.s32 $0xE00;
	s14 =	simm.s32 $0x300;
	[dreg:$0xa] =	wrdreg s25  }
0xa: {  	s15 =	simm.s32 $0xE80;
	s17 =	simm.s32 $0x380;
	[dreg:$0xb] =	wrdreg s26  }
0xb: {  	s28 =	simm.s32 $0x1400;
	s5 =	smul.u32 $0x7800, s8;
	[dreg:$0xd] =	wrdreg s9  }
0xc: {  	s29 =	simm.s32 $0x900;
	s23 =	smul.u32 $0x14000, s8;
	[dreg:$0xe] =	wrdreg s10  }
0xd: {  	s0 =	sand.u32 $0x1, s0;
	s13 =	smul.u32 $0x50000, s8;
	[dreg:$0xf] =	wrdreg s12  }
0xe: {  	s30 =	simm.s32 $0x1480;
	s7 =	smul.u32 $0x3C00, s0;
	[dreg:$0x10] =	wrdreg s14  }
0xf: {  	s31 =	simm.s32 $0x980;
	s21 =	smul.u32 $0x140000, s0;
	[dreg:$0x11] =	wrdreg s15  }
0x10: {  	s0 =	ssub.s32 $0x2, s0;
	[dreg:$0x12] =	wrdreg s17;
	s20 =	simm.s32 $0xF80  }
0x11: {  	s9 =	simm.s32 $0x3;
	s22 =	simm.s32 $0x1000;
	s10 =	simm.s32 $0xC00  }
0x12: {  	s24 =	simm.s32 $0x1080;
	s12 =	simm.s32 $0x1800;
	[dreg:$0x15] =	wrdreg s20  }
0x13: {  	s25 =	simm.s32 $0x580;
	s26 =	simm.s32 $0x1100;
	[dreg:$0x17] =	wrdreg s22  }
0x14: {  	s14 =	simm.s32 $0x1;
	s15 =	simm.s32 $0x2;
	[dreg:$0x19] =	wrdreg s24  }
0x15: {  	s17 =	simm.s32 $0x1180;
	s11 =	sshrl.u32 s0, $0x1;
	[dreg:$0x1a] =	wrdreg s25  }
0x16: {  	s16 =	sshrl.u32 s13, $0x2;
	s13 =	simm.s32 $0x4C00;
	[dreg:$0x1b] =	wrdreg s26  }
0x17: {  	s20 =	simm.s32 $0x700;
	s22 =	simm.s32 $0x780;
	s24 =	simm.s32 $0x800  }
0x18: {  	s25 =	simm.s32 $0x1380;
	s26 =	simm.s32 $0x880;
	s5 =	sadd.s32 s7, s5  }
0x19: {  	s7 =	simm.s32 $0x200;
	s0 =	ssub.s32 s0, s11;
	s11 =	simm.s32 $0x64  }
0x1a: {  	s5 =	sshrl.u32 s5, $0x3;
	[dreg:$0xc] =	wrdreg s7;
	s0 =	smax.u32 s0, $0x1  }
0x1b: {  	s7 =	simm.s32 $0x0;
	s18 =	sadd.s32 s5, s6;
	s2 =	sadd.s32 s5, s2  }
0x1c: {  	s5 =	sadd.s32 s23, s21;
	[dreg:$0x1d] =	wrdreg s0;
	s21 =	simm.s32 $0x480  }
0x1d: {  	s23 =	simm.s32 $0x500;
	s0 =	simm.s32 $0x1580;
	[dreg:$0x5] =	wrdreg s2  }
0x1e: {  	s19 =	sadd.s32 $0x1E00, s18;
	s5 =	sshrl.u32 s5, $0x3;
	[dreg:$0x16] =	wrdreg s21  }
0x1f: {  	s18 =	simm.s32 $0xF00;
	[dreg:$0x18] =	wrdreg s23;
	s21 =	simm.s32 $0x1280  }
0x20: {  	s23 =	simm.s32 $0x1300;
	s2 =	simm.s32 $0x1500;
	[dreg:$0x6] =	wrdreg s19  }
0x21: {  	s6 =	sadd.s32 s5, s6;
	[dreg:$0x13] =	wrdreg s18;
	s19 =	simm.s32 $0x400  }
0x22: {  	s5 =	sadd.s32 s16, s3;
	s6 =	sadd.s32 $0x60E00, s6;
	[dreg:$0x14] =	wrdreg s19  }
0x23: {  	v0 =	vimm.f32 $0.0e+00;
	s18 =	simm.s32 $0x680;
	s19 =	simm.s32 $0x1200;
	[dreg:$0x1c] =	wrdreg s6  }
.LBB2_1:
0x24: {  	[dreg:$0x1e] =	wrdreg s7;
	s6 =	simm.s32 $0x0;
	s7 =	simm.s32 $0x0  }
.LBB2_2:
0x25: {  	p0 =	sne.s32 s7, $0x1FC0  }
.Ltmp0:
0x26: {  	_ = 	snop;
	(pc) =	sbr.rel @p0 .LBB2_2-.Ltmp0, $4  }
0x27: {  	s8 =	sand.u32 $0x1E00, s7  }
0x28: {  	s16 =	sand.u32 $0x70, s6;
	s8 =	sshrl.u32 s8, $0x2  }
0x29: {  	s8 =	sor.u32 s16, s8  }
0x2a: {  	s6 =	sadd.s32 $0x10, s6;
	s7 =	sadd.s32 $0x40, s7;
	[tilespmem:s8+$0x8000] =	vst v0  }
0x2b: {  	s6 =	sadd.s32 $0x0, s5;
	s8 =	simm.s32 $0x8000  }
0x2c: {  	[spmem:s6] =	stream.linear.scatter [tilespmem:s8], [sflag:$0x3], $0x800, $0x38;
	[tilespmem:$0x1C800] =	vst v63  }
0x2d: {  	s6 =	simm.s32 $0x2000;
	_ =	swait.ge [sflag:s9], $0x800  }
.LBB2_4:
0x2e: {  	s7 =	sshra.s32 s6, $0x2;
	[sflag:s9] =	ssyncset.done $0x0;
	p0 =	sne.s32 s6, $0x4E000  }
.Ltmp1:
0x2f: {  	s7 =	sadd.s32 s7, s5;
	[sflag:s9] =	ssyncadd.s32 $0xFFFFF800;
	(pc) =	sbr.rel @p0 .LBB2_4-.Ltmp1, $3  }
0x30: {  	[spmem:s7] =	stream.linear.scatter [tilespmem:s8], [sflag:$0x3], $0x800, $0x38;
	[tilespmem:$0x1C800] =	vst v63  }
0x31: {  	s6 =	sadd.s32 $0x2000, s6;
	_ =	sdelay $0x1  }
0x32: {  	_ =	swait.ge [sflag:s9], $0x800  }
0x33: {  	[sflag:s9] =	ssyncset.done $0x0  }
0x34: {  	[sflag:s9] =	ssyncadd.s32 $0xFFFFF800  }
0x35: {  	[bflag:$0x0] =	sbarrier.arrive $0xFFFF  }
0x36: {  	s6 =	rddreg [dreg:$0x6]  }
0x37: {  	s6 =	sadd.s32 $0x0, s6  }
0x38: {  	[tilespmem:s10], [sflag:$0x3] =	stream.linear.gather [hbm4b:s6+s4], $0xA00, $0x38;
	[tilespmem:$0x1C800] =	vst v63  }
0x39: {  	_ =	swait.ge [sflag:s9], $0xA00  }
0x3a: {  	s8 =	rddreg [dreg:$0x5];
	[sflag:s9] =	ssyncset.done $0x0  }
0x3b: {  	[sflag:s9] =	ssyncadd.s32 $0xFFFFF600;
	s6 =	sadd.s32 $0x0, s8  }
0x3c: {  	[tilespmem:s4], [sflag:$0x3] =	stream.linear.gather [hbm4b:s6+s4], $0xA00, $0x38;
	[tilespmem:$0x1C800] =	vst v63  }
0x3d: {  	_ =	swait.ge [sflag:s9], $0xA00  }
0x3e: {  	[sflag:s9] =	ssyncset.done $0x0  }
0x3f: {  	[sflag:s9] =	ssyncadd.s32 $0xFFFFF600  }
0x40: {  	[tilespmem:s12], [sflag:$0x1] =	stream.indirect.gather [hbm4b:s1+s11], $0x80, s4, s11, $0xb8;
	[tilespmem:$0x1C800] =	vst v63  }
0x41: {  	s16 =	rddreg [dreg:$0x7]  }
0x42: {  	[tilespmem:s13], [sflag:$0x2] =	stream.indirect.gather [hbm4b:s1+s11], $0x80, s16, s11, $0xb8;
	[tilespmem:$0x1C800] =	vst v63  }
0x43: {  	_ =	swait.ge [sflag:s14], $0x3200  }
0x44: {  	[sflag:s14] =	ssyncset.done $0x0  }
0x45: {  	[sflag:s14] =	ssyncadd.s32 $0xFFFFCE00  }
0x46: {  	[spmem:s3] =	stream.indirect.scatter.add.f32 [tilespmem:s12], [sflag:$0x3], $0x80, s10, s11, $0xb8;
	[tilespmem:$0x1C800] =	vst v63  }
0x47: {  	_ =	swait.ge [sflag:s9], $0x3200  }
0x48: {  	[sflag:s9] =	ssyncset.done $0x0  }
0x49: {  	s7 =	rddreg [dreg:$0x8];
	[sflag:s9] =	ssyncadd.s32 $0xFFFFCE00  }
0x4a: {  	[tilespmem:s12], [sflag:$0x1] =	stream.indirect.gather [hbm4b:s1+s11], $0x80, s7, s11, $0xb8;
	[tilespmem:$0x1C800] =	vst v63  }
0x4b: {  	_ =	swait.ge [sflag:s15], $0x3200  }
0x4c: {  	[sflag:s15] =	ssyncset.done $0x0  }
0x4d: {  	s8 =	rddreg [dreg:$0x9];
	[sflag:s15] =	ssyncadd.s32 $0xFFFFCE00  }
0x4e: {  	[spmem:s3] =	stream.indirect.scatter.add.f32 [tilespmem:s13], [sflag:$0x3], $0x80, s8, s11, $0xb8;
	[tilespmem:$0x1C800] =	vst v63  }
0x4f: {  	_ =	swait.ge [sflag:s9], $0x3200  }
0x50: {  	[sflag:s9] =	ssyncset.done $0x0  }
0x51: {  	s16 =	rddreg [dreg:$0xa];
	[sflag:s9] =	ssyncadd.s32 $0xFFFFCE00  }
0x52: {  	[tilespmem:s13], [sflag:$0x2] =	stream.indirect.gather [hbm4b:s1+s11], $0x80, s16, s11, $0xb8;
	[tilespmem:$0x1C800] =	vst v63  }
0x53: {  	_ =	swait.ge [sflag:s14], $0x3200  }
0x54: {  	[sflag:s14] =	ssyncset.done $0x0  }
0x55: {  	s7 =	rddreg [dreg:$0xb];
	[sflag:s14] =	ssyncadd.s32 $0xFFFFCE00  }
0x56: {  	[spmem:s3] =	stream.indirect.scatter.add.f32 [tilespmem:s12], [sflag:$0x3], $0x80, s7, s11, $0xb8;
	[tilespmem:$0x1C800] =	vst v63  }
0x57: {  	_ =	swait.ge [sflag:s9], $0x3200  }
0x58: {  	[sflag:s9] =	ssyncset.done $0x0  }
0x59: {  	s8 =	rddreg [dreg:$0xc];
	[sflag:s9] =	ssyncadd.s32 $0xFFFFCE00  }
0x5a: {  	[tilespmem:s12], [sflag:$0x1] =	stream.indirect.gather [hbm4b:s1+s11], $0x80, s8, s11, $0xb8;
	[tilespmem:$0x1C800] =	vst v63  }
0x5b: {  	_ =	swait.ge [sflag:s15], $0x3200  }
0x5c: {  	[sflag:s15] =	ssyncset.done $0x0  }
0x5d: {  	s16 =	rddreg [dreg:$0xd];
	[sflag:s15] =	ssyncadd.s32 $0xFFFFCE00  }
0x5e: {  	[spmem:s3] =	stream.indirect.scatter.add.f32 [tilespmem:s13], [sflag:$0x3], $0x80, s16, s11, $0xb8;
	[tilespmem:$0x1C800] =	vst v63  }
0x5f: {  	_ =	swait.ge [sflag:s9], $0x3200  }
0x60: {  	[sflag:s9] =	ssyncset.done $0x0  }
0x61: {  	s7 =	rddreg [dreg:$0xe];
	[sflag:s9] =	ssyncadd.s32 $0xFFFFCE00  }
0x62: {  	[tilespmem:s13], [sflag:$0x2] =	stream.indirect.gather [hbm4b:s1+s11], $0x80, s7, s11, $0xb8;
	[tilespmem:$0x1C800] =	vst v63  }
0x63: {  	_ =	swait.ge [sflag:s14], $0x3200  }
0x64: {  	[sflag:s14] =	ssyncset.done $0x0  }
0x65: {  	s8 =	rddreg [dreg:$0xf];
	[sflag:s14] =	ssyncadd.s32 $0xFFFFCE00  }
0x66: {  	[spmem:s3] =	stream.indirect.scatter.add.f32 [tilespmem:s12], [sflag:$0x3], $0x80, s8, s11, $0xb8;
	[tilespmem:$0x1C800] =	vst v63  }
0x67: {  	_ =	swait.ge [sflag:s9], $0x3200  }
0x68: {  	[sflag:s9] =	ssyncset.done $0x0  }
0x69: {  	s16 =	rddreg [dreg:$0x10];
	[sflag:s9] =	ssyncadd.s32 $0xFFFFCE00  }
0x6a: {  	[tilespmem:s12], [sflag:$0x1] =	stream.indirect.gather [hbm4b:s1+s11], $0x80, s16, s11, $0xb8;
	[tilespmem:$0x1C800] =	vst v63  }
0x6b: {  	_ =	swait.ge [sflag:s15], $0x3200  }
0x6c: {  	[sflag:s15] =	ssyncset.done $0x0  }
0x6d: {  	s7 =	rddreg [dreg:$0x11];
	[sflag:s15] =	ssyncadd.s32 $0xFFFFCE00  }
0x6e: {  	[spmem:s3] =	stream.indirect.scatter.add.f32 [tilespmem:s13], [sflag:$0x3], $0x80, s7, s11, $0xb8;
	[tilespmem:$0x1C800] =	vst v63  }
0x6f: {  	_ =	swait.ge [sflag:s9], $0x3200  }
0x70: {  	[sflag:s9] =	ssyncset.done $0x0  }
0x71: {  	s8 =	rddreg [dreg:$0x12];
	[sflag:s9] =	ssyncadd.s32 $0xFFFFCE00  }
0x72: {  	[tilespmem:s13], [sflag:$0x2] =	stream.indirect.gather [hbm4b:s1+s11], $0x80, s8, s11, $0xb8;
	[tilespmem:$0x1C800] =	vst v63  }
0x73: {  	_ =	swait.ge [sflag:s14], $0x3200  }
0x74: {  	[sflag:s14] =	ssyncset.done $0x0  }
0x75: {  	s16 =	rddreg [dreg:$0x13];
	[sflag:s14] =	ssyncadd.s32 $0xFFFFCE00  }
0x76: {  	[spmem:s3] =	stream.indirect.scatter.add.f32 [tilespmem:s12], [sflag:$0x3], $0x80, s16, s11, $0xb8;
	[tilespmem:$0x1C800] =	vst v63  }
0x77: {  	_ =	swait.ge [sflag:s9], $0x3200  }
0x78: {  	[sflag:s9] =	ssyncset.done $0x0  }
0x79: {  	s7 =	rddreg [dreg:$0x14];
	[sflag:s9] =	ssyncadd.s32 $0xFFFFCE00  }
0x7a: {  	[tilespmem:s12], [sflag:$0x1] =	stream.indirect.gather [hbm4b:s1+s11], $0x80, s7, s11, $0xb8;
	[tilespmem:$0x1C800] =	vst v63  }
0x7b: {  	_ =	swait.ge [sflag:s15], $0x3200  }
0x7c: {  	[sflag:s15] =	ssyncset.done $0x0  }
0x7d: {  	s8 =	rddreg [dreg:$0x15];
	[sflag:s15] =	ssyncadd.s32 $0xFFFFCE00  }
0x7e: {  	[spmem:s3] =	stream.indirect.scatter.add.f32 [tilespmem:s13], [sflag:$0x3], $0x80, s8, s11, $0xb8;
	[tilespmem:$0x1C800] =	vst v63  }
0x7f: {  	_ =	swait.ge [sflag:s9], $0x3200  }
0x80: {  	[sflag:s9] =	ssyncset.done $0x0  }
0x81: {  	s16 =	rddreg [dreg:$0x16];
	[sflag:s9] =	ssyncadd.s32 $0xFFFFCE00  }
0x82: {  	[tilespmem:s13], [sflag:$0x2] =	stream.indirect.gather [hbm4b:s1+s11], $0x80, s16, s11, $0xb8;
	[tilespmem:$0x1C800] =	vst v63  }
0x83: {  	_ =	swait.ge [sflag:s14], $0x3200  }
0x84: {  	[sflag:s14] =	ssyncset.done $0x0  }
0x85: {  	s7 =	rddreg [dreg:$0x17];
	[sflag:s14] =	ssyncadd.s32 $0xFFFFCE00  }
0x86: {  	[spmem:s3] =	stream.indirect.scatter.add.f32 [tilespmem:s12], [sflag:$0x3], $0x80, s7, s11, $0xb8;
	[tilespmem:$0x1C800] =	vst v63  }
0x87: {  	_ =	swait.ge [sflag:s9], $0x3200  }
0x88: {  	[sflag:s9] =	ssyncset.done $0x0  }
0x89: {  	s8 =	rddreg [dreg:$0x18];
	[sflag:s9] =	ssyncadd.s32 $0xFFFFCE00  }
0x8a: {  	[tilespmem:s12], [sflag:$0x1] =	stream.indirect.gather [hbm4b:s1+s11], $0x80, s8, s11, $0xb8;
	[tilespmem:$0x1C800] =	vst v63  }
0x8b: {  	_ =	swait.ge [sflag:s15], $0x3200  }
0x8c: {  	[sflag:s15] =	ssyncset.done $0x0  }
0x8d: {  	s16 =	rddreg [dreg:$0x19];
	[sflag:s15] =	ssyncadd.s32 $0xFFFFCE00  }
0x8e: {  	[spmem:s3] =	stream.indirect.scatter.add.f32 [tilespmem:s13], [sflag:$0x3], $0x80, s16, s11, $0xb8;
	[tilespmem:$0x1C800] =	vst v63  }
0x8f: {  	_ =	swait.ge [sflag:s9], $0x3200  }
0x90: {  	[sflag:s9] =	ssyncset.done $0x0  }
0x91: {  	s7 =	rddreg [dreg:$0x1a];
	[sflag:s9] =	ssyncadd.s32 $0xFFFFCE00  }
0x92: {  	[tilespmem:s13], [sflag:$0x2] =	stream.indirect.gather [hbm4b:s1+s11], $0x80, s7, s11, $0xb8;
	[tilespmem:$0x1C800] =	vst v63  }
0x93: {  	_ =	swait.ge [sflag:s14], $0x3200  }
0x94: {  	[sflag:s14] =	ssyncset.done $0x0  }
0x95: {  	s8 =	rddreg [dreg:$0x1b];
	[sflag:s14] =	ssyncadd.s32 $0xFFFFCE00  }
0x96: {  	[spmem:s3] =	stream.indirect.scatter.add.f32 [tilespmem:s12], [sflag:$0x3], $0x80, s8, s11, $0xb8;
	[tilespmem:$0x1C800] =	vst v63  }
0x97: {  	_ =	swait.ge [sflag:s9], $0x3200  }
0x98: {  	[sflag:s9] =	ssyncset.done $0x0  }
0x99: {  	s16 =	simm.s32 $0x600;
	[sflag:s9] =	ssyncadd.s32 $0xFFFFCE00  }
0x9a: {  	[tilespmem:s12], [sflag:$0x1] =	stream.indirect.gather [hbm4b:s1+s11], $0x80, s16, s11, $0xb8;
	[tilespmem:$0x1C800] =	vst v63  }
0x9b: {  	_ =	swait.ge [sflag:s15], $0x3200  }
0x9c: {  	[sflag:s15] =	ssyncset.done $0x0  }
0x9d: {  	[sflag:s15] =	ssyncadd.s32 $0xFFFFCE00  }
0x9e: {  	[spmem:s3] =	stream.indirect.scatter.add.f32 [tilespmem:s13], [sflag:$0x3], $0x80, s17, s11, $0xb8;
	[tilespmem:$0x1C800] =	vst v63  }
0x9f: {  	_ =	swait.ge [sflag:s9], $0x3200  }
0xa0: {  	[sflag:s9] =	ssyncset.done $0x0  }
0xa1: {  	[sflag:s9] =	ssyncadd.s32 $0xFFFFCE00  }
0xa2: {  	[tilespmem:s13], [sflag:$0x2] =	stream.indirect.gather [hbm4b:s1+s11], $0x80, s18, s11, $0xb8;
	[tilespmem:$0x1C800] =	vst v63  }
0xa3: {  	_ =	swait.ge [sflag:s14], $0x3200  }
0xa4: {  	[sflag:s14] =	ssyncset.done $0x0  }
0xa5: {  	[sflag:s14] =	ssyncadd.s32 $0xFFFFCE00  }
0xa6: {  	[spmem:s3] =	stream.indirect.scatter.add.f32 [tilespmem:s12], [sflag:$0x3], $0x80, s19, s11, $0xb8;
	[tilespmem:$0x1C800] =	vst v63  }
0xa7: {  	_ =	swait.ge [sflag:s9], $0x3200  }
0xa8: {  	[sflag:s9] =	ssyncset.done $0x0  }
0xa9: {  	[sflag:s9] =	ssyncadd.s32 $0xFFFFCE00  }
0xaa: {  	[tilespmem:s12], [sflag:$0x1] =	stream.indirect.gather [hbm4b:s1+s11], $0x80, s20, s11, $0xb8;
	[tilespmem:$0x1C800] =	vst v63  }
0xab: {  	_ =	swait.ge [sflag:s15], $0x3200  }
0xac: {  	[sflag:s15] =	ssyncset.done $0x0  }
0xad: {  	[sflag:s15] =	ssyncadd.s32 $0xFFFFCE00  }
0xae: {  	[spmem:s3] =	stream.indirect.scatter.add.f32 [tilespmem:s13], [sflag:$0x3], $0x80, s21, s11, $0xb8;
	[tilespmem:$0x1C800] =	vst v63  }
0xaf: {  	_ =	swait.ge [sflag:s9], $0x3200  }
0xb0: {  	[sflag:s9] =	ssyncset.done $0x0  }
0xb1: {  	[sflag:s9] =	ssyncadd.s32 $0xFFFFCE00  }
0xb2: {  	[tilespmem:s13], [sflag:$0x2] =	stream.indirect.gather [hbm4b:s1+s11], $0x80, s22, s11, $0xb8;
	[tilespmem:$0x1C800] =	vst v63  }
0xb3: {  	_ =	swait.ge [sflag:s14], $0x3200  }
0xb4: {  	[sflag:s14] =	ssyncset.done $0x0  }
0xb5: {  	[sflag:s14] =	ssyncadd.s32 $0xFFFFCE00  }
0xb6: {  	[spmem:s3] =	stream.indirect.scatter.add.f32 [tilespmem:s12], [sflag:$0x3], $0x80, s23, s11, $0xb8;
	[tilespmem:$0x1C800] =	vst v63  }
0xb7: {  	_ =	swait.ge [sflag:s9], $0x3200  }
0xb8: {  	[sflag:s9] =	ssyncset.done $0x0  }
0xb9: {  	[sflag:s9] =	ssyncadd.s32 $0xFFFFCE00  }
0xba: {  	[tilespmem:s12], [sflag:$0x1] =	stream.indirect.gather [hbm4b:s1+s11], $0x80, s24, s11, $0xb8;
	[tilespmem:$0x1C800] =	vst v63  }
0xbb: {  	_ =	swait.ge [sflag:s15], $0x3200  }
0xbc: {  	[sflag:s15] =	ssyncset.done $0x0  }
0xbd: {  	[sflag:s15] =	ssyncadd.s32 $0xFFFFCE00  }
0xbe: {  	[spmem:s3] =	stream.indirect.scatter.add.f32 [tilespmem:s13], [sflag:$0x3], $0x80, s25, s11, $0xb8;
	[tilespmem:$0x1C800] =	vst v63  }
0xbf: {  	_ =	swait.ge [sflag:s9], $0x3200  }
0xc0: {  	[sflag:s9] =	ssyncset.done $0x0  }
0xc1: {  	[sflag:s9] =	ssyncadd.s32 $0xFFFFCE00  }
0xc2: {  	[tilespmem:s13], [sflag:$0x2] =	stream.indirect.gather [hbm4b:s1+s11], $0x80, s26, s11, $0xb8;
	[tilespmem:$0x1C800] =	vst v63  }
0xc3: {  	_ =	swait.ge [sflag:s14], $0x3200  }
0xc4: {  	[sflag:s14] =	ssyncset.done $0x0  }
0xc5: {  	[sflag:s14] =	ssyncadd.s32 $0xFFFFCE00  }
0xc6: {  	[spmem:s3] =	stream.indirect.scatter.add.f32 [tilespmem:s12], [sflag:$0x3], $0x80, s28, s11, $0xb8;
	[tilespmem:$0x1C800] =	vst v63  }
0xc7: {  	_ =	swait.ge [sflag:s9], $0x3200  }
0xc8: {  	[sflag:s9] =	ssyncset.done $0x0  }
0xc9: {  	[sflag:s9] =	ssyncadd.s32 $0xFFFFCE00  }
0xca: {  	[tilespmem:s12], [sflag:$0x1] =	stream.indirect.gather [hbm4b:s1+s11], $0x80, s29, s11, $0xb8;
	[tilespmem:$0x1C800] =	vst v63  }
0xcb: {  	_ =	swait.ge [sflag:s15], $0x3200  }
0xcc: {  	[sflag:s15] =	ssyncset.done $0x0  }
0xcd: {  	[sflag:s15] =	ssyncadd.s32 $0xFFFFCE00  }
0xce: {  	[spmem:s3] =	stream.indirect.scatter.add.f32 [tilespmem:s13], [sflag:$0x3], $0x80, s30, s11, $0xb8;
	[tilespmem:$0x1C800] =	vst v63  }
0xcf: {  	_ =	swait.ge [sflag:s9], $0x3200  }
0xd0: {  	[sflag:s9] =	ssyncset.done $0x0  }
0xd1: {  	[sflag:s9] =	ssyncadd.s32 $0xFFFFCE00  }
0xd2: {  	[tilespmem:s13], [sflag:$0x2] =	stream.indirect.gather [hbm4b:s1+s11], $0x80, s31, s11, $0xb8;
	[tilespmem:$0x1C800] =	vst v63  }
0xd3: {  	_ =	swait.ge [sflag:s14], $0x3200  }
0xd4: {  	[sflag:s14] =	ssyncset.done $0x0  }
0xd5: {  	[sflag:s14] =	ssyncadd.s32 $0xFFFFCE00  }
0xd6: {  	[spmem:s3] =	stream.indirect.scatter.add.f32 [tilespmem:s12], [sflag:$0x3], $0x80, s2, s11, $0xb8;
	[tilespmem:$0x1C800] =	vst v63  }
0xd7: {  	_ =	swait.ge [sflag:s9], $0x3200  }
0xd8: {  	[sflag:s9] =	ssyncset.done $0x0  }
0xd9: {  	[sflag:s9] =	ssyncadd.s32 $0xFFFFCE00  }
0xda: {  	_ =	swait.ge [sflag:s15], $0x3200  }
0xdb: {  	[sflag:s15] =	ssyncset.done $0x0  }
0xdc: {  	[sflag:s15] =	ssyncadd.s32 $0xFFFFCE00  }
0xdd: {  	[spmem:s3] =	stream.indirect.scatter.add.f32 [tilespmem:s13], [sflag:$0x3], $0x80, s0, s11, $0xb8;
	[tilespmem:$0x1C800] =	vst v63  }
0xde: {  	s6 =	simm.s32 $0x300;
	_ =	swait.ge [sflag:s9], $0x3200  }
0xdf: {  	s7 =	simm.s32 $0x180;
	s8 =	rddreg [dreg:$0x6];
	[sflag:s9] =	ssyncset.done $0x0  }
.LBB2_6:
0xe0: {  	[sflag:s9] =	ssyncadd.s32 $0xFFFFCE00;
	s8 =	sadd.s32 s7, s8  }
0xe1: {  	[tilespmem:s10], [sflag:$0x3] =	stream.linear.gather [hbm4b:s8+s4], $0xA00, $0x38;
	[tilespmem:$0x1C800] =	vst v63  }
0xe2: {  	_ =	swait.ge [sflag:s9], $0xA00  }
0xe3: {  	s8 =	rddreg [dreg:$0x5];
	[sflag:s9] =	ssyncset.done $0x0  }
0xe4: {  	[sflag:s9] =	ssyncadd.s32 $0xFFFFF600;
	s8 =	sadd.s32 s7, s8  }
0xe5: {  	[tilespmem:s4], [sflag:$0x3] =	stream.linear.gather [hbm4b:s8+s4], $0xA00, $0x38;
	[tilespmem:$0x1C800] =	vst v63  }
0xe6: {  	_ =	swait.ge [sflag:s9], $0xA00  }
0xe7: {  	[sflag:s9] =	ssyncset.done $0x0  }
0xe8: {  	[sflag:s9] =	ssyncadd.s32 $0xFFFFF600  }
0xe9: {  	[tilespmem:s12], [sflag:$0x1] =	stream.indirect.gather [hbm4b:s1+s11], $0x80, s4, s11, $0xb8;
	[tilespmem:$0x1C800] =	vst v63  }
0xea: {  	s8 =	rddreg [dreg:$0x7]  }
0xeb: {  	[tilespmem:s13], [sflag:$0x2] =	stream.indirect.gather [hbm4b:s1+s11], $0x80, s8, s11, $0xb8;
	[tilespmem:$0x1C800] =	vst v63  }
0xec: {  	_ =	swait.ge [sflag:s14], $0x3200  }
0xed: {  	[sflag:s14] =	ssyncset.done $0x0  }
0xee: {  	[sflag:s14] =	ssyncadd.s32 $0xFFFFCE00  }
0xef: {  	[spmem:s3] =	stream.indirect.scatter.add.f32 [tilespmem:s12], [sflag:$0x3], $0x80, s10, s11, $0xb8;
	[tilespmem:$0x1C800] =	vst v63  }
0xf0: {  	_ =	swait.ge [sflag:s9], $0x3200  }
0xf1: {  	[sflag:s9] =	ssyncset.done $0x0  }
0xf2: {  	s8 =	rddreg [dreg:$0x8];
	[sflag:s9] =	ssyncadd.s32 $0xFFFFCE00  }
0xf3: {  	[tilespmem:s12], [sflag:$0x1] =	stream.indirect.gather [hbm4b:s1+s11], $0x80, s8, s11, $0xb8;
	[tilespmem:$0x1C800] =	vst v63  }
0xf4: {  	_ =	swait.ge [sflag:s15], $0x3200  }
0xf5: {  	[sflag:s15] =	ssyncset.done $0x0  }
0xf6: {  	s8 =	rddreg [dreg:$0x9];
	[sflag:s15] =	ssyncadd.s32 $0xFFFFCE00  }
0xf7: {  	[spmem:s3] =	stream.indirect.scatter.add.f32 [tilespmem:s13], [sflag:$0x3], $0x80, s8, s11, $0xb8;
	[tilespmem:$0x1C800] =	vst v63  }
0xf8: {  	_ =	swait.ge [sflag:s9], $0x3200  }
0xf9: {  	[sflag:s9] =	ssyncset.done $0x0  }
0xfa: {  	s8 =	rddreg [dreg:$0xa];
	[sflag:s9] =	ssyncadd.s32 $0xFFFFCE00  }
0xfb: {  	[tilespmem:s13], [sflag:$0x2] =	stream.indirect.gather [hbm4b:s1+s11], $0x80, s8, s11, $0xb8;
	[tilespmem:$0x1C800] =	vst v63  }
0xfc: {  	_ =	swait.ge [sflag:s14], $0x3200  }
0xfd: {  	[sflag:s14] =	ssyncset.done $0x0  }
0xfe: {  	s8 =	rddreg [dreg:$0xb];
	[sflag:s14] =	ssyncadd.s32 $0xFFFFCE00  }
0xff: {  	[spmem:s3] =	stream.indirect.scatter.add.f32 [tilespmem:s12], [sflag:$0x3], $0x80, s8, s11, $0xb8;
	[tilespmem:$0x1C800] =	vst v63  }
0x100: {  	_ =	swait.ge [sflag:s9], $0x3200  }
0x101: {  	[sflag:s9] =	ssyncset.done $0x0  }
0x102: {  	s8 =	rddreg [dreg:$0xc];
	[sflag:s9] =	ssyncadd.s32 $0xFFFFCE00  }
0x103: {  	[tilespmem:s12], [sflag:$0x1] =	stream.indirect.gather [hbm4b:s1+s11], $0x80, s8, s11, $0xb8;
	[tilespmem:$0x1C800] =	vst v63  }
0x104: {  	_ =	swait.ge [sflag:s15], $0x3200  }
0x105: {  	[sflag:s15] =	ssyncset.done $0x0  }
0x106: {  	s8 =	rddreg [dreg:$0xd];
	[sflag:s15] =	ssyncadd.s32 $0xFFFFCE00  }
0x107: {  	[spmem:s3] =	stream.indirect.scatter.add.f32 [tilespmem:s13], [sflag:$0x3], $0x80, s8, s11, $0xb8;
	[tilespmem:$0x1C800] =	vst v63  }
0x108: {  	_ =	swait.ge [sflag:s9], $0x3200  }
0x109: {  	[sflag:s9] =	ssyncset.done $0x0  }
0x10a: {  	s8 =	rddreg [dreg:$0xe];
	[sflag:s9] =	ssyncadd.s32 $0xFFFFCE00  }
0x10b: {  	[tilespmem:s13], [sflag:$0x2] =	stream.indirect.gather [hbm4b:s1+s11], $0x80, s8, s11, $0xb8;
	[tilespmem:$0x1C800] =	vst v63  }
0x10c: {  	_ =	swait.ge [sflag:s14], $0x3200  }
0x10d: {  	[sflag:s14] =	ssyncset.done $0x0  }
0x10e: {  	s8 =	rddreg [dreg:$0xf];
	[sflag:s14] =	ssyncadd.s32 $0xFFFFCE00  }
0x10f: {  	[spmem:s3] =	stream.indirect.scatter.add.f32 [tilespmem:s12], [sflag:$0x3], $0x80, s8, s11, $0xb8;
	[tilespmem:$0x1C800] =	vst v63  }
0x110: {  	_ =	swait.ge [sflag:s9], $0x3200  }
0x111: {  	[sflag:s9] =	ssyncset.done $0x0  }
0x112: {  	s8 =	rddreg [dreg:$0x10];
	[sflag:s9] =	ssyncadd.s32 $0xFFFFCE00  }
0x113: {  	[tilespmem:s12], [sflag:$0x1] =	stream.indirect.gather [hbm4b:s1+s11], $0x80, s8, s11, $0xb8;
	[tilespmem:$0x1C800] =	vst v63  }
0x114: {  	_ =	swait.ge [sflag:s15], $0x3200  }
0x115: {  	[sflag:s15] =	ssyncset.done $0x0  }
0x116: {  	s8 =	rddreg [dreg:$0x11];
	[sflag:s15] =	ssyncadd.s32 $0xFFFFCE00  }
0x117: {  	[spmem:s3] =	stream.indirect.scatter.add.f32 [tilespmem:s13], [sflag:$0x3], $0x80, s8, s11, $0xb8;
	[tilespmem:$0x1C800] =	vst v63  }
0x118: {  	_ =	swait.ge [sflag:s9], $0x3200  }
0x119: {  	[sflag:s9] =	ssyncset.done $0x0  }
0x11a: {  	s8 =	rddreg [dreg:$0x12];
	[sflag:s9] =	ssyncadd.s32 $0xFFFFCE00  }
0x11b: {  	[tilespmem:s13], [sflag:$0x2] =	stream.indirect.gather [hbm4b:s1+s11], $0x80, s8, s11, $0xb8;
	[tilespmem:$0x1C800] =	vst v63  }
0x11c: {  	_ =	swait.ge [sflag:s14], $0x3200  }
0x11d: {  	[sflag:s14] =	ssyncset.done $0x0  }
0x11e: {  	s8 =	rddreg [dreg:$0x13];
	[sflag:s14] =	ssyncadd.s32 $0xFFFFCE00  }
0x11f: {  	[spmem:s3] =	stream.indirect.scatter.add.f32 [tilespmem:s12], [sflag:$0x3], $0x80, s8, s11, $0xb8;
	[tilespmem:$0x1C800] =	vst v63  }
0x120: {  	_ =	swait.ge [sflag:s9], $0x3200  }
0x121: {  	[sflag:s9] =	ssyncset.done $0x0  }
0x122: {  	s8 =	rddreg [dreg:$0x14];
	[sflag:s9] =	ssyncadd.s32 $0xFFFFCE00  }
0x123: {  	[tilespmem:s12], [sflag:$0x1] =	stream.indirect.gather [hbm4b:s1+s11], $0x80, s8, s11, $0xb8;
	[tilespmem:$0x1C800] =	vst v63  }
0x124: {  	_ =	swait.ge [sflag:s15], $0x3200  }
0x125: {  	[sflag:s15] =	ssyncset.done $0x0  }
0x126: {  	s8 =	rddreg [dreg:$0x15];
	[sflag:s15] =	ssyncadd.s32 $0xFFFFCE00  }
0x127: {  	[spmem:s3] =	stream.indirect.scatter.add.f32 [tilespmem:s13], [sflag:$0x3], $0x80, s8, s11, $0xb8;
	[tilespmem:$0x1C800] =	vst v63  }
0x128: {  	_ =	swait.ge [sflag:s9], $0x3200  }
0x129: {  	[sflag:s9] =	ssyncset.done $0x0  }
0x12a: {  	s8 =	rddreg [dreg:$0x16];
	[sflag:s9] =	ssyncadd.s32 $0xFFFFCE00  }
0x12b: {  	[tilespmem:s13], [sflag:$0x2] =	stream.indirect.gather [hbm4b:s1+s11], $0x80, s8, s11, $0xb8;
	[tilespmem:$0x1C800] =	vst v63  }
0x12c: {  	_ =	swait.ge [sflag:s14], $0x3200  }
0x12d: {  	[sflag:s14] =	ssyncset.done $0x0  }
0x12e: {  	s8 =	rddreg [dreg:$0x17];
	[sflag:s14] =	ssyncadd.s32 $0xFFFFCE00  }
0x12f: {  	[spmem:s3] =	stream.indirect.scatter.add.f32 [tilespmem:s12], [sflag:$0x3], $0x80, s8, s11, $0xb8;
	[tilespmem:$0x1C800] =	vst v63  }
0x130: {  	_ =	swait.ge [sflag:s9], $0x3200  }
0x131: {  	[sflag:s9] =	ssyncset.done $0x0  }
0x132: {  	s8 =	rddreg [dreg:$0x18];
	[sflag:s9] =	ssyncadd.s32 $0xFFFFCE00  }
0x133: {  	[tilespmem:s12], [sflag:$0x1] =	stream.indirect.gather [hbm4b:s1+s11], $0x80, s8, s11, $0xb8;
	[tilespmem:$0x1C800] =	vst v63  }
0x134: {  	_ =	swait.ge [sflag:s15], $0x3200  }
0x135: {  	[sflag:s15] =	ssyncset.done $0x0  }
0x136: {  	s8 =	rddreg [dreg:$0x19];
	[sflag:s15] =	ssyncadd.s32 $0xFFFFCE00  }
0x137: {  	[spmem:s3] =	stream.indirect.scatter.add.f32 [tilespmem:s13], [sflag:$0x3], $0x80, s8, s11, $0xb8;
	[tilespmem:$0x1C800] =	vst v63  }
0x138: {  	_ =	swait.ge [sflag:s9], $0x3200  }
0x139: {  	[sflag:s9] =	ssyncset.done $0x0  }
0x13a: {  	s8 =	rddreg [dreg:$0x1a];
	[sflag:s9] =	ssyncadd.s32 $0xFFFFCE00  }
0x13b: {  	[tilespmem:s13], [sflag:$0x2] =	stream.indirect.gather [hbm4b:s1+s11], $0x80, s8, s11, $0xb8;
	[tilespmem:$0x1C800] =	vst v63  }
0x13c: {  	_ =	swait.ge [sflag:s14], $0x3200  }
0x13d: {  	[sflag:s14] =	ssyncset.done $0x0  }
0x13e: {  	s8 =	rddreg [dreg:$0x1b];
	[sflag:s14] =	ssyncadd.s32 $0xFFFFCE00  }
0x13f: {  	[spmem:s3] =	stream.indirect.scatter.add.f32 [tilespmem:s12], [sflag:$0x3], $0x80, s8, s11, $0xb8;
	[tilespmem:$0x1C800] =	vst v63  }
0x140: {  	_ =	swait.ge [sflag:s9], $0x3200  }
0x141: {  	s16 =	smov.u32 s6;
	[sflag:s9] =	ssyncset.done $0x0  }
0x142: {  	s7 =	smov.u32 s16;
	s16 =	simm.s32 $0x600;
	[sflag:s9] =	ssyncadd.s32 $0xFFFFCE00  }
0x143: {  	[tilespmem:s12], [sflag:$0x1] =	stream.indirect.gather [hbm4b:s1+s11], $0x80, s16, s11, $0xb8;
	[tilespmem:$0x1C800] =	vst v63  }
0x144: {  	_ =	swait.ge [sflag:s15], $0x3200  }
0x145: {  	[sflag:s15] =	ssyncset.done $0x0  }
0x146: {  	[sflag:s15] =	ssyncadd.s32 $0xFFFFCE00  }
0x147: {  	[spmem:s3] =	stream.indirect.scatter.add.f32 [tilespmem:s13], [sflag:$0x3], $0x80, s17, s11, $0xb8;
	[tilespmem:$0x1C800] =	vst v63  }
0x148: {  	_ =	swait.ge [sflag:s9], $0x3200  }
0x149: {  	[sflag:s9] =	ssyncset.done $0x0  }
0x14a: {  	[sflag:s9] =	ssyncadd.s32 $0xFFFFCE00  }
0x14b: {  	[tilespmem:s13], [sflag:$0x2] =	stream.indirect.gather [hbm4b:s1+s11], $0x80, s18, s11, $0xb8;
	[tilespmem:$0x1C800] =	vst v63  }
0x14c: {  	_ =	swait.ge [sflag:s14], $0x3200  }
0x14d: {  	[sflag:s14] =	ssyncset.done $0x0  }
0x14e: {  	[sflag:s14] =	ssyncadd.s32 $0xFFFFCE00  }
0x14f: {  	[spmem:s3] =	stream.indirect.scatter.add.f32 [tilespmem:s12], [sflag:$0x3], $0x80, s19, s11, $0xb8;
	[tilespmem:$0x1C800] =	vst v63  }
0x150: {  	_ =	swait.ge [sflag:s9], $0x3200  }
0x151: {  	[sflag:s9] =	ssyncset.done $0x0  }
0x152: {  	[sflag:s9] =	ssyncadd.s32 $0xFFFFCE00  }
0x153: {  	[tilespmem:s12], [sflag:$0x1] =	stream.indirect.gather [hbm4b:s1+s11], $0x80, s20, s11, $0xb8;
	[tilespmem:$0x1C800] =	vst v63  }
0x154: {  	_ =	swait.ge [sflag:s15], $0x3200  }
0x155: {  	[sflag:s15] =	ssyncset.done $0x0  }
0x156: {  	[sflag:s15] =	ssyncadd.s32 $0xFFFFCE00  }
0x157: {  	[spmem:s3] =	stream.indirect.scatter.add.f32 [tilespmem:s13], [sflag:$0x3], $0x80, s21, s11, $0xb8;
	[tilespmem:$0x1C800] =	vst v63  }
0x158: {  	_ =	swait.ge [sflag:s9], $0x3200  }
0x159: {  	[sflag:s9] =	ssyncset.done $0x0  }
0x15a: {  	[sflag:s9] =	ssyncadd.s32 $0xFFFFCE00  }
0x15b: {  	[tilespmem:s13], [sflag:$0x2] =	stream.indirect.gather [hbm4b:s1+s11], $0x80, s22, s11, $0xb8;
	[tilespmem:$0x1C800] =	vst v63  }
0x15c: {  	_ =	swait.ge [sflag:s14], $0x3200  }
0x15d: {  	[sflag:s14] =	ssyncset.done $0x0  }
0x15e: {  	[sflag:s14] =	ssyncadd.s32 $0xFFFFCE00  }
0x15f: {  	[spmem:s3] =	stream.indirect.scatter.add.f32 [tilespmem:s12], [sflag:$0x3], $0x80, s23, s11, $0xb8;
	[tilespmem:$0x1C800] =	vst v63  }
0x160: {  	_ =	swait.ge [sflag:s9], $0x3200  }
0x161: {  	[sflag:s9] =	ssyncset.done $0x0  }
0x162: {  	[sflag:s9] =	ssyncadd.s32 $0xFFFFCE00  }
0x163: {  	[tilespmem:s12], [sflag:$0x1] =	stream.indirect.gather [hbm4b:s1+s11], $0x80, s24, s11, $0xb8;
	[tilespmem:$0x1C800] =	vst v63  }
0x164: {  	_ =	swait.ge [sflag:s15], $0x3200  }
0x165: {  	[sflag:s15] =	ssyncset.done $0x0  }
0x166: {  	[sflag:s15] =	ssyncadd.s32 $0xFFFFCE00  }
0x167: {  	[spmem:s3] =	stream.indirect.scatter.add.f32 [tilespmem:s13], [sflag:$0x3], $0x80, s25, s11, $0xb8;
	[tilespmem:$0x1C800] =	vst v63  }
0x168: {  	_ =	swait.ge [sflag:s9], $0x3200  }
0x169: {  	[sflag:s9] =	ssyncset.done $0x0  }
0x16a: {  	[sflag:s9] =	ssyncadd.s32 $0xFFFFCE00  }
0x16b: {  	[tilespmem:s13], [sflag:$0x2] =	stream.indirect.gather [hbm4b:s1+s11], $0x80, s26, s11, $0xb8;
	[tilespmem:$0x1C800] =	vst v63  }
0x16c: {  	_ =	swait.ge [sflag:s14], $0x3200  }
0x16d: {  	[sflag:s14] =	ssyncset.done $0x0  }
0x16e: {  	[sflag:s14] =	ssyncadd.s32 $0xFFFFCE00  }
0x16f: {  	[spmem:s3] =	stream.indirect.scatter.add.f32 [tilespmem:s12], [sflag:$0x3], $0x80, s28, s11, $0xb8;
	[tilespmem:$0x1C800] =	vst v63  }
0x170: {  	_ =	swait.ge [sflag:s9], $0x3200  }
0x171: {  	[sflag:s9] =	ssyncset.done $0x0  }
0x172: {  	[sflag:s9] =	ssyncadd.s32 $0xFFFFCE00  }
0x173: {  	[tilespmem:s12], [sflag:$0x1] =	stream.indirect.gather [hbm4b:s1+s11], $0x80, s29, s11, $0xb8;
	[tilespmem:$0x1C800] =	vst v63  }
0x174: {  	_ =	swait.ge [sflag:s15], $0x3200  }
0x175: {  	[sflag:s15] =	ssyncset.done $0x0  }
0x176: {  	[sflag:s15] =	ssyncadd.s32 $0xFFFFCE00  }
0x177: {  	[spmem:s3] =	stream.indirect.scatter.add.f32 [tilespmem:s13], [sflag:$0x3], $0x80, s30, s11, $0xb8;
	[tilespmem:$0x1C800] =	vst v63  }
0x178: {  	_ =	swait.ge [sflag:s9], $0x3200  }
0x179: {  	[sflag:s9] =	ssyncset.done $0x0  }
0x17a: {  	[sflag:s9] =	ssyncadd.s32 $0xFFFFCE00  }
0x17b: {  	[tilespmem:s13], [sflag:$0x2] =	stream.indirect.gather [hbm4b:s1+s11], $0x80, s31, s11, $0xb8;
	[tilespmem:$0x1C800] =	vst v63  }
0x17c: {  	_ =	swait.ge [sflag:s14], $0x3200  }
0x17d: {  	[sflag:s14] =	ssyncset.done $0x0  }
0x17e: {  	[sflag:s14] =	ssyncadd.s32 $0xFFFFCE00  }
0x17f: {  	[spmem:s3] =	stream.indirect.scatter.add.f32 [tilespmem:s12], [sflag:$0x3], $0x80, s2, s11, $0xb8;
	[tilespmem:$0x1C800] =	vst v63  }
0x180: {  	_ =	swait.ge [sflag:s9], $0x3200  }
0x181: {  	[sflag:s9] =	ssyncset.done $0x0  }
0x182: {  	[sflag:s9] =	ssyncadd.s32 $0xFFFFCE00  }
0x183: {  	p0 =	sne.s32 s6, $0x600;
	_ =	swait.ge [sflag:s15], $0x3200  }
.Ltmp2:
0x184: {  	[sflag:s15] =	ssyncset.done $0x0;
	(pc) =	sbr.rel @p0 .LBB2_6-.Ltmp2, $4  }
0x185: {  	[sflag:s15] =	ssyncadd.s32 $0xFFFFCE00  }
0x186: {  	[spmem:s3] =	stream.indirect.scatter.add.f32 [tilespmem:s13], [sflag:$0x3], $0x80, s0, s11, $0xb8;
	[tilespmem:$0x1C800] =	vst v63  }
0x187: {  	_ =	swait.ge [sflag:s9], $0x3200  }
0x188: {  	s6 =	sadd.s32 $0x180, s6;
	s8 =	rddreg [dreg:$0x6];
	[sflag:s9] =	ssyncset.done $0x0  }
0x189: {  	[sflag:s9] =	ssyncadd.s32 $0xFFFFCE00;
	s6 =	sadd.s32 s7, s8  }
0x18a: {  	[tilespmem:s10], [sflag:$0x3] =	stream.linear.gather [hbm4b:s6+s4], $0xA00, $0x38;
	[tilespmem:$0x1C800] =	vst v63  }
0x18b: {  	_ =	swait.ge [sflag:s9], $0xA00  }
0x18c: {  	s8 =	rddreg [dreg:$0x5];
	[sflag:s9] =	ssyncset.done $0x0  }
0x18d: {  	[sflag:s9] =	ssyncadd.s32 $0xFFFFF600;
	s6 =	sadd.s32 s7, s8  }
0x18e: {  	[tilespmem:s4], [sflag:$0x3] =	stream.linear.gather [hbm4b:s6+s4], $0xA00, $0x38;
	[tilespmem:$0x1C800] =	vst v63  }
0x18f: {  	_ =	swait.ge [sflag:s9], $0xA00  }
0x190: {  	[sflag:s9] =	ssyncset.done $0x0  }
0x191: {  	[sflag:s9] =	ssyncadd.s32 $0xFFFFF600  }
0x192: {  	[tilespmem:s12], [sflag:$0x1] =	stream.indirect.gather [hbm4b:s1+s11], $0x80, s4, s11, $0xb8;
	[tilespmem:$0x1C800] =	vst v63  }
0x193: {  	s8 =	rddreg [dreg:$0x7]  }
0x194: {  	[tilespmem:s13], [sflag:$0x2] =	stream.indirect.gather [hbm4b:s1+s11], $0x80, s8, s11, $0xb8;
	[tilespmem:$0x1C800] =	vst v63  }
0x195: {  	_ =	swait.ge [sflag:s14], $0x3200  }
0x196: {  	[sflag:s14] =	ssyncset.done $0x0  }
0x197: {  	[sflag:s14] =	ssyncadd.s32 $0xFFFFCE00  }
0x198: {  	[spmem:s3] =	stream.indirect.scatter.add.f32 [tilespmem:s12], [sflag:$0x3], $0x80, s10, s11, $0xb8;
	[tilespmem:$0x1C800] =	vst v63  }
0x199: {  	_ =	swait.ge [sflag:s9], $0x3200  }
0x19a: {  	[sflag:s9] =	ssyncset.done $0x0  }
0x19b: {  	s7 =	rddreg [dreg:$0x8];
	[sflag:s9] =	ssyncadd.s32 $0xFFFFCE00  }
0x19c: {  	[tilespmem:s12], [sflag:$0x1] =	stream.indirect.gather [hbm4b:s1+s11], $0x80, s7, s11, $0xb8;
	[tilespmem:$0x1C800] =	vst v63  }
0x19d: {  	_ =	swait.ge [sflag:s15], $0x3200  }
0x19e: {  	[sflag:s15] =	ssyncset.done $0x0  }
0x19f: {  	s8 =	rddreg [dreg:$0x9];
	[sflag:s15] =	ssyncadd.s32 $0xFFFFCE00  }
0x1a0: {  	[spmem:s3] =	stream.indirect.scatter.add.f32 [tilespmem:s13], [sflag:$0x3], $0x80, s8, s11, $0xb8;
	[tilespmem:$0x1C800] =	vst v63  }
0x1a1: {  	_ =	swait.ge [sflag:s9], $0x3200  }
0x1a2: {  	[sflag:s9] =	ssyncset.done $0x0  }
0x1a3: {  	s7 =	rddreg [dreg:$0xa];
	[sflag:s9] =	ssyncadd.s32 $0xFFFFCE00  }
0x1a4: {  	[tilespmem:s13], [sflag:$0x2] =	stream.indirect.gather [hbm4b:s1+s11], $0x80, s7, s11, $0xb8;
	[tilespmem:$0x1C800] =	vst v63  }
0x1a5: {  	_ =	swait.ge [sflag:s14], $0x3200  }
0x1a6: {  	[sflag:s14] =	ssyncset.done $0x0  }
0x1a7: {  	s8 =	rddreg [dreg:$0xb];
	[sflag:s14] =	ssyncadd.s32 $0xFFFFCE00  }
0x1a8: {  	[spmem:s3] =	stream.indirect.scatter.add.f32 [tilespmem:s12], [sflag:$0x3], $0x80, s8, s11, $0xb8;
	[tilespmem:$0x1C800] =	vst v63  }
0x1a9: {  	_ =	swait.ge [sflag:s9], $0x3200  }
0x1aa: {  	[sflag:s9] =	ssyncset.done $0x0  }
0x1ab: {  	s7 =	rddreg [dreg:$0xc];
	[sflag:s9] =	ssyncadd.s32 $0xFFFFCE00  }
0x1ac: {  	[tilespmem:s12], [sflag:$0x1] =	stream.indirect.gather [hbm4b:s1+s11], $0x80, s7, s11, $0xb8;
	[tilespmem:$0x1C800] =	vst v63  }
0x1ad: {  	_ =	swait.ge [sflag:s15], $0x3200  }
0x1ae: {  	[sflag:s15] =	ssyncset.done $0x0  }
0x1af: {  	s8 =	rddreg [dreg:$0xd];
	[sflag:s15] =	ssyncadd.s32 $0xFFFFCE00  }
0x1b0: {  	[spmem:s3] =	stream.indirect.scatter.add.f32 [tilespmem:s13], [sflag:$0x3], $0x80, s8, s11, $0xb8;
	[tilespmem:$0x1C800] =	vst v63  }
0x1b1: {  	_ =	swait.ge [sflag:s9], $0x3200  }
0x1b2: {  	[sflag:s9] =	ssyncset.done $0x0  }
0x1b3: {  	s7 =	rddreg [dreg:$0xe];
	[sflag:s9] =	ssyncadd.s32 $0xFFFFCE00  }
0x1b4: {  	[tilespmem:s13], [sflag:$0x2] =	stream.indirect.gather [hbm4b:s1+s11], $0x80, s7, s11, $0xb8;
	[tilespmem:$0x1C800] =	vst v63  }
0x1b5: {  	_ =	swait.ge [sflag:s14], $0x3200  }
0x1b6: {  	[sflag:s14] =	ssyncset.done $0x0  }
0x1b7: {  	s8 =	rddreg [dreg:$0xf];
	[sflag:s14] =	ssyncadd.s32 $0xFFFFCE00  }
0x1b8: {  	[spmem:s3] =	stream.indirect.scatter.add.f32 [tilespmem:s12], [sflag:$0x3], $0x80, s8, s11, $0xb8;
	[tilespmem:$0x1C800] =	vst v63  }
0x1b9: {  	_ =	swait.ge [sflag:s9], $0x3200  }
0x1ba: {  	[sflag:s9] =	ssyncset.done $0x0  }
0x1bb: {  	s7 =	rddreg [dreg:$0x10];
	[sflag:s9] =	ssyncadd.s32 $0xFFFFCE00  }
0x1bc: {  	[tilespmem:s12], [sflag:$0x1] =	stream.indirect.gather [hbm4b:s1+s11], $0x80, s7, s11, $0xb8;
	[tilespmem:$0x1C800] =	vst v63  }
0x1bd: {  	_ =	swait.ge [sflag:s15], $0x3200  }
0x1be: {  	[sflag:s15] =	ssyncset.done $0x0  }
0x1bf: {  	s8 =	rddreg [dreg:$0x11];
	[sflag:s15] =	ssyncadd.s32 $0xFFFFCE00  }
0x1c0: {  	[spmem:s3] =	stream.indirect.scatter.add.f32 [tilespmem:s13], [sflag:$0x3], $0x80, s8, s11, $0xb8;
	[tilespmem:$0x1C800] =	vst v63  }
0x1c1: {  	_ =	swait.ge [sflag:s9], $0x3200  }
0x1c2: {  	[sflag:s9] =	ssyncset.done $0x0  }
0x1c3: {  	s7 =	rddreg [dreg:$0x12];
	[sflag:s9] =	ssyncadd.s32 $0xFFFFCE00  }
0x1c4: {  	[tilespmem:s13], [sflag:$0x2] =	stream.indirect.gather [hbm4b:s1+s11], $0x80, s7, s11, $0xb8;
	[tilespmem:$0x1C800] =	vst v63  }
0x1c5: {  	_ =	swait.ge [sflag:s14], $0x3200  }
0x1c6: {  	[sflag:s14] =	ssyncset.done $0x0  }
0x1c7: {  	s8 =	rddreg [dreg:$0x13];
	[sflag:s14] =	ssyncadd.s32 $0xFFFFCE00  }
0x1c8: {  	[spmem:s3] =	stream.indirect.scatter.add.f32 [tilespmem:s12], [sflag:$0x3], $0x80, s8, s11, $0xb8;
	[tilespmem:$0x1C800] =	vst v63  }
0x1c9: {  	_ =	swait.ge [sflag:s9], $0x3200  }
0x1ca: {  	[sflag:s9] =	ssyncset.done $0x0  }
0x1cb: {  	s7 =	rddreg [dreg:$0x14];
	[sflag:s9] =	ssyncadd.s32 $0xFFFFCE00  }
0x1cc: {  	[tilespmem:s12], [sflag:$0x1] =	stream.indirect.gather [hbm4b:s1+s11], $0x80, s7, s11, $0xb8;
	[tilespmem:$0x1C800] =	vst v63  }
0x1cd: {  	_ =	swait.ge [sflag:s15], $0x3200  }
0x1ce: {  	[sflag:s15] =	ssyncset.done $0x0  }
0x1cf: {  	s8 =	rddreg [dreg:$0x15];
	[sflag:s15] =	ssyncadd.s32 $0xFFFFCE00  }
0x1d0: {  	[spmem:s3] =	stream.indirect.scatter.add.f32 [tilespmem:s13], [sflag:$0x3], $0x80, s8, s11, $0xb8;
	[tilespmem:$0x1C800] =	vst v63  }
0x1d1: {  	_ =	swait.ge [sflag:s9], $0x3200  }
0x1d2: {  	[sflag:s9] =	ssyncset.done $0x0  }
0x1d3: {  	s7 =	rddreg [dreg:$0x16];
	[sflag:s9] =	ssyncadd.s32 $0xFFFFCE00  }
0x1d4: {  	[tilespmem:s13], [sflag:$0x2] =	stream.indirect.gather [hbm4b:s1+s11], $0x80, s7, s11, $0xb8;
	[tilespmem:$0x1C800] =	vst v63  }
0x1d5: {  	_ =	swait.ge [sflag:s14], $0x3200  }
0x1d6: {  	[sflag:s14] =	ssyncset.done $0x0  }
0x1d7: {  	s8 =	rddreg [dreg:$0x17];
	[sflag:s14] =	ssyncadd.s32 $0xFFFFCE00  }
0x1d8: {  	[spmem:s3] =	stream.indirect.scatter.add.f32 [tilespmem:s12], [sflag:$0x3], $0x80, s8, s11, $0xb8;
	[tilespmem:$0x1C800] =	vst v63  }
0x1d9: {  	_ =	swait.ge [sflag:s9], $0x3200  }
0x1da: {  	[sflag:s9] =	ssyncset.done $0x0  }
0x1db: {  	s7 =	rddreg [dreg:$0x18];
	[sflag:s9] =	ssyncadd.s32 $0xFFFFCE00  }
0x1dc: {  	[tilespmem:s12], [sflag:$0x1] =	stream.indirect.gather [hbm4b:s1+s11], $0x80, s7, s11, $0xb8;
	[tilespmem:$0x1C800] =	vst v63  }
0x1dd: {  	_ =	swait.ge [sflag:s15], $0x3200  }
0x1de: {  	[sflag:s15] =	ssyncset.done $0x0  }
0x1df: {  	s8 =	rddreg [dreg:$0x19];
	[sflag:s15] =	ssyncadd.s32 $0xFFFFCE00  }
0x1e0: {  	[spmem:s3] =	stream.indirect.scatter.add.f32 [tilespmem:s13], [sflag:$0x3], $0x80, s8, s11, $0xb8;
	[tilespmem:$0x1C800] =	vst v63  }
0x1e1: {  	_ =	swait.ge [sflag:s9], $0x3200  }
0x1e2: {  	[sflag:s9] =	ssyncset.done $0x0  }
0x1e3: {  	s7 =	rddreg [dreg:$0x1a];
	[sflag:s9] =	ssyncadd.s32 $0xFFFFCE00  }
0x1e4: {  	[tilespmem:s13], [sflag:$0x2] =	stream.indirect.gather [hbm4b:s1+s11], $0x80, s7, s11, $0xb8;
	[tilespmem:$0x1C800] =	vst v63  }
0x1e5: {  	_ =	swait.ge [sflag:s14], $0x3200  }
0x1e6: {  	[sflag:s14] =	ssyncset.done $0x0  }
0x1e7: {  	s8 =	rddreg [dreg:$0x1b];
	[sflag:s14] =	ssyncadd.s32 $0xFFFFCE00  }
0x1e8: {  	[spmem:s3] =	stream.indirect.scatter.add.f32 [tilespmem:s12], [sflag:$0x3], $0x80, s8, s11, $0xb8;
	[tilespmem:$0x1C800] =	vst v63  }
0x1e9: {  	_ =	swait.ge [sflag:s9], $0x3200  }
0x1ea: {  	[sflag:s9] =	ssyncset.done $0x0  }
0x1eb: {  	[sflag:s9] =	ssyncadd.s32 $0xFFFFCE00  }
0x1ec: {  	[tilespmem:s12], [sflag:$0x1] =	stream.indirect.gather [hbm4b:s1+s11], $0x80, s16, s11, $0xb8;
	[tilespmem:$0x1C800] =	vst v63  }
0x1ed: {  	_ =	swait.ge [sflag:s15], $0x3200  }
0x1ee: {  	[sflag:s15] =	ssyncset.done $0x0  }
0x1ef: {  	[sflag:s15] =	ssyncadd.s32 $0xFFFFCE00  }
0x1f0: {  	[spmem:s3] =	stream.indirect.scatter.add.f32 [tilespmem:s13], [sflag:$0x3], $0x80, s17, s11, $0xb8;
	[tilespmem:$0x1C800] =	vst v63  }
0x1f1: {  	_ =	swait.ge [sflag:s9], $0x3200  }
0x1f2: {  	[sflag:s9] =	ssyncset.done $0x0  }
0x1f3: {  	[sflag:s9] =	ssyncadd.s32 $0xFFFFCE00  }
0x1f4: {  	[tilespmem:s13], [sflag:$0x2] =	stream.indirect.gather [hbm4b:s1+s11], $0x80, s18, s11, $0xb8;
	[tilespmem:$0x1C800] =	vst v63  }
0x1f5: {  	_ =	swait.ge [sflag:s14], $0x3200  }
0x1f6: {  	[sflag:s14] =	ssyncset.done $0x0  }
0x1f7: {  	[sflag:s14] =	ssyncadd.s32 $0xFFFFCE00  }
0x1f8: {  	[spmem:s3] =	stream.indirect.scatter.add.f32 [tilespmem:s12], [sflag:$0x3], $0x80, s19, s11, $0xb8;
	[tilespmem:$0x1C800] =	vst v63  }
0x1f9: {  	_ =	swait.ge [sflag:s9], $0x3200  }
0x1fa: {  	[sflag:s9] =	ssyncset.done $0x0  }
0x1fb: {  	[sflag:s9] =	ssyncadd.s32 $0xFFFFCE00  }
0x1fc: {  	[tilespmem:s12], [sflag:$0x1] =	stream.indirect.gather [hbm4b:s1+s11], $0x80, s20, s11, $0xb8;
	[tilespmem:$0x1C800] =	vst v63  }
0x1fd: {  	_ =	swait.ge [sflag:s15], $0x3200  }
0x1fe: {  	[sflag:s15] =	ssyncset.done $0x0  }
0x1ff: {  	[sflag:s15] =	ssyncadd.s32 $0xFFFFCE00  }
0x200: {  	[spmem:s3] =	stream.indirect.scatter.add.f32 [tilespmem:s13], [sflag:$0x3], $0x80, s21, s11, $0xb8;
	[tilespmem:$0x1C800] =	vst v63  }
0x201: {  	_ =	swait.ge [sflag:s9], $0x3200  }
0x202: {  	[sflag:s9] =	ssyncset.done $0x0  }
0x203: {  	[sflag:s9] =	ssyncadd.s32 $0xFFFFCE00  }
0x204: {  	[tilespmem:s13], [sflag:$0x2] =	stream.indirect.gather [hbm4b:s1+s11], $0x80, s22, s11, $0xb8;
	[tilespmem:$0x1C800] =	vst v63  }
0x205: {  	_ =	swait.ge [sflag:s14], $0x3200  }
0x206: {  	[sflag:s14] =	ssyncset.done $0x0  }
0x207: {  	[sflag:s14] =	ssyncadd.s32 $0xFFFFCE00  }
0x208: {  	[spmem:s3] =	stream.indirect.scatter.add.f32 [tilespmem:s12], [sflag:$0x3], $0x80, s23, s11, $0xb8;
	[tilespmem:$0x1C800] =	vst v63  }
0x209: {  	_ =	swait.ge [sflag:s9], $0x3200  }
0x20a: {  	[sflag:s9] =	ssyncset.done $0x0  }
0x20b: {  	[sflag:s9] =	ssyncadd.s32 $0xFFFFCE00  }
0x20c: {  	[tilespmem:s12], [sflag:$0x1] =	stream.indirect.gather [hbm4b:s1+s11], $0x80, s24, s11, $0xb8;
	[tilespmem:$0x1C800] =	vst v63  }
0x20d: {  	_ =	swait.ge [sflag:s15], $0x3200  }
0x20e: {  	[sflag:s15] =	ssyncset.done $0x0  }
0x20f: {  	[sflag:s15] =	ssyncadd.s32 $0xFFFFCE00  }
0x210: {  	[spmem:s3] =	stream.indirect.scatter.add.f32 [tilespmem:s13], [sflag:$0x3], $0x80, s25, s11, $0xb8;
	[tilespmem:$0x1C800] =	vst v63  }
0x211: {  	_ =	swait.ge [sflag:s9], $0x3200  }
0x212: {  	[sflag:s9] =	ssyncset.done $0x0  }
0x213: {  	[sflag:s9] =	ssyncadd.s32 $0xFFFFCE00  }
0x214: {  	[tilespmem:s13], [sflag:$0x2] =	stream.indirect.gather [hbm4b:s1+s11], $0x80, s26, s11, $0xb8;
	[tilespmem:$0x1C800] =	vst v63  }
0x215: {  	_ =	swait.ge [sflag:s14], $0x3200  }
0x216: {  	[sflag:s14] =	ssyncset.done $0x0  }
0x217: {  	[sflag:s14] =	ssyncadd.s32 $0xFFFFCE00  }
0x218: {  	[spmem:s3] =	stream.indirect.scatter.add.f32 [tilespmem:s12], [sflag:$0x3], $0x80, s28, s11, $0xb8;
	[tilespmem:$0x1C800] =	vst v63  }
0x219: {  	_ =	swait.ge [sflag:s9], $0x3200  }
0x21a: {  	[sflag:s9] =	ssyncset.done $0x0  }
0x21b: {  	[sflag:s9] =	ssyncadd.s32 $0xFFFFCE00  }
0x21c: {  	[tilespmem:s12], [sflag:$0x1] =	stream.indirect.gather [hbm4b:s1+s11], $0x80, s29, s11, $0xb8;
	[tilespmem:$0x1C800] =	vst v63  }
0x21d: {  	_ =	swait.ge [sflag:s15], $0x3200  }
0x21e: {  	[sflag:s15] =	ssyncset.done $0x0  }
0x21f: {  	[sflag:s15] =	ssyncadd.s32 $0xFFFFCE00  }
0x220: {  	[spmem:s3] =	stream.indirect.scatter.add.f32 [tilespmem:s13], [sflag:$0x3], $0x80, s30, s11, $0xb8;
	[tilespmem:$0x1C800] =	vst v63  }
0x221: {  	_ =	swait.ge [sflag:s9], $0x3200  }
0x222: {  	[sflag:s9] =	ssyncset.done $0x0  }
0x223: {  	[sflag:s9] =	ssyncadd.s32 $0xFFFFCE00  }
0x224: {  	[tilespmem:s13], [sflag:$0x2] =	stream.indirect.gather [hbm4b:s1+s11], $0x80, s31, s11, $0xb8;
	[tilespmem:$0x1C800] =	vst v63  }
0x225: {  	_ =	swait.ge [sflag:s14], $0x3200  }
0x226: {  	[sflag:s14] =	ssyncset.done $0x0  }
0x227: {  	[sflag:s14] =	ssyncadd.s32 $0xFFFFCE00  }
0x228: {  	[spmem:s3] =	stream.indirect.scatter.add.f32 [tilespmem:s12], [sflag:$0x3], $0x80, s2, s11, $0xb8;
	[tilespmem:$0x1C800] =	vst v63  }
0x229: {  	_ =	swait.ge [sflag:s9], $0x3200  }
0x22a: {  	[sflag:s9] =	ssyncset.done $0x0  }
0x22b: {  	[sflag:s9] =	ssyncadd.s32 $0xFFFFCE00  }
0x22c: {  	_ =	swait.ge [sflag:s15], $0x3200  }
0x22d: {  	[sflag:s15] =	ssyncset.done $0x0  }
0x22e: {  	[sflag:s15] =	ssyncadd.s32 $0xFFFFCE00  }
0x22f: {  	[spmem:s3] =	stream.indirect.scatter.add.f32 [tilespmem:s13], [sflag:$0x3], $0x80, s0, s11, $0xb8;
	[tilespmem:$0x1C800] =	vst v63  }
0x230: {  	_ =	swait.ge [sflag:s9], $0x3200  }
0x231: {  	[sflag:s9] =	ssyncset.done $0x0  }
0x232: {  	s7 =	stileid.u32;
	[sflag:s9] =	ssyncadd.s32 $0xFFFFCE00  }
0x233: {  	s6 =	sshll.u32 s7, $0x6;
	[bflag:$0x0] =	sbarrier.arrive $0xFFFF  }
0x234: {  	s6 =	sor.u32 $0x1C03, s6;
	s8 =	sshrl.u32 s5, $0x3;
	s16 =	rddreg [dreg:$0x1c]  }
0x235: {  	[hbm:s16], [sflag:s6] =	dma.local [spmem:s8], $0x2800  }
0x236: {  	_ =	swait.ge [sflag:s9], $0x2800  }
0x237: {  	s8 =	rddreg [dreg:$0x1e]  }
0x238: {  	s16 =	rddreg [dreg:$0x1d];
	s7 =	sadd.s32 $0x1, s8  }
0x239: {  	p0 =	sne.s32 s7, s16  }
.Ltmp3:
0x23a: {  	_ = 	snop;
	(pc) =	sbr.rel @p0 .LBB2_1-.Ltmp3, $3  }
0x23b: {  	_ =	sdelay $0x1  }
0x23c: {  	[sflag:s9] =	ssyncset.done $0x0  }
0x23d: {  	[sflag:s9] =	ssyncadd.s32 $0xFFFFD800  }
0x23e: {  	_ =	sfence.sel $0x180000  }
0x23f: {  	[bflag:$0x0] =	sbarrier.arrive $0xFFFF  }
0x240: {  	_ =	strace $0x9000004A  }
0x241: {  	s0 =	stileid.u32;
	[bflag:$0x2] =	sbarrier.arrive $0xFFFF  }
0x242: {  	p0 =	sne.s32 s0, $0x0;
	s0 =	rddreg [dreg:$0x4]  }
0x243: {  	s0 =	sadd.s32 @!p0 $0x100000, s0  }
0x244: {  	[sflag:s0] =	ssyncadd.tile.s32 @!p0 $0x1;
	_ =	shalt  }
.Lfunc_end2:
_tile_overlayer_lowered:
.L_overlay_start_2:
0x245: {  	(tag) =	ssettag $0x2  }
0x246: {  	s0 =	rddreg [dreg:$0x0];
	s2 =	stileid.u32  }
0x247: {  	s1 =	rddreg [dreg:$0x1];
	p0 =	sne.s32 s2, $0x0  }
0x248: {  	s3 =	rddreg [dreg:$0x2];
	[bflag:$0x3] =	sbarrier.arrive $0xFFFF;
	s2 =	simm.s32 @!p0 $0x1C03  }
0x249: {  	[timem:s3], [sflag:s2] =	dma.local @!p0 [hbm:s0], s1  }
0x24a: {  	s0 =	simm.s32 @!p0 $0x3  }
0x24b: {  	_ =	swait.ge @!p0 [sflag:s0], s1  }
0x24c: {  	s1 =	ssub.s32 @!p0 $0x0, s1;
	[sflag:s0] =	ssyncset.done @!p0 $0x0  }
0x24d: {  	[sflag:s0] =	ssyncadd.s32 @!p0 s1  }
0x24e: {  	[bflag:$0x3] =	sbarrier.arrive $0xFFFF  }
0x24f: {  	_ =	shalt  }

// kernel: kernel.13.cloned.1.call-start
scs
__scs_entry_jumppad:
0x0: {  	(pc) =	sbr.rel $0x88, $3  }
0x1: {  	(tag) =	ssettag $0x0;
	lr =	simm.s32 $0x1  }
0x2: {  	[smem:$0x3F99] =	sst lr;
	_ =	strace $0xD0000000  }
0x3: {  	_ = 	snop  }
0x4: {  	_ = 	snop  }
0x5: {  	_ = 	snop  }
0x6: {  	_ = 	snop  }
0x7: {  	_ = 	snop  }
__scs_overlays_trampoline_lowered:
0x8: {  	[smem:$0x3FA8] =	sst s0  }
0x9: {  	[smem:$0x3FA9] =	sst s1  }
0xa: {  	[smem:$0x3FAA] =	sst s2  }
0xb: {  	[smem:$0x3FAB] =	sst s3  }
0xc: {  	[smem:$0x3FAC] =	sst s4  }
0xd: {  	[smem:$0x3FAD] =	sst s5  }
0xe: {  	[smem:$0x3FAE] =	sst s6  }
0xf: {  	[smem:$0x3FAF] =	sst s7  }
0x10: {  	[smem:$0x3FB0] =	sst s8  }
0x11: {  	[smem:$0x3FB1] =	sst s9;
	s0 =	simm.s32 @!p0 $0x0  }
0x12: {  	s1 =	sld [smem:$0x3F97];
	s0 =	simm.s32 @p0 $0x1  }
0x13: {  	[smem:$0x3FB2] =	sst s0;
	s0 =	simm.s32 @!p1 $0x0  }
0x14: {  	s2 =	sld [smem:$0x3F96];
	s0 =	simm.s32 @p1 $0x1  }
0x15: {  	[smem:$0x3FB3] =	sst s0;
	s0 =	simm.s32 @!p2 $0x0  }
0x16: {  	s3 =	sld [smem:$0x3FDB];
	s0 =	simm.s32 @p2 $0x1  }
0x17: {  	s4 =	simm.s32 $0x1BF5;
	[smem:$0x3FB5] =	sst s0  }
0x18: {  	s0 =	sld [smem:$0x3F98];
	_ =	swait.ge [sflag:s4], $0x0  }
0x19: {  	s7 =	sld [smem:$0x3F99]  }
0x1a: {  	s8 =	sadd.s32 $0xFFFFE003, lr  }
0x1b: {  	s9 =	sadd.s32 $0xFFFFFEF7, lr;
	s5 =	simm.s32 $0xFFFFFFFF;
	p2 =	slt.u32 s8, $0xFFFFF086  }
0x1c: {  	p1 =	slt.u32 s9, $0xF7A;
	s5 =	simm.s32 @!p2 $0x0  }
0x1d: {  	s5 =	simm.s32 @p1 $0x1;
	p0 =	seq.s32 s7, s2  }
0x1e: {  	s7 =	smul.u32 @!p0 $0xF7A, s2;
	p2 =	seq.s32 @!p0 s5, $0x0  }
0x1f: {  	s9 =	smul.u32 $0xF7A, s1;
	s8 =	simm.s32 @!p0 $0x1BF5;
	p2 =	por !p2, p0  }
0x20: {  	[sflag:s8] =	ssyncset.s32 @!p0 $0xFFFFF086;
	s6 =	sadd.s32 @!p0 s3, s7;
	s7 =	simm.s32 @!p0 $0x108  }
0x21: {  	s3 =	sadd.s32 s3, s9;
	s6 =	sadd.s32 @!p0 $0x88, s6;
	s7 =	simm.s32 @p2 $0x1082  }
0x22: {  	[simem:s7], [sflag:s8] =	dma.local @!p0 [hbm:s6], $0xF7A  }
0x23: {  	s9 =	sor.u32 $0xD0000000, s2;
	s6 =	simm.s32 $0x108;
	_ =	swait.ge @!p0 [sflag:s8], $0x0  }
0x24: {  	s3 =	sadd.s32 $0x88, s3;
	s6 =	simm.s32 @!p1 $0x1082;
	[sflag:s4] =	ssyncset.s32 $0xFFFFF086  }
0x25: {  	[simem:s6], [sflag:s4] =	dma.local [hbm:s3], $0xF7A  }
0x26: {  	[smem:$0x3F99] =	sst s1;
	(tag) =	ssettag s2;
	_ =	strace s9  }
0x27: {  	s1 =	sld [smem:$0x3FA9]  }
0x28: {  	s2 =	sld [smem:$0x3FAA]  }
0x29: {  	s4 =	sld [smem:$0x3FAC]  }
0x2a: {  	p0 =	seq.s32 s5, $0x0;
	s5 =	sld [smem:$0x3FAD]  }
0x2b: {  	s6 =	sld [smem:$0x3FAE]  }
0x2c: {  	s7 =	sld [smem:$0x3FAF]  }
0x2d: {  	s3 =	simm.s32 $0x108;
	s8 =	sld [smem:$0x3FB0]  }
0x2e: {  	s3 =	simm.s32 @!p0 $0x1082;
	s9 =	sld [smem:$0x3FB1]  }
0x2f: {  	lr =	sadd.s32 s0, s3;
	s0 =	sld [smem:$0x3FA8]  }
0x30: {  	s3 =	sld [smem:$0x3FAB]  }
0x31: {  	[smem:$0x3FB4] =	sst s10  }
0x32: {  	s10 =	sld [smem:$0x3FB2];
	_ =	sdelay $0x3  }
0x33: {  	p0 =	seq.s32 s10, $0x1;
	s10 =	sld [smem:$0x3FB4];
	_ =	sdelay $0x3  }
0x34: {  	[smem:$0x3FB4] =	sst s10  }
0x35: {  	s10 =	sld [smem:$0x3FB3];
	_ =	sdelay $0x3  }
0x36: {  	p1 =	seq.s32 s10, $0x1;
	s10 =	sld [smem:$0x3FB4];
	_ =	sdelay $0x3  }
0x37: {  	[smem:$0x3FB4] =	sst s10  }
0x38: {  	s10 =	sld [smem:$0x3FB5]  }
0x39: {  	_ = 	snop;
	(pc) =	sbr.ind lr, $3  }
0x3a: {  	_ = 	snop  }
0x3b: {  	_ = 	snop  }
0x3c: {  	p2 =	seq.s32 s10, $0x1;
	s10 =	sld [smem:$0x3FB4]  }
0x3d: {  	_ =	shalt  }
0x3e: {  	_ =	shalt  }
0x3f: {  	_ =	shalt  }
0x40: {  	_ =	shalt  }
0x41: {  	_ =	shalt  }
0x42: {  	_ =	shalt  }
0x43: {  	_ =	shalt  }
0x44: {  	_ =	shalt  }
0x45: {  	_ =	shalt  }
0x46: {  	_ =	shalt  }
0x47: {  	_ =	shalt  }
0x48: {  	_ =	shalt  }
0x49: {  	_ =	shalt  }
0x4a: {  	_ =	shalt  }
0x4b: {  	_ =	shalt  }
0x4c: {  	_ =	shalt  }
0x4d: {  	_ =	shalt  }
0x4e: {  	_ =	shalt  }
0x4f: {  	_ =	shalt  }
0x50: {  	_ =	shalt  }
0x51: {  	_ =	shalt  }
0x52: {  	_ =	shalt  }
0x53: {  	_ =	shalt  }
0x54: {  	_ =	shalt  }
0x55: {  	_ =	shalt  }
0x56: {  	_ =	shalt  }
0x57: {  	_ =	shalt  }
0x58: {  	_ =	shalt  }
0x59: {  	_ =	shalt  }
0x5a: {  	_ =	shalt  }
0x5b: {  	_ =	shalt  }
0x5c: {  	_ =	shalt  }
0x5d: {  	_ =	shalt  }
0x5e: {  	_ =	shalt  }
0x5f: {  	_ =	shalt  }
0x60: {  	_ =	shalt  }
0x61: {  	_ =	shalt  }
0x62: {  	_ =	shalt  }
0x63: {  	_ =	shalt  }
0x64: {  	_ =	shalt  }
0x65: {  	_ =	shalt  }
0x66: {  	_ =	shalt  }
0x67: {  	_ =	shalt  }
0x68: {  	_ =	shalt  }
0x69: {  	_ =	shalt  }
0x6a: {  	_ =	shalt  }
0x6b: {  	_ =	shalt  }
0x6c: {  	_ =	shalt  }
0x6d: {  	_ =	shalt  }
0x6e: {  	_ =	shalt  }
0x6f: {  	_ =	shalt  }
0x70: {  	_ =	shalt  }
0x71: {  	_ =	shalt  }
0x72: {  	_ =	shalt  }
0x73: {  	_ =	shalt  }
0x74: {  	_ =	shalt  }
0x75: {  	_ =	shalt  }
0x76: {  	_ =	shalt  }
0x77: {  	_ =	shalt  }
0x78: {  	_ =	shalt  }
0x79: {  	_ =	shalt  }
0x7a: {  	_ =	shalt  }
0x7b: {  	_ =	shalt  }
0x7c: {  	_ =	shalt  }
0x7d: {  	_ =	shalt  }
0x7e: {  	_ =	shalt  }
0x7f: {  	_ =	shalt  }
0x80: {  	_ =	shalt  }
0x81: {  	_ =	shalt  }
0x82: {  	_ =	shalt  }
0x83: {  	_ =	shalt  }
0x84: {  	_ =	shalt  }
0x85: {  	_ =	shalt  }
0x86: {  	_ =	shalt  }
0x87: {  	_ =	shalt  }
.Lfunc_end0:
.L_simem_size_0:
called_computation.2_lowered:
.L_overlay_start_0:
0x88: {  	s2 =	sld [smem:$0x3FD9]  }
0x89: {  	s3 =	sld [smem:$0x3FFE];
	_ =	sdelay $0x1  }
0x8a: {  	s1 =	srdreg.scid  }
0x8b: {  	s0 =	sand.u32 $0x1, s1  }
0x8c: {  	s17 =	sshll.u32 s0, $0xA;
	s2 =	sadd.s32 s3, s2  }
0x8d: {  	s2 =	sadd.s32 s2, s17  }
0x8e: {  	[smem:$0x3FC0] =	sst s2  }
0x8f: {  	_ = 	snop  }
0x90: {  	s2 =	sld [smem:$0x3FD0];
	(tm) =	ssettm $0x1  }
0x91: {  	s18 =	sld [smem:$0x3FFB];
	_ =	sdelay $0x3  }
0x92: {  	_ =	strace s18  }
0x93: {  	s3 =	sld [smem:$0x3FFC];
	_ =	sdelay $0x3  }
0x94: {  	_ =	strace s3  }
0x95: {  	s3 =	sld [smem:$0x3FFD];
	_ =	sdelay $0x3  }
0x96: {  	_ =	strace s3  }
0x97: {  	_ =	strace $0x8FFFFFFF  }
0x98: {  	s19 =	sld [smem:$0x3FDB];
	_ =	sdelay $0x1  }
0x99: {  	s4 =	simm.s32 $_scs_section_size  }
0x9a: {  	s5 =	simm.s32 $_size__tile_overlayer_lowered;
	s6 =	simm.s32 $_tile_overlayer_lowered  }
0x9b: {  	s22 =	simm.s32 $0x1BFF;
	s21 =	sshll.u32 s6, $0x1;
	s3 =	sadd.s32 s4, s19  }
0x9c: {  	s7 =	simm.s32 $0x0;
	s20 =	sshll.u32 s5, $0x1;
	s5 =	sadd.s32 s21, s3  }
0x9d: {  	[timem:s7], [sflag:s22] =	dma.local [hbm:s5], s20  }
0x9e: {  	_ =	swait.ge [sflag:s22], s20  }
0x9f: {  	s4 =	ssub.s32 $0x0, s20;
	[sflag:s22] =	ssyncset.done $0x0  }
0xa0: {  	[sflag:s22] =	ssyncadd.s32 s4;
	_ =	sdelay $0x1  }
0xa1: {  	s23 =	simm.s32 $0x1B8B  }
0xa2: {  	_ =	swait.ge [sflag:s23], $0x1  }
0xa3: {  	[sflag:s23] =	ssyncset.done $0x0  }
0xa4: {  	s25 =	simm.s32 $0x1B8E;
	s24 =	sld [smem:$0x3FFE];
	[sflag:s23] =	ssyncadd.s32 $0xFFFFFFFF  }
0xa5: {  	s26 =	simm.s32 $execute0_lowered;
	[smem:$0x3FD2] =	sst s25  }
0xa6: {  	s5 =	sshll.u32 s26, $0x1;
	_ =	strace $0x8000004C;
	[dreg:$0x1] =	wrdreg $0xFFFFFFFF  }
0xa7: {  	s28 =	simm.s32 $_size_execute0_lowered;
	s3 =	sadd.s32 s3, s5;
	[dreg:$0x0] =	wrdreg $0x0  }
0xa8: {  	s5 =	sshll.u32 s28, $0x1;
	[dreg:$0x2] =	wrdreg s3  }
0xa9: {  	[dreg:$0x3] =	wrdreg s5  }
0xaa: {  	[dreg:$0x4] =	wrdreg $0xC0  }
0xab: {  	_ =	task [dreg:s7], $0x5FFFF  }
0xac: {  	[dreg:$0x1] =	wrdreg $0xFFFFFFFF  }
0xad: {  	[dreg:$0x0] =	wrdreg $0x60  }
0xae: {  	[dreg:$0x2] =	wrdreg s24  }
0xaf: {  	[dreg:$0x3] =	wrdreg s2  }
0xb0: {  	[dreg:$0x4] =	wrdreg $0x88000  }
0xb1: {  	[dreg:$0x5] =	wrdreg $0x9  }
0xb2: {  	_ =	task.clear_ibuf [dreg:s7], $0x6FFFF;
	_ =	strace $0x9000004C  }
0xb3: {  	s29 =	simm.s32 $0x9;
	_ =	strace $0x8000004E  }
0xb4: {  	_ =	swait.ge [sflag:s29], $0x1  }
0xb5: {  	[sflag:s29] =	ssyncadd.s32 $0xFFFFFFFF  }
0xb6: {  	_ =	strace $0x9000004E  }
0xb7: {  	_ =	sfence  }
0xb8: {  	s30 =	sld [smem:$0x0];
	_ =	sdelay $0x2  }
0xb9: {  	s31 =	sshll.u32 s1, $0xD;
	s1 =	sshrl.u32 s1, $0x2  }
0xba: {  	s3 =	sand.u32 $0x4000, s31;
	s1 =	sadd.s32 s1, s30  }
0xbb: {  	s0 =	sor.u32 s3, s0;
	s1 =	sshll.u32 s1, $0x11  }
0xbc: {  	s0 =	sor.u32 s1, s0  }
0xbd: {  	s0 =	sadd.s32 $0x8F2B, s0  }
0xbe: {  	[sflag:s0] =	ssyncadd.remote.s32 $0x1  }
0xbf: {  	_ =	sfence.sel $0xFFFF  }
0xc0: {  	[dreg:$0x0] =	wrdreg $0xFFFFFFFF;
	(pc) =	sbr.abs _section_cstart, $3  }
0xc1: {  	[dreg:$0x1] =	wrdreg $0xFFFFFFFF  }
0xc2: {  	_ =	task.clear_ibuf [dreg:s7], $0x2FFFF;
	_ =	strace $0x9FFFFFFF  }
0xc3: {  	(tm) =	ssettm $0x7FFFFFFF  }
tec
execute0_lowered:
.L_overlay_start_1:
0x0: {  	(tag) =	ssettag $0x1  }
0x1: {  	s0 =	srdreg.scid;
	s1 =	rddreg [dreg:$0x0]  }
0x2: {  	s8 =	stileid.u32;
	s5 =	rddreg [dreg:$0x1]  }
0x3: {  	s2 =	rddreg [dreg:$0x2];
	s3 =	simm.s32 $0x0;
	s21 =	simm.s32 $0x80  }
0x4: {  	s23 =	simm.s32 $0x100;
	s7 =	simm.s32 $0xC80;
	[smem:$0x7FF] =	sst s3  }
0x5: {  	s25 =	simm.s32 $0x180;
	_ =	strace $0x8000004D;
	[dreg:$0x6] =	wrdreg s21  }
0x6: {  	s26 =	simm.s32 $0xD00;
	s9 =	simm.s32 $0xD80;
	[dreg:$0x7] =	wrdreg s23  }
0x7: {  	s10 =	simm.s32 $0x280;
	s12 =	simm.s32 $0xE00;
	[dreg:$0x8] =	wrdreg s7  }
0x8: {  	s14 =	simm.s32 $0x300;
	s15 =	simm.s32 $0xE80;
	[dreg:$0x9] =	wrdreg s25  }
0x9: {  	s17 =	simm.s32 $0x380;
	s18 =	simm.s32 $0xF00;
	[dreg:$0xa] =	wrdreg s26  }
0xa: {  	s28 =	simm.s32 $0x1400;
	s4 =	smul.u32 $0x7800, s8;
	[dreg:$0xc] =	wrdreg s9  }
0xb: {  	s29 =	simm.s32 $0x900;
	s24 =	smul.u32 $0x14000, s8;
	[dreg:$0xd] =	wrdreg s10  }
0xc: {  	s0 =	sand.u32 $0x1, s0;
	s13 =	smul.u32 $0x50000, s8;
	[dreg:$0xe] =	wrdreg s12  }
0xd: {  	s30 =	simm.s32 $0x1480;
	s6 =	smul.u32 $0x3C00, s0;
	[dreg:$0xf] =	wrdreg s14  }
0xe: {  	s31 =	simm.s32 $0x980;
	s22 =	smul.u32 $0x140000, s0;
	[dreg:$0x10] =	wrdreg s15  }
0xf: {  	s7 =	simm.s32 $0x200;
	s0 =	ssub.s32 $0x2, s0;
	[dreg:$0x11] =	wrdreg s17  }
0x10: {  	[dreg:$0x12] =	wrdreg s18;
	s21 =	simm.s32 $0x480;
	s9 =	simm.s32 $0x3  }
0x11: {  	s10 =	simm.s32 $0xC00;
	s23 =	simm.s32 $0x500;
	s12 =	simm.s32 $0x1800  }
0x12: {  	s25 =	simm.s32 $0x580;
	s26 =	simm.s32 $0x1100;
	[dreg:$0xb] =	wrdreg s7  }
0x13: {  	s14 =	simm.s32 $0x1;
	s15 =	simm.s32 $0x2;
	[dreg:$0x15] =	wrdreg s21  }
0x14: {  	s17 =	simm.s32 $0x1180;
	s18 =	simm.s32 $0x680;
	[dreg:$0x17] =	wrdreg s23  }
0x15: {  	s11 =	sshrl.u32 s0, $0x1;
	s16 =	sshrl.u32 s13, $0x2;
	[dreg:$0x19] =	wrdreg s25  }
0x16: {  	s13 =	simm.s32 $0x4C00;
	[dreg:$0x1a] =	wrdreg s26;
	s21 =	simm.s32 $0x1280  }
0x17: {  	s23 =	simm.s32 $0x1300;
	s25 =	simm.s32 $0x1380;
	s26 =	simm.s32 $0x880  }
0x18: {  	s7 =	simm.s32 $0x0;
	s4 =	sadd.s32 s6, s4;
	s0 =	ssub.s32 s0, s11  }
0x19: {  	s11 =	simm.s32 $0x64;
	s4 =	sshrl.u32 s4, $0x3;
	s0 =	smax.u32 s0, $0x1  }
0x1a: {  	s19 =	sadd.s32 s4, s1;
	s4 =	sadd.s32 s4, s5;
	s5 =	sadd.s32 s24, s22  }
0x1b: {  	[dreg:$0x1c] =	wrdreg s0;
	s22 =	simm.s32 $0x1000;
	s24 =	simm.s32 $0x1080  }
0x1c: {  	s0 =	simm.s32 $0x1580;
	[dreg:$0x4] =	wrdreg s4;
	s20 =	sadd.s32 $0x1E00, s19  }
0x1d: {  	s4 =	sadd.s32 $0x60E00, s1;
	s5 =	sshrl.u32 s5, $0x3;
	[dreg:$0x16] =	wrdreg s22  }
0x1e: {  	s19 =	simm.s32 $0x400;
	[dreg:$0x18] =	wrdreg s24;
	s22 =	simm.s32 $0x780  }
0x1f: {  	s24 =	simm.s32 $0x800;
	[dreg:$0x5] =	wrdreg s20;
	s1 =	sadd.s32 s5, s1  }
0x20: {  	s5 =	sadd.s32 s16, s2;
	[dreg:$0x13] =	wrdreg s19;
	s20 =	simm.s32 $0xF80  }
0x21: {  	s19 =	simm.s32 $0x1200;
	s1 =	sadd.s32 $0x88000, s1;
	[dreg:$0x14] =	wrdreg s20  }
0x22: {  	v0 =	vimm.f32 $0.0e+00;
	s20 =	simm.s32 $0x700;
	[dreg:$0x1b] =	wrdreg s1;
	s1 =	simm.s32 $0x1500  }
.LBB2_1:
0x23: {  	[dreg:$0x1d] =	wrdreg s7;
	s6 =	simm.s32 $0x0;
	s7 =	simm.s32 $0x0  }
.LBB2_2:
0x24: {  	p0 =	sne.s32 s7, $0x1FC0  }
.Ltmp0:
0x25: {  	_ = 	snop;
	(pc) =	sbr.rel @p0 .LBB2_2-.Ltmp0, $4  }
0x26: {  	s8 =	sand.u32 $0x1E00, s7  }
0x27: {  	s16 =	sand.u32 $0x70, s6;
	s8 =	sshrl.u32 s8, $0x2  }
0x28: {  	s8 =	sor.u32 s16, s8  }
0x29: {  	s6 =	sadd.s32 $0x10, s6;
	s7 =	sadd.s32 $0x40, s7;
	[tilespmem:s8+$0x8000] =	vst v0  }
0x2a: {  	s6 =	sadd.s32 $0x0, s5;
	s8 =	simm.s32 $0x8000  }
0x2b: {  	[spmem:s6] =	stream.linear.scatter [tilespmem:s8], [sflag:$0x3], $0x800, $0x38;
	[tilespmem:$0x1C800] =	vst v63  }
0x2c: {  	s6 =	simm.s32 $0x2000;
	_ =	swait.ge [sflag:s9], $0x800  }
.LBB2_4:
0x2d: {  	s7 =	sshra.s32 s6, $0x2;
	[sflag:s9] =	ssyncset.done $0x0;
	p0 =	sne.s32 s6, $0x4E000  }
.Ltmp1:
0x2e: {  	s7 =	sadd.s32 s7, s5;
	[sflag:s9] =	ssyncadd.s32 $0xFFFFF800;
	(pc) =	sbr.rel @p0 .LBB2_4-.Ltmp1, $3  }
0x2f: {  	[spmem:s7] =	stream.linear.scatter [tilespmem:s8], [sflag:$0x3], $0x800, $0x38;
	[tilespmem:$0x1C800] =	vst v63  }
0x30: {  	s6 =	sadd.s32 $0x2000, s6;
	_ =	sdelay $0x1  }
0x31: {  	_ =	swait.ge [sflag:s9], $0x800  }
0x32: {  	[sflag:s9] =	ssyncset.done $0x0  }
0x33: {  	[sflag:s9] =	ssyncadd.s32 $0xFFFFF800  }
0x34: {  	[bflag:$0x0] =	sbarrier.arrive $0xFFFF  }
0x35: {  	s6 =	rddreg [dreg:$0x5]  }
0x36: {  	s6 =	sadd.s32 $0x0, s6  }
0x37: {  	[tilespmem:s10], [sflag:$0x3] =	stream.linear.gather [hbm4b:s6+s3], $0xA00, $0x38;
	[tilespmem:$0x1C800] =	vst v63  }
0x38: {  	_ =	swait.ge [sflag:s9], $0xA00  }
0x39: {  	s8 =	rddreg [dreg:$0x4];
	[sflag:s9] =	ssyncset.done $0x0  }
0x3a: {  	[sflag:s9] =	ssyncadd.s32 $0xFFFFF600;
	s6 =	sadd.s32 $0x0, s8  }
0x3b: {  	[tilespmem:s3], [sflag:$0x3] =	stream.linear.gather [hbm4b:s6+s3], $0xA00, $0x38;
	[tilespmem:$0x1C800] =	vst v63  }
0x3c: {  	_ =	swait.ge [sflag:s9], $0xA00  }
0x3d: {  	[sflag:s9] =	ssyncset.done $0x0  }
0x3e: {  	[sflag:s9] =	ssyncadd.s32 $0xFFFFF600  }
0x3f: {  	[tilespmem:s12], [sflag:$0x1] =	stream.indirect.gather [hbm4b:s4+s11], $0x80, s3, s11, $0xb8;
	[tilespmem:$0x1C800] =	vst v63  }
0x40: {  	s16 =	rddreg [dreg:$0x6]  }
0x41: {  	[tilespmem:s13], [sflag:$0x2] =	stream.indirect.gather [hbm4b:s4+s11], $0x80, s16, s11, $0xb8;
	[tilespmem:$0x1C800] =	vst v63  }
0x42: {  	_ =	swait.ge [sflag:s14], $0x3200  }
0x43: {  	[sflag:s14] =	ssyncset.done $0x0  }
0x44: {  	[sflag:s14] =	ssyncadd.s32 $0xFFFFCE00  }
0x45: {  	[spmem:s2] =	stream.indirect.scatter.add.f32 [tilespmem:s12], [sflag:$0x3], $0x80, s10, s11, $0xb8;
	[tilespmem:$0x1C800] =	vst v63  }
0x46: {  	_ =	swait.ge [sflag:s9], $0x3200  }
0x47: {  	[sflag:s9] =	ssyncset.done $0x0  }
0x48: {  	s7 =	rddreg [dreg:$0x7];
	[sflag:s9] =	ssyncadd.s32 $0xFFFFCE00  }
0x49: {  	[tilespmem:s12], [sflag:$0x1] =	stream.indirect.gather [hbm4b:s4+s11], $0x80, s7, s11, $0xb8;
	[tilespmem:$0x1C800] =	vst v63  }
0x4a: {  	_ =	swait.ge [sflag:s15], $0x3200  }
0x4b: {  	[sflag:s15] =	ssyncset.done $0x0  }
0x4c: {  	s8 =	rddreg [dreg:$0x8];
	[sflag:s15] =	ssyncadd.s32 $0xFFFFCE00  }
0x4d: {  	[spmem:s2] =	stream.indirect.scatter.add.f32 [tilespmem:s13], [sflag:$0x3], $0x80, s8, s11, $0xb8;
	[tilespmem:$0x1C800] =	vst v63  }
0x4e: {  	_ =	swait.ge [sflag:s9], $0x3200  }
0x4f: {  	[sflag:s9] =	ssyncset.done $0x0  }
0x50: {  	s16 =	rddreg [dreg:$0x9];
	[sflag:s9] =	ssyncadd.s32 $0xFFFFCE00  }
0x51: {  	[tilespmem:s13], [sflag:$0x2] =	stream.indirect.gather [hbm4b:s4+s11], $0x80, s16, s11, $0xb8;
	[tilespmem:$0x1C800] =	vst v63  }
0x52: {  	_ =	swait.ge [sflag:s14], $0x3200  }
0x53: {  	[sflag:s14] =	ssyncset.done $0x0  }
0x54: {  	s7 =	rddreg [dreg:$0xa];
	[sflag:s14] =	ssyncadd.s32 $0xFFFFCE00  }
0x55: {  	[spmem:s2] =	stream.indirect.scatter.add.f32 [tilespmem:s12], [sflag:$0x3], $0x80, s7, s11, $0xb8;
	[tilespmem:$0x1C800] =	vst v63  }
0x56: {  	_ =	swait.ge [sflag:s9], $0x3200  }
0x57: {  	[sflag:s9] =	ssyncset.done $0x0  }
0x58: {  	s8 =	rddreg [dreg:$0xb];
	[sflag:s9] =	ssyncadd.s32 $0xFFFFCE00  }
0x59: {  	[tilespmem:s12], [sflag:$0x1] =	stream.indirect.gather [hbm4b:s4+s11], $0x80, s8, s11, $0xb8;
	[tilespmem:$0x1C800] =	vst v63  }
0x5a: {  	_ =	swait.ge [sflag:s15], $0x3200  }
0x5b: {  	[sflag:s15] =	ssyncset.done $0x0  }
0x5c: {  	s16 =	rddreg [dreg:$0xc];
	[sflag:s15] =	ssyncadd.s32 $0xFFFFCE00  }
0x5d: {  	[spmem:s2] =	stream.indirect.scatter.add.f32 [tilespmem:s13], [sflag:$0x3], $0x80, s16, s11, $0xb8;
	[tilespmem:$0x1C800] =	vst v63  }
0x5e: {  	_ =	swait.ge [sflag:s9], $0x3200  }
0x5f: {  	[sflag:s9] =	ssyncset.done $0x0  }
0x60: {  	s7 =	rddreg [dreg:$0xd];
	[sflag:s9] =	ssyncadd.s32 $0xFFFFCE00  }
0x61: {  	[tilespmem:s13], [sflag:$0x2] =	stream.indirect.gather [hbm4b:s4+s11], $0x80, s7, s11, $0xb8;
	[tilespmem:$0x1C800] =	vst v63  }
0x62: {  	_ =	swait.ge [sflag:s14], $0x3200  }
0x63: {  	[sflag:s14] =	ssyncset.done $0x0  }
0x64: {  	s8 =	rddreg [dreg:$0xe];
	[sflag:s14] =	ssyncadd.s32 $0xFFFFCE00  }
0x65: {  	[spmem:s2] =	stream.indirect.scatter.add.f32 [tilespmem:s12], [sflag:$0x3], $0x80, s8, s11, $0xb8;
	[tilespmem:$0x1C800] =	vst v63  }
0x66: {  	_ =	swait.ge [sflag:s9], $0x3200  }
0x67: {  	[sflag:s9] =	ssyncset.done $0x0  }
0x68: {  	s16 =	rddreg [dreg:$0xf];
	[sflag:s9] =	ssyncadd.s32 $0xFFFFCE00  }
0x69: {  	[tilespmem:s12], [sflag:$0x1] =	stream.indirect.gather [hbm4b:s4+s11], $0x80, s16, s11, $0xb8;
	[tilespmem:$0x1C800] =	vst v63  }
0x6a: {  	_ =	swait.ge [sflag:s15], $0x3200  }
0x6b: {  	[sflag:s15] =	ssyncset.done $0x0  }
0x6c: {  	s7 =	rddreg [dreg:$0x10];
	[sflag:s15] =	ssyncadd.s32 $0xFFFFCE00  }
0x6d: {  	[spmem:s2] =	stream.indirect.scatter.add.f32 [tilespmem:s13], [sflag:$0x3], $0x80, s7, s11, $0xb8;
	[tilespmem:$0x1C800] =	vst v63  }
0x6e: {  	_ =	swait.ge [sflag:s9], $0x3200  }
0x6f: {  	[sflag:s9] =	ssyncset.done $0x0  }
0x70: {  	s8 =	rddreg [dreg:$0x11];
	[sflag:s9] =	ssyncadd.s32 $0xFFFFCE00  }
0x71: {  	[tilespmem:s13], [sflag:$0x2] =	stream.indirect.gather [hbm4b:s4+s11], $0x80, s8, s11, $0xb8;
	[tilespmem:$0x1C800] =	vst v63  }
0x72: {  	_ =	swait.ge [sflag:s14], $0x3200  }
0x73: {  	[sflag:s14] =	ssyncset.done $0x0  }
0x74: {  	s16 =	rddreg [dreg:$0x12];
	[sflag:s14] =	ssyncadd.s32 $0xFFFFCE00  }
0x75: {  	[spmem:s2] =	stream.indirect.scatter.add.f32 [tilespmem:s12], [sflag:$0x3], $0x80, s16, s11, $0xb8;
	[tilespmem:$0x1C800] =	vst v63  }
0x76: {  	_ =	swait.ge [sflag:s9], $0x3200  }
0x77: {  	[sflag:s9] =	ssyncset.done $0x0  }
0x78: {  	s7 =	rddreg [dreg:$0x13];
	[sflag:s9] =	ssyncadd.s32 $0xFFFFCE00  }
0x79: {  	[tilespmem:s12], [sflag:$0x1] =	stream.indirect.gather [hbm4b:s4+s11], $0x80, s7, s11, $0xb8;
	[tilespmem:$0x1C800] =	vst v63  }
0x7a: {  	_ =	swait.ge [sflag:s15], $0x3200  }
0x7b: {  	[sflag:s15] =	ssyncset.done $0x0  }
0x7c: {  	s8 =	rddreg [dreg:$0x14];
	[sflag:s15] =	ssyncadd.s32 $0xFFFFCE00  }
0x7d: {  	[spmem:s2] =	stream.indirect.scatter.add.f32 [tilespmem:s13], [sflag:$0x3], $0x80, s8, s11, $0xb8;
	[tilespmem:$0x1C800] =	vst v63  }
0x7e: {  	_ =	swait.ge [sflag:s9], $0x3200  }
0x7f: {  	[sflag:s9] =	ssyncset.done $0x0  }
0x80: {  	s16 =	rddreg [dreg:$0x15];
	[sflag:s9] =	ssyncadd.s32 $0xFFFFCE00  }
0x81: {  	[tilespmem:s13], [sflag:$0x2] =	stream.indirect.gather [hbm4b:s4+s11], $0x80, s16, s11, $0xb8;
	[tilespmem:$0x1C800] =	vst v63  }
0x82: {  	_ =	swait.ge [sflag:s14], $0x3200  }
0x83: {  	[sflag:s14] =	ssyncset.done $0x0  }
0x84: {  	s7 =	rddreg [dreg:$0x16];
	[sflag:s14] =	ssyncadd.s32 $0xFFFFCE00  }
0x85: {  	[spmem:s2] =	stream.indirect.scatter.add.f32 [tilespmem:s12], [sflag:$0x3], $0x80, s7, s11, $0xb8;
	[tilespmem:$0x1C800] =	vst v63  }
0x86: {  	_ =	swait.ge [sflag:s9], $0x3200  }
0x87: {  	[sflag:s9] =	ssyncset.done $0x0  }
0x88: {  	s8 =	rddreg [dreg:$0x17];
	[sflag:s9] =	ssyncadd.s32 $0xFFFFCE00  }
0x89: {  	[tilespmem:s12], [sflag:$0x1] =	stream.indirect.gather [hbm4b:s4+s11], $0x80, s8, s11, $0xb8;
	[tilespmem:$0x1C800] =	vst v63  }
0x8a: {  	_ =	swait.ge [sflag:s15], $0x3200  }
0x8b: {  	[sflag:s15] =	ssyncset.done $0x0  }
0x8c: {  	s16 =	rddreg [dreg:$0x18];
	[sflag:s15] =	ssyncadd.s32 $0xFFFFCE00  }
0x8d: {  	[spmem:s2] =	stream.indirect.scatter.add.f32 [tilespmem:s13], [sflag:$0x3], $0x80, s16, s11, $0xb8;
	[tilespmem:$0x1C800] =	vst v63  }
0x8e: {  	_ =	swait.ge [sflag:s9], $0x3200  }
0x8f: {  	[sflag:s9] =	ssyncset.done $0x0  }
0x90: {  	s7 =	rddreg [dreg:$0x19];
	[sflag:s9] =	ssyncadd.s32 $0xFFFFCE00  }
0x91: {  	[tilespmem:s13], [sflag:$0x2] =	stream.indirect.gather [hbm4b:s4+s11], $0x80, s7, s11, $0xb8;
	[tilespmem:$0x1C800] =	vst v63  }
0x92: {  	_ =	swait.ge [sflag:s14], $0x3200  }
0x93: {  	[sflag:s14] =	ssyncset.done $0x0  }
0x94: {  	s8 =	rddreg [dreg:$0x1a];
	[sflag:s14] =	ssyncadd.s32 $0xFFFFCE00  }
0x95: {  	[spmem:s2] =	stream.indirect.scatter.add.f32 [tilespmem:s12], [sflag:$0x3], $0x80, s8, s11, $0xb8;
	[tilespmem:$0x1C800] =	vst v63  }
0x96: {  	_ =	swait.ge [sflag:s9], $0x3200  }
0x97: {  	[sflag:s9] =	ssyncset.done $0x0  }
0x98: {  	s16 =	simm.s32 $0x600;
	[sflag:s9] =	ssyncadd.s32 $0xFFFFCE00  }
0x99: {  	[tilespmem:s12], [sflag:$0x1] =	stream.indirect.gather [hbm4b:s4+s11], $0x80, s16, s11, $0xb8;
	[tilespmem:$0x1C800] =	vst v63  }
0x9a: {  	_ =	swait.ge [sflag:s15], $0x3200  }
0x9b: {  	[sflag:s15] =	ssyncset.done $0x0  }
0x9c: {  	[sflag:s15] =	ssyncadd.s32 $0xFFFFCE00  }
0x9d: {  	[spmem:s2] =	stream.indirect.scatter.add.f32 [tilespmem:s13], [sflag:$0x3], $0x80, s17, s11, $0xb8;
	[tilespmem:$0x1C800] =	vst v63  }
0x9e: {  	_ =	swait.ge [sflag:s9], $0x3200  }
0x9f: {  	[sflag:s9] =	ssyncset.done $0x0  }
0xa0: {  	[sflag:s9] =	ssyncadd.s32 $0xFFFFCE00  }
0xa1: {  	[tilespmem:s13], [sflag:$0x2] =	stream.indirect.gather [hbm4b:s4+s11], $0x80, s18, s11, $0xb8;
	[tilespmem:$0x1C800] =	vst v63  }
0xa2: {  	_ =	swait.ge [sflag:s14], $0x3200  }
0xa3: {  	[sflag:s14] =	ssyncset.done $0x0  }
0xa4: {  	[sflag:s14] =	ssyncadd.s32 $0xFFFFCE00  }
0xa5: {  	[spmem:s2] =	stream.indirect.scatter.add.f32 [tilespmem:s12], [sflag:$0x3], $0x80, s19, s11, $0xb8;
	[tilespmem:$0x1C800] =	vst v63  }
0xa6: {  	_ =	swait.ge [sflag:s9], $0x3200  }
0xa7: {  	[sflag:s9] =	ssyncset.done $0x0  }
0xa8: {  	[sflag:s9] =	ssyncadd.s32 $0xFFFFCE00  }
0xa9: {  	[tilespmem:s12], [sflag:$0x1] =	stream.indirect.gather [hbm4b:s4+s11], $0x80, s20, s11, $0xb8;
	[tilespmem:$0x1C800] =	vst v63  }
0xaa: {  	_ =	swait.ge [sflag:s15], $0x3200  }
0xab: {  	[sflag:s15] =	ssyncset.done $0x0  }
0xac: {  	[sflag:s15] =	ssyncadd.s32 $0xFFFFCE00  }
0xad: {  	[spmem:s2] =	stream.indirect.scatter.add.f32 [tilespmem:s13], [sflag:$0x3], $0x80, s21, s11, $0xb8;
	[tilespmem:$0x1C800] =	vst v63  }
0xae: {  	_ =	swait.ge [sflag:s9], $0x3200  }
0xaf: {  	[sflag:s9] =	ssyncset.done $0x0  }
0xb0: {  	[sflag:s9] =	ssyncadd.s32 $0xFFFFCE00  }
0xb1: {  	[tilespmem:s13], [sflag:$0x2] =	stream.indirect.gather [hbm4b:s4+s11], $0x80, s22, s11, $0xb8;
	[tilespmem:$0x1C800] =	vst v63  }
0xb2: {  	_ =	swait.ge [sflag:s14], $0x3200  }
0xb3: {  	[sflag:s14] =	ssyncset.done $0x0  }
0xb4: {  	[sflag:s14] =	ssyncadd.s32 $0xFFFFCE00  }
0xb5: {  	[spmem:s2] =	stream.indirect.scatter.add.f32 [tilespmem:s12], [sflag:$0x3], $0x80, s23, s11, $0xb8;
	[tilespmem:$0x1C800] =	vst v63  }
0xb6: {  	_ =	swait.ge [sflag:s9], $0x3200  }
0xb7: {  	[sflag:s9] =	ssyncset.done $0x0  }
0xb8: {  	[sflag:s9] =	ssyncadd.s32 $0xFFFFCE00  }
0xb9: {  	[tilespmem:s12], [sflag:$0x1] =	stream.indirect.gather [hbm4b:s4+s11], $0x80, s24, s11, $0xb8;
	[tilespmem:$0x1C800] =	vst v63  }
0xba: {  	_ =	swait.ge [sflag:s15], $0x3200  }
0xbb: {  	[sflag:s15] =	ssyncset.done $0x0  }
0xbc: {  	[sflag:s15] =	ssyncadd.s32 $0xFFFFCE00  }
0xbd: {  	[spmem:s2] =	stream.indirect.scatter.add.f32 [tilespmem:s13], [sflag:$0x3], $0x80, s25, s11, $0xb8;
	[tilespmem:$0x1C800] =	vst v63  }
0xbe: {  	_ =	swait.ge [sflag:s9], $0x3200  }
0xbf: {  	[sflag:s9] =	ssyncset.done $0x0  }
0xc0: {  	[sflag:s9] =	ssyncadd.s32 $0xFFFFCE00  }
0xc1: {  	[tilespmem:s13], [sflag:$0x2] =	stream.indirect.gather [hbm4b:s4+s11], $0x80, s26, s11, $0xb8;
	[tilespmem:$0x1C800] =	vst v63  }
0xc2: {  	_ =	swait.ge [sflag:s14], $0x3200  }
0xc3: {  	[sflag:s14] =	ssyncset.done $0x0  }
0xc4: {  	[sflag:s14] =	ssyncadd.s32 $0xFFFFCE00  }
0xc5: {  	[spmem:s2] =	stream.indirect.scatter.add.f32 [tilespmem:s12], [sflag:$0x3], $0x80, s28, s11, $0xb8;
	[tilespmem:$0x1C800] =	vst v63  }
0xc6: {  	_ =	swait.ge [sflag:s9], $0x3200  }
0xc7: {  	[sflag:s9] =	ssyncset.done $0x0  }
0xc8: {  	[sflag:s9] =	ssyncadd.s32 $0xFFFFCE00  }
0xc9: {  	[tilespmem:s12], [sflag:$0x1] =	stream.indirect.gather [hbm4b:s4+s11], $0x80, s29, s11, $0xb8;
	[tilespmem:$0x1C800] =	vst v63  }
0xca: {  	_ =	swait.ge [sflag:s15], $0x3200  }
0xcb: {  	[sflag:s15] =	ssyncset.done $0x0  }
0xcc: {  	[sflag:s15] =	ssyncadd.s32 $0xFFFFCE00  }
0xcd: {  	[spmem:s2] =	stream.indirect.scatter.add.f32 [tilespmem:s13], [sflag:$0x3], $0x80, s30, s11, $0xb8;
	[tilespmem:$0x1C800] =	vst v63  }
0xce: {  	_ =	swait.ge [sflag:s9], $0x3200  }
0xcf: {  	[sflag:s9] =	ssyncset.done $0x0  }
0xd0: {  	[sflag:s9] =	ssyncadd.s32 $0xFFFFCE00  }
0xd1: {  	[tilespmem:s13], [sflag:$0x2] =	stream.indirect.gather [hbm4b:s4+s11], $0x80, s31, s11, $0xb8;
	[tilespmem:$0x1C800] =	vst v63  }
0xd2: {  	_ =	swait.ge [sflag:s14], $0x3200  }
0xd3: {  	[sflag:s14] =	ssyncset.done $0x0  }
0xd4: {  	[sflag:s14] =	ssyncadd.s32 $0xFFFFCE00  }
0xd5: {  	[spmem:s2] =	stream.indirect.scatter.add.f32 [tilespmem:s12], [sflag:$0x3], $0x80, s1, s11, $0xb8;
	[tilespmem:$0x1C800] =	vst v63  }
0xd6: {  	_ =	swait.ge [sflag:s9], $0x3200  }
0xd7: {  	[sflag:s9] =	ssyncset.done $0x0  }
0xd8: {  	[sflag:s9] =	ssyncadd.s32 $0xFFFFCE00  }
0xd9: {  	_ =	swait.ge [sflag:s15], $0x3200  }
0xda: {  	[sflag:s15] =	ssyncset.done $0x0  }
0xdb: {  	[sflag:s15] =	ssyncadd.s32 $0xFFFFCE00  }
0xdc: {  	[spmem:s2] =	stream.indirect.scatter.add.f32 [tilespmem:s13], [sflag:$0x3], $0x80, s0, s11, $0xb8;
	[tilespmem:$0x1C800] =	vst v63  }
0xdd: {  	s6 =	simm.s32 $0x300;
	_ =	swait.ge [sflag:s9], $0x3200  }
0xde: {  	s7 =	simm.s32 $0x180;
	s8 =	rddreg [dreg:$0x5];
	[sflag:s9] =	ssyncset.done $0x0  }
.LBB2_6:
0xdf: {  	[sflag:s9] =	ssyncadd.s32 $0xFFFFCE00;
	s8 =	sadd.s32 s7, s8  }
0xe0: {  	[tilespmem:s10], [sflag:$0x3] =	stream.linear.gather [hbm4b:s8+s3], $0xA00, $0x38;
	[tilespmem:$0x1C800] =	vst v63  }
0xe1: {  	_ =	swait.ge [sflag:s9], $0xA00  }
0xe2: {  	s8 =	rddreg [dreg:$0x4];
	[sflag:s9] =	ssyncset.done $0x0  }
0xe3: {  	[sflag:s9] =	ssyncadd.s32 $0xFFFFF600;
	s8 =	sadd.s32 s7, s8  }
0xe4: {  	[tilespmem:s3], [sflag:$0x3] =	stream.linear.gather [hbm4b:s8+s3], $0xA00, $0x38;
	[tilespmem:$0x1C800] =	vst v63  }
0xe5: {  	_ =	swait.ge [sflag:s9], $0xA00  }
0xe6: {  	[sflag:s9] =	ssyncset.done $0x0  }
0xe7: {  	[sflag:s9] =	ssyncadd.s32 $0xFFFFF600  }
0xe8: {  	[tilespmem:s12], [sflag:$0x1] =	stream.indirect.gather [hbm4b:s4+s11], $0x80, s3, s11, $0xb8;
	[tilespmem:$0x1C800] =	vst v63  }
0xe9: {  	s8 =	rddreg [dreg:$0x6]  }
0xea: {  	[tilespmem:s13], [sflag:$0x2] =	stream.indirect.gather [hbm4b:s4+s11], $0x80, s8, s11, $0xb8;
	[tilespmem:$0x1C800] =	vst v63  }
0xeb: {  	_ =	swait.ge [sflag:s14], $0x3200  }
0xec: {  	[sflag:s14] =	ssyncset.done $0x0  }
0xed: {  	[sflag:s14] =	ssyncadd.s32 $0xFFFFCE00  }
0xee: {  	[spmem:s2] =	stream.indirect.scatter.add.f32 [tilespmem:s12], [sflag:$0x3], $0x80, s10, s11, $0xb8;
	[tilespmem:$0x1C800] =	vst v63  }
0xef: {  	_ =	swait.ge [sflag:s9], $0x3200  }
0xf0: {  	[sflag:s9] =	ssyncset.done $0x0  }
0xf1: {  	s8 =	rddreg [dreg:$0x7];
	[sflag:s9] =	ssyncadd.s32 $0xFFFFCE00  }
0xf2: {  	[tilespmem:s12], [sflag:$0x1] =	stream.indirect.gather [hbm4b:s4+s11], $0x80, s8, s11, $0xb8;
	[tilespmem:$0x1C800] =	vst v63  }
0xf3: {  	_ =	swait.ge [sflag:s15], $0x3200  }
0xf4: {  	[sflag:s15] =	ssyncset.done $0x0  }
0xf5: {  	s8 =	rddreg [dreg:$0x8];
	[sflag:s15] =	ssyncadd.s32 $0xFFFFCE00  }
0xf6: {  	[spmem:s2] =	stream.indirect.scatter.add.f32 [tilespmem:s13], [sflag:$0x3], $0x80, s8, s11, $0xb8;
	[tilespmem:$0x1C800] =	vst v63  }
0xf7: {  	_ =	swait.ge [sflag:s9], $0x3200  }
0xf8: {  	[sflag:s9] =	ssyncset.done $0x0  }
0xf9: {  	s8 =	rddreg [dreg:$0x9];
	[sflag:s9] =	ssyncadd.s32 $0xFFFFCE00  }
0xfa: {  	[tilespmem:s13], [sflag:$0x2] =	stream.indirect.gather [hbm4b:s4+s11], $0x80, s8, s11, $0xb8;
	[tilespmem:$0x1C800] =	vst v63  }
0xfb: {  	_ =	swait.ge [sflag:s14], $0x3200  }
0xfc: {  	[sflag:s14] =	ssyncset.done $0x0  }
0xfd: {  	s8 =	rddreg [dreg:$0xa];
	[sflag:s14] =	ssyncadd.s32 $0xFFFFCE00  }
0xfe: {  	[spmem:s2] =	stream.indirect.scatter.add.f32 [tilespmem:s12], [sflag:$0x3], $0x80, s8, s11, $0xb8;
	[tilespmem:$0x1C800] =	vst v63  }
0xff: {  	_ =	swait.ge [sflag:s9], $0x3200  }
0x100: {  	[sflag:s9] =	ssyncset.done $0x0  }
0x101: {  	s8 =	rddreg [dreg:$0xb];
	[sflag:s9] =	ssyncadd.s32 $0xFFFFCE00  }
0x102: {  	[tilespmem:s12], [sflag:$0x1] =	stream.indirect.gather [hbm4b:s4+s11], $0x80, s8, s11, $0xb8;
	[tilespmem:$0x1C800] =	vst v63  }
0x103: {  	_ =	swait.ge [sflag:s15], $0x3200  }
0x104: {  	[sflag:s15] =	ssyncset.done $0x0  }
0x105: {  	s8 =	rddreg [dreg:$0xc];
	[sflag:s15] =	ssyncadd.s32 $0xFFFFCE00  }
0x106: {  	[spmem:s2] =	stream.indirect.scatter.add.f32 [tilespmem:s13], [sflag:$0x3], $0x80, s8, s11, $0xb8;
	[tilespmem:$0x1C800] =	vst v63  }
0x107: {  	_ =	swait.ge [sflag:s9], $0x3200  }
0x108: {  	[sflag:s9] =	ssyncset.done $0x0  }
0x109: {  	s8 =	rddreg [dreg:$0xd];
	[sflag:s9] =	ssyncadd.s32 $0xFFFFCE00  }
0x10a: {  	[tilespmem:s13], [sflag:$0x2] =	stream.indirect.gather [hbm4b:s4+s11], $0x80, s8, s11, $0xb8;
	[tilespmem:$0x1C800] =	vst v63  }
0x10b: {  	_ =	swait.ge [sflag:s14], $0x3200  }
0x10c: {  	[sflag:s14] =	ssyncset.done $0x0  }
0x10d: {  	s8 =	rddreg [dreg:$0xe];
	[sflag:s14] =	ssyncadd.s32 $0xFFFFCE00  }
0x10e: {  	[spmem:s2] =	stream.indirect.scatter.add.f32 [tilespmem:s12], [sflag:$0x3], $0x80, s8, s11, $0xb8;
	[tilespmem:$0x1C800] =	vst v63  }
0x10f: {  	_ =	swait.ge [sflag:s9], $0x3200  }
0x110: {  	[sflag:s9] =	ssyncset.done $0x0  }
0x111: {  	s8 =	rddreg [dreg:$0xf];
	[sflag:s9] =	ssyncadd.s32 $0xFFFFCE00  }
0x112: {  	[tilespmem:s12], [sflag:$0x1] =	stream.indirect.gather [hbm4b:s4+s11], $0x80, s8, s11, $0xb8;
	[tilespmem:$0x1C800] =	vst v63  }
0x113: {  	_ =	swait.ge [sflag:s15], $0x3200  }
0x114: {  	[sflag:s15] =	ssyncset.done $0x0  }
0x115: {  	s8 =	rddreg [dreg:$0x10];
	[sflag:s15] =	ssyncadd.s32 $0xFFFFCE00  }
0x116: {  	[spmem:s2] =	stream.indirect.scatter.add.f32 [tilespmem:s13], [sflag:$0x3], $0x80, s8, s11, $0xb8;
	[tilespmem:$0x1C800] =	vst v63  }
0x117: {  	_ =	swait.ge [sflag:s9], $0x3200  }
0x118: {  	[sflag:s9] =	ssyncset.done $0x0  }
0x119: {  	s8 =	rddreg [dreg:$0x11];
	[sflag:s9] =	ssyncadd.s32 $0xFFFFCE00  }
0x11a: {  	[tilespmem:s13], [sflag:$0x2] =	stream.indirect.gather [hbm4b:s4+s11], $0x80, s8, s11, $0xb8;
	[tilespmem:$0x1C800] =	vst v63  }
0x11b: {  	_ =	swait.ge [sflag:s14], $0x3200  }
0x11c: {  	[sflag:s14] =	ssyncset.done $0x0  }
0x11d: {  	s8 =	rddreg [dreg:$0x12];
	[sflag:s14] =	ssyncadd.s32 $0xFFFFCE00  }
0x11e: {  	[spmem:s2] =	stream.indirect.scatter.add.f32 [tilespmem:s12], [sflag:$0x3], $0x80, s8, s11, $0xb8;
	[tilespmem:$0x1C800] =	vst v63  }
0x11f: {  	_ =	swait.ge [sflag:s9], $0x3200  }
0x120: {  	[sflag:s9] =	ssyncset.done $0x0  }
0x121: {  	s8 =	rddreg [dreg:$0x13];
	[sflag:s9] =	ssyncadd.s32 $0xFFFFCE00  }
0x122: {  	[tilespmem:s12], [sflag:$0x1] =	stream.indirect.gather [hbm4b:s4+s11], $0x80, s8, s11, $0xb8;
	[tilespmem:$0x1C800] =	vst v63  }
0x123: {  	_ =	swait.ge [sflag:s15], $0x3200  }
0x124: {  	[sflag:s15] =	ssyncset.done $0x0  }
0x125: {  	s8 =	rddreg [dreg:$0x14];
	[sflag:s15] =	ssyncadd.s32 $0xFFFFCE00  }
0x126: {  	[spmem:s2] =	stream.indirect.scatter.add.f32 [tilespmem:s13], [sflag:$0x3], $0x80, s8, s11, $0xb8;
	[tilespmem:$0x1C800] =	vst v63  }
0x127: {  	_ =	swait.ge [sflag:s9], $0x3200  }
0x128: {  	[sflag:s9] =	ssyncset.done $0x0  }
0x129: {  	s8 =	rddreg [dreg:$0x15];
	[sflag:s9] =	ssyncadd.s32 $0xFFFFCE00  }
0x12a: {  	[tilespmem:s13], [sflag:$0x2] =	stream.indirect.gather [hbm4b:s4+s11], $0x80, s8, s11, $0xb8;
	[tilespmem:$0x1C800] =	vst v63  }
0x12b: {  	_ =	swait.ge [sflag:s14], $0x3200  }
0x12c: {  	[sflag:s14] =	ssyncset.done $0x0  }
0x12d: {  	s8 =	rddreg [dreg:$0x16];
	[sflag:s14] =	ssyncadd.s32 $0xFFFFCE00  }
0x12e: {  	[spmem:s2] =	stream.indirect.scatter.add.f32 [tilespmem:s12], [sflag:$0x3], $0x80, s8, s11, $0xb8;
	[tilespmem:$0x1C800] =	vst v63  }
0x12f: {  	_ =	swait.ge [sflag:s9], $0x3200  }
0x130: {  	[sflag:s9] =	ssyncset.done $0x0  }
0x131: {  	s8 =	rddreg [dreg:$0x17];
	[sflag:s9] =	ssyncadd.s32 $0xFFFFCE00  }
0x132: {  	[tilespmem:s12], [sflag:$0x1] =	stream.indirect.gather [hbm4b:s4+s11], $0x80, s8, s11, $0xb8;
	[tilespmem:$0x1C800] =	vst v63  }
0x133: {  	_ =	swait.ge [sflag:s15], $0x3200  }
0x134: {  	[sflag:s15] =	ssyncset.done $0x0  }
0x135: {  	s8 =	rddreg [dreg:$0x18];
	[sflag:s15] =	ssyncadd.s32 $0xFFFFCE00  }
0x136: {  	[spmem:s2] =	stream.indirect.scatter.add.f32 [tilespmem:s13], [sflag:$0x3], $0x80, s8, s11, $0xb8;
	[tilespmem:$0x1C800] =	vst v63  }
0x137: {  	_ =	swait.ge [sflag:s9], $0x3200  }
0x138: {  	[sflag:s9] =	ssyncset.done $0x0  }
0x139: {  	s8 =	rddreg [dreg:$0x19];
	[sflag:s9] =	ssyncadd.s32 $0xFFFFCE00  }
0x13a: {  	[tilespmem:s13], [sflag:$0x2] =	stream.indirect.gather [hbm4b:s4+s11], $0x80, s8, s11, $0xb8;
	[tilespmem:$0x1C800] =	vst v63  }
0x13b: {  	_ =	swait.ge [sflag:s14], $0x3200  }
0x13c: {  	[sflag:s14] =	ssyncset.done $0x0  }
0x13d: {  	s8 =	rddreg [dreg:$0x1a];
	[sflag:s14] =	ssyncadd.s32 $0xFFFFCE00  }
0x13e: {  	[spmem:s2] =	stream.indirect.scatter.add.f32 [tilespmem:s12], [sflag:$0x3], $0x80, s8, s11, $0xb8;
	[tilespmem:$0x1C800] =	vst v63  }
0x13f: {  	_ =	swait.ge [sflag:s9], $0x3200  }
0x140: {  	s16 =	smov.u32 s6;
	[sflag:s9] =	ssyncset.done $0x0  }
0x141: {  	s7 =	smov.u32 s16;
	s16 =	simm.s32 $0x600;
	[sflag:s9] =	ssyncadd.s32 $0xFFFFCE00  }
0x142: {  	[tilespmem:s12], [sflag:$0x1] =	stream.indirect.gather [hbm4b:s4+s11], $0x80, s16, s11, $0xb8;
	[tilespmem:$0x1C800] =	vst v63  }
0x143: {  	_ =	swait.ge [sflag:s15], $0x3200  }
0x144: {  	[sflag:s15] =	ssyncset.done $0x0  }
0x145: {  	[sflag:s15] =	ssyncadd.s32 $0xFFFFCE00  }
0x146: {  	[spmem:s2] =	stream.indirect.scatter.add.f32 [tilespmem:s13], [sflag:$0x3], $0x80, s17, s11, $0xb8;
	[tilespmem:$0x1C800] =	vst v63  }
0x147: {  	_ =	swait.ge [sflag:s9], $0x3200  }
0x148: {  	[sflag:s9] =	ssyncset.done $0x0  }
0x149: {  	[sflag:s9] =	ssyncadd.s32 $0xFFFFCE00  }
0x14a: {  	[tilespmem:s13], [sflag:$0x2] =	stream.indirect.gather [hbm4b:s4+s11], $0x80, s18, s11, $0xb8;
	[tilespmem:$0x1C800] =	vst v63  }
0x14b: {  	_ =	swait.ge [sflag:s14], $0x3200  }
0x14c: {  	[sflag:s14] =	ssyncset.done $0x0  }
0x14d: {  	[sflag:s14] =	ssyncadd.s32 $0xFFFFCE00  }
0x14e: {  	[spmem:s2] =	stream.indirect.scatter.add.f32 [tilespmem:s12], [sflag:$0x3], $0x80, s19, s11, $0xb8;
	[tilespmem:$0x1C800] =	vst v63  }
0x14f: {  	_ =	swait.ge [sflag:s9], $0x3200  }
0x150: {  	[sflag:s9] =	ssyncset.done $0x0  }
0x151: {  	[sflag:s9] =	ssyncadd.s32 $0xFFFFCE00  }
0x152: {  	[tilespmem:s12], [sflag:$0x1] =	stream.indirect.gather [hbm4b:s4+s11], $0x80, s20, s11, $0xb8;
	[tilespmem:$0x1C800] =	vst v63  }
0x153: {  	_ =	swait.ge [sflag:s15], $0x3200  }
0x154: {  	[sflag:s15] =	ssyncset.done $0x0  }
0x155: {  	[sflag:s15] =	ssyncadd.s32 $0xFFFFCE00  }
0x156: {  	[spmem:s2] =	stream.indirect.scatter.add.f32 [tilespmem:s13], [sflag:$0x3], $0x80, s21, s11, $0xb8;
	[tilespmem:$0x1C800] =	vst v63  }
0x157: {  	_ =	swait.ge [sflag:s9], $0x3200  }
0x158: {  	[sflag:s9] =	ssyncset.done $0x0  }
0x159: {  	[sflag:s9] =	ssyncadd.s32 $0xFFFFCE00  }
0x15a: {  	[tilespmem:s13], [sflag:$0x2] =	stream.indirect.gather [hbm4b:s4+s11], $0x80, s22, s11, $0xb8;
	[tilespmem:$0x1C800] =	vst v63  }
0x15b: {  	_ =	swait.ge [sflag:s14], $0x3200  }
0x15c: {  	[sflag:s14] =	ssyncset.done $0x0  }
0x15d: {  	[sflag:s14] =	ssyncadd.s32 $0xFFFFCE00  }
0x15e: {  	[spmem:s2] =	stream.indirect.scatter.add.f32 [tilespmem:s12], [sflag:$0x3], $0x80, s23, s11, $0xb8;
	[tilespmem:$0x1C800] =	vst v63  }
0x15f: {  	_ =	swait.ge [sflag:s9], $0x3200  }
0x160: {  	[sflag:s9] =	ssyncset.done $0x0  }
0x161: {  	[sflag:s9] =	ssyncadd.s32 $0xFFFFCE00  }
0x162: {  	[tilespmem:s12], [sflag:$0x1] =	stream.indirect.gather [hbm4b:s4+s11], $0x80, s24, s11, $0xb8;
	[tilespmem:$0x1C800] =	vst v63  }
0x163: {  	_ =	swait.ge [sflag:s15], $0x3200  }
0x164: {  	[sflag:s15] =	ssyncset.done $0x0  }
0x165: {  	[sflag:s15] =	ssyncadd.s32 $0xFFFFCE00  }
0x166: {  	[spmem:s2] =	stream.indirect.scatter.add.f32 [tilespmem:s13], [sflag:$0x3], $0x80, s25, s11, $0xb8;
	[tilespmem:$0x1C800] =	vst v63  }
0x167: {  	_ =	swait.ge [sflag:s9], $0x3200  }
0x168: {  	[sflag:s9] =	ssyncset.done $0x0  }
0x169: {  	[sflag:s9] =	ssyncadd.s32 $0xFFFFCE00  }
0x16a: {  	[tilespmem:s13], [sflag:$0x2] =	stream.indirect.gather [hbm4b:s4+s11], $0x80, s26, s11, $0xb8;
	[tilespmem:$0x1C800] =	vst v63  }
0x16b: {  	_ =	swait.ge [sflag:s14], $0x3200  }
0x16c: {  	[sflag:s14] =	ssyncset.done $0x0  }
0x16d: {  	[sflag:s14] =	ssyncadd.s32 $0xFFFFCE00  }
0x16e: {  	[spmem:s2] =	stream.indirect.scatter.add.f32 [tilespmem:s12], [sflag:$0x3], $0x80, s28, s11, $0xb8;
	[tilespmem:$0x1C800] =	vst v63  }
0x16f: {  	_ =	swait.ge [sflag:s9], $0x3200  }
0x170: {  	[sflag:s9] =	ssyncset.done $0x0  }
0x171: {  	[sflag:s9] =	ssyncadd.s32 $0xFFFFCE00  }
0x172: {  	[tilespmem:s12], [sflag:$0x1] =	stream.indirect.gather [hbm4b:s4+s11], $0x80, s29, s11, $0xb8;
	[tilespmem:$0x1C800] =	vst v63  }
0x173: {  	_ =	swait.ge [sflag:s15], $0x3200  }
0x174: {  	[sflag:s15] =	ssyncset.done $0x0  }
0x175: {  	[sflag:s15] =	ssyncadd.s32 $0xFFFFCE00  }
0x176: {  	[spmem:s2] =	stream.indirect.scatter.add.f32 [tilespmem:s13], [sflag:$0x3], $0x80, s30, s11, $0xb8;
	[tilespmem:$0x1C800] =	vst v63  }
0x177: {  	_ =	swait.ge [sflag:s9], $0x3200  }
0x178: {  	[sflag:s9] =	ssyncset.done $0x0  }
0x179: {  	[sflag:s9] =	ssyncadd.s32 $0xFFFFCE00  }
0x17a: {  	[tilespmem:s13], [sflag:$0x2] =	stream.indirect.gather [hbm4b:s4+s11], $0x80, s31, s11, $0xb8;
	[tilespmem:$0x1C800] =	vst v63  }
0x17b: {  	_ =	swait.ge [sflag:s14], $0x3200  }
0x17c: {  	[sflag:s14] =	ssyncset.done $0x0  }
0x17d: {  	[sflag:s14] =	ssyncadd.s32 $0xFFFFCE00  }
0x17e: {  	[spmem:s2] =	stream.indirect.scatter.add.f32 [tilespmem:s12], [sflag:$0x3], $0x80, s1, s11, $0xb8;
	[tilespmem:$0x1C800] =	vst v63  }
0x17f: {  	_ =	swait.ge [sflag:s9], $0x3200  }
0x180: {  	[sflag:s9] =	ssyncset.done $0x0  }
0x181: {  	[sflag:s9] =	ssyncadd.s32 $0xFFFFCE00  }
0x182: {  	p0 =	sne.s32 s6, $0x600;
	_ =	swait.ge [sflag:s15], $0x3200  }
.Ltmp2:
0x183: {  	[sflag:s15] =	ssyncset.done $0x0;
	(pc) =	sbr.rel @p0 .LBB2_6-.Ltmp2, $4  }
0x184: {  	[sflag:s15] =	ssyncadd.s32 $0xFFFFCE00  }
0x185: {  	[spmem:s2] =	stream.indirect.scatter.add.f32 [tilespmem:s13], [sflag:$0x3], $0x80, s0, s11, $0xb8;
	[tilespmem:$0x1C800] =	vst v63  }
0x186: {  	_ =	swait.ge [sflag:s9], $0x3200  }
0x187: {  	s6 =	sadd.s32 $0x180, s6;
	s8 =	rddreg [dreg:$0x5];
	[sflag:s9] =	ssyncset.done $0x0  }
0x188: {  	[sflag:s9] =	ssyncadd.s32 $0xFFFFCE00;
	s6 =	sadd.s32 s7, s8  }
0x189: {  	[tilespmem:s10], [sflag:$0x3] =	stream.linear.gather [hbm4b:s6+s3], $0xA00, $0x38;
	[tilespmem:$0x1C800] =	vst v63  }
0x18a: {  	_ =	swait.ge [sflag:s9], $0xA00  }
0x18b: {  	s8 =	rddreg [dreg:$0x4];
	[sflag:s9] =	ssyncset.done $0x0  }
0x18c: {  	[sflag:s9] =	ssyncadd.s32 $0xFFFFF600;
	s6 =	sadd.s32 s7, s8  }
0x18d: {  	[tilespmem:s3], [sflag:$0x3] =	stream.linear.gather [hbm4b:s6+s3], $0xA00, $0x38;
	[tilespmem:$0x1C800] =	vst v63  }
0x18e: {  	_ =	swait.ge [sflag:s9], $0xA00  }
0x18f: {  	[sflag:s9] =	ssyncset.done $0x0  }
0x190: {  	[sflag:s9] =	ssyncadd.s32 $0xFFFFF600  }
0x191: {  	[tilespmem:s12], [sflag:$0x1] =	stream.indirect.gather [hbm4b:s4+s11], $0x80, s3, s11, $0xb8;
	[tilespmem:$0x1C800] =	vst v63  }
0x192: {  	s8 =	rddreg [dreg:$0x6]  }
0x193: {  	[tilespmem:s13], [sflag:$0x2] =	stream.indirect.gather [hbm4b:s4+s11], $0x80, s8, s11, $0xb8;
	[tilespmem:$0x1C800] =	vst v63  }
0x194: {  	_ =	swait.ge [sflag:s14], $0x3200  }
0x195: {  	[sflag:s14] =	ssyncset.done $0x0  }
0x196: {  	[sflag:s14] =	ssyncadd.s32 $0xFFFFCE00  }
0x197: {  	[spmem:s2] =	stream.indirect.scatter.add.f32 [tilespmem:s12], [sflag:$0x3], $0x80, s10, s11, $0xb8;
	[tilespmem:$0x1C800] =	vst v63  }
0x198: {  	_ =	swait.ge [sflag:s9], $0x3200  }
0x199: {  	[sflag:s9] =	ssyncset.done $0x0  }
0x19a: {  	s7 =	rddreg [dreg:$0x7];
	[sflag:s9] =	ssyncadd.s32 $0xFFFFCE00  }
0x19b: {  	[tilespmem:s12], [sflag:$0x1] =	stream.indirect.gather [hbm4b:s4+s11], $0x80, s7, s11, $0xb8;
	[tilespmem:$0x1C800] =	vst v63  }
0x19c: {  	_ =	swait.ge [sflag:s15], $0x3200  }
0x19d: {  	[sflag:s15] =	ssyncset.done $0x0  }
0x19e: {  	s8 =	rddreg [dreg:$0x8];
	[sflag:s15] =	ssyncadd.s32 $0xFFFFCE00  }
0x19f: {  	[spmem:s2] =	stream.indirect.scatter.add.f32 [tilespmem:s13], [sflag:$0x3], $0x80, s8, s11, $0xb8;
	[tilespmem:$0x1C800] =	vst v63  }
0x1a0: {  	_ =	swait.ge [sflag:s9], $0x3200  }
0x1a1: {  	[sflag:s9] =	ssyncset.done $0x0  }
0x1a2: {  	s7 =	rddreg [dreg:$0x9];
	[sflag:s9] =	ssyncadd.s32 $0xFFFFCE00  }
0x1a3: {  	[tilespmem:s13], [sflag:$0x2] =	stream.indirect.gather [hbm4b:s4+s11], $0x80, s7, s11, $0xb8;
	[tilespmem:$0x1C800] =	vst v63  }
0x1a4: {  	_ =	swait.ge [sflag:s14], $0x3200  }
0x1a5: {  	[sflag:s14] =	ssyncset.done $0x0  }
0x1a6: {  	s8 =	rddreg [dreg:$0xa];
	[sflag:s14] =	ssyncadd.s32 $0xFFFFCE00  }
0x1a7: {  	[spmem:s2] =	stream.indirect.scatter.add.f32 [tilespmem:s12], [sflag:$0x3], $0x80, s8, s11, $0xb8;
	[tilespmem:$0x1C800] =	vst v63  }
0x1a8: {  	_ =	swait.ge [sflag:s9], $0x3200  }
0x1a9: {  	[sflag:s9] =	ssyncset.done $0x0  }
0x1aa: {  	s7 =	rddreg [dreg:$0xb];
	[sflag:s9] =	ssyncadd.s32 $0xFFFFCE00  }
0x1ab: {  	[tilespmem:s12], [sflag:$0x1] =	stream.indirect.gather [hbm4b:s4+s11], $0x80, s7, s11, $0xb8;
	[tilespmem:$0x1C800] =	vst v63  }
0x1ac: {  	_ =	swait.ge [sflag:s15], $0x3200  }
0x1ad: {  	[sflag:s15] =	ssyncset.done $0x0  }
0x1ae: {  	s8 =	rddreg [dreg:$0xc];
	[sflag:s15] =	ssyncadd.s32 $0xFFFFCE00  }
0x1af: {  	[spmem:s2] =	stream.indirect.scatter.add.f32 [tilespmem:s13], [sflag:$0x3], $0x80, s8, s11, $0xb8;
	[tilespmem:$0x1C800] =	vst v63  }
0x1b0: {  	_ =	swait.ge [sflag:s9], $0x3200  }
0x1b1: {  	[sflag:s9] =	ssyncset.done $0x0  }
0x1b2: {  	s7 =	rddreg [dreg:$0xd];
	[sflag:s9] =	ssyncadd.s32 $0xFFFFCE00  }
0x1b3: {  	[tilespmem:s13], [sflag:$0x2] =	stream.indirect.gather [hbm4b:s4+s11], $0x80, s7, s11, $0xb8;
	[tilespmem:$0x1C800] =	vst v63  }
0x1b4: {  	_ =	swait.ge [sflag:s14], $0x3200  }
0x1b5: {  	[sflag:s14] =	ssyncset.done $0x0  }
0x1b6: {  	s8 =	rddreg [dreg:$0xe];
	[sflag:s14] =	ssyncadd.s32 $0xFFFFCE00  }
0x1b7: {  	[spmem:s2] =	stream.indirect.scatter.add.f32 [tilespmem:s12], [sflag:$0x3], $0x80, s8, s11, $0xb8;
	[tilespmem:$0x1C800] =	vst v63  }
0x1b8: {  	_ =	swait.ge [sflag:s9], $0x3200  }
0x1b9: {  	[sflag:s9] =	ssyncset.done $0x0  }
0x1ba: {  	s7 =	rddreg [dreg:$0xf];
	[sflag:s9] =	ssyncadd.s32 $0xFFFFCE00  }
0x1bb: {  	[tilespmem:s12], [sflag:$0x1] =	stream.indirect.gather [hbm4b:s4+s11], $0x80, s7, s11, $0xb8;
	[tilespmem:$0x1C800] =	vst v63  }
0x1bc: {  	_ =	swait.ge [sflag:s15], $0x3200  }
0x1bd: {  	[sflag:s15] =	ssyncset.done $0x0  }
0x1be: {  	s8 =	rddreg [dreg:$0x10];
	[sflag:s15] =	ssyncadd.s32 $0xFFFFCE00  }
0x1bf: {  	[spmem:s2] =	stream.indirect.scatter.add.f32 [tilespmem:s13], [sflag:$0x3], $0x80, s8, s11, $0xb8;
	[tilespmem:$0x1C800] =	vst v63  }
0x1c0: {  	_ =	swait.ge [sflag:s9], $0x3200  }
0x1c1: {  	[sflag:s9] =	ssyncset.done $0x0  }
0x1c2: {  	s7 =	rddreg [dreg:$0x11];
	[sflag:s9] =	ssyncadd.s32 $0xFFFFCE00  }
0x1c3: {  	[tilespmem:s13], [sflag:$0x2] =	stream.indirect.gather [hbm4b:s4+s11], $0x80, s7, s11, $0xb8;
	[tilespmem:$0x1C800] =	vst v63  }
0x1c4: {  	_ =	swait.ge [sflag:s14], $0x3200  }
0x1c5: {  	[sflag:s14] =	ssyncset.done $0x0  }
0x1c6: {  	s8 =	rddreg [dreg:$0x12];
	[sflag:s14] =	ssyncadd.s32 $0xFFFFCE00  }
0x1c7: {  	[spmem:s2] =	stream.indirect.scatter.add.f32 [tilespmem:s12], [sflag:$0x3], $0x80, s8, s11, $0xb8;
	[tilespmem:$0x1C800] =	vst v63  }
0x1c8: {  	_ =	swait.ge [sflag:s9], $0x3200  }
0x1c9: {  	[sflag:s9] =	ssyncset.done $0x0  }
0x1ca: {  	s7 =	rddreg [dreg:$0x13];
	[sflag:s9] =	ssyncadd.s32 $0xFFFFCE00  }
0x1cb: {  	[tilespmem:s12], [sflag:$0x1] =	stream.indirect.gather [hbm4b:s4+s11], $0x80, s7, s11, $0xb8;
	[tilespmem:$0x1C800] =	vst v63  }
0x1cc: {  	_ =	swait.ge [sflag:s15], $0x3200  }
0x1cd: {  	[sflag:s15] =	ssyncset.done $0x0  }
0x1ce: {  	s8 =	rddreg [dreg:$0x14];
	[sflag:s15] =	ssyncadd.s32 $0xFFFFCE00  }
0x1cf: {  	[spmem:s2] =	stream.indirect.scatter.add.f32 [tilespmem:s13], [sflag:$0x3], $0x80, s8, s11, $0xb8;
	[tilespmem:$0x1C800] =	vst v63  }
0x1d0: {  	_ =	swait.ge [sflag:s9], $0x3200  }
0x1d1: {  	[sflag:s9] =	ssyncset.done $0x0  }
0x1d2: {  	s7 =	rddreg [dreg:$0x15];
	[sflag:s9] =	ssyncadd.s32 $0xFFFFCE00  }
0x1d3: {  	[tilespmem:s13], [sflag:$0x2] =	stream.indirect.gather [hbm4b:s4+s11], $0x80, s7, s11, $0xb8;
	[tilespmem:$0x1C800] =	vst v63  }
0x1d4: {  	_ =	swait.ge [sflag:s14], $0x3200  }
0x1d5: {  	[sflag:s14] =	ssyncset.done $0x0  }
0x1d6: {  	s8 =	rddreg [dreg:$0x16];
	[sflag:s14] =	ssyncadd.s32 $0xFFFFCE00  }
0x1d7: {  	[spmem:s2] =	stream.indirect.scatter.add.f32 [tilespmem:s12], [sflag:$0x3], $0x80, s8, s11, $0xb8;
	[tilespmem:$0x1C800] =	vst v63  }
0x1d8: {  	_ =	swait.ge [sflag:s9], $0x3200  }
0x1d9: {  	[sflag:s9] =	ssyncset.done $0x0  }
0x1da: {  	s7 =	rddreg [dreg:$0x17];
	[sflag:s9] =	ssyncadd.s32 $0xFFFFCE00  }
0x1db: {  	[tilespmem:s12], [sflag:$0x1] =	stream.indirect.gather [hbm4b:s4+s11], $0x80, s7, s11, $0xb8;
	[tilespmem:$0x1C800] =	vst v63  }
0x1dc: {  	_ =	swait.ge [sflag:s15], $0x3200  }
0x1dd: {  	[sflag:s15] =	ssyncset.done $0x0  }
0x1de: {  	s8 =	rddreg [dreg:$0x18];
	[sflag:s15] =	ssyncadd.s32 $0xFFFFCE00  }
0x1df: {  	[spmem:s2] =	stream.indirect.scatter.add.f32 [tilespmem:s13], [sflag:$0x3], $0x80, s8, s11, $0xb8;
	[tilespmem:$0x1C800] =	vst v63  }
0x1e0: {  	_ =	swait.ge [sflag:s9], $0x3200  }
0x1e1: {  	[sflag:s9] =	ssyncset.done $0x0  }
0x1e2: {  	s7 =	rddreg [dreg:$0x19];
	[sflag:s9] =	ssyncadd.s32 $0xFFFFCE00  }
0x1e3: {  	[tilespmem:s13], [sflag:$0x2] =	stream.indirect.gather [hbm4b:s4+s11], $0x80, s7, s11, $0xb8;
	[tilespmem:$0x1C800] =	vst v63  }
0x1e4: {  	_ =	swait.ge [sflag:s14], $0x3200  }
0x1e5: {  	[sflag:s14] =	ssyncset.done $0x0  }
0x1e6: {  	s8 =	rddreg [dreg:$0x1a];
	[sflag:s14] =	ssyncadd.s32 $0xFFFFCE00  }
0x1e7: {  	[spmem:s2] =	stream.indirect.scatter.add.f32 [tilespmem:s12], [sflag:$0x3], $0x80, s8, s11, $0xb8;
	[tilespmem:$0x1C800] =	vst v63  }
0x1e8: {  	_ =	swait.ge [sflag:s9], $0x3200  }
0x1e9: {  	[sflag:s9] =	ssyncset.done $0x0  }
0x1ea: {  	[sflag:s9] =	ssyncadd.s32 $0xFFFFCE00  }
0x1eb: {  	[tilespmem:s12], [sflag:$0x1] =	stream.indirect.gather [hbm4b:s4+s11], $0x80, s16, s11, $0xb8;
	[tilespmem:$0x1C800] =	vst v63  }
0x1ec: {  	_ =	swait.ge [sflag:s15], $0x3200  }
0x1ed: {  	[sflag:s15] =	ssyncset.done $0x0  }
0x1ee: {  	[sflag:s15] =	ssyncadd.s32 $0xFFFFCE00  }
0x1ef: {  	[spmem:s2] =	stream.indirect.scatter.add.f32 [tilespmem:s13], [sflag:$0x3], $0x80, s17, s11, $0xb8;
	[tilespmem:$0x1C800] =	vst v63  }
0x1f0: {  	_ =	swait.ge [sflag:s9], $0x3200  }
0x1f1: {  	[sflag:s9] =	ssyncset.done $0x0  }
0x1f2: {  	[sflag:s9] =	ssyncadd.s32 $0xFFFFCE00  }
0x1f3: {  	[tilespmem:s13], [sflag:$0x2] =	stream.indirect.gather [hbm4b:s4+s11], $0x80, s18, s11, $0xb8;
	[tilespmem:$0x1C800] =	vst v63  }
0x1f4: {  	_ =	swait.ge [sflag:s14], $0x3200  }
0x1f5: {  	[sflag:s14] =	ssyncset.done $0x0  }
0x1f6: {  	[sflag:s14] =	ssyncadd.s32 $0xFFFFCE00  }
0x1f7: {  	[spmem:s2] =	stream.indirect.scatter.add.f32 [tilespmem:s12], [sflag:$0x3], $0x80, s19, s11, $0xb8;
	[tilespmem:$0x1C800] =	vst v63  }
0x1f8: {  	_ =	swait.ge [sflag:s9], $0x3200  }
0x1f9: {  	[sflag:s9] =	ssyncset.done $0x0  }
0x1fa: {  	[sflag:s9] =	ssyncadd.s32 $0xFFFFCE00  }
0x1fb: {  	[tilespmem:s12], [sflag:$0x1] =	stream.indirect.gather [hbm4b:s4+s11], $0x80, s20, s11, $0xb8;
	[tilespmem:$0x1C800] =	vst v63  }
0x1fc: {  	_ =	swait.ge [sflag:s15], $0x3200  }
0x1fd: {  	[sflag:s15] =	ssyncset.done $0x0  }
0x1fe: {  	[sflag:s15] =	ssyncadd.s32 $0xFFFFCE00  }
0x1ff: {  	[spmem:s2] =	stream.indirect.scatter.add.f32 [tilespmem:s13], [sflag:$0x3], $0x80, s21, s11, $0xb8;
	[tilespmem:$0x1C800] =	vst v63  }
0x200: {  	_ =	swait.ge [sflag:s9], $0x3200  }
0x201: {  	[sflag:s9] =	ssyncset.done $0x0  }
0x202: {  	[sflag:s9] =	ssyncadd.s32 $0xFFFFCE00  }
0x203: {  	[tilespmem:s13], [sflag:$0x2] =	stream.indirect.gather [hbm4b:s4+s11], $0x80, s22, s11, $0xb8;
	[tilespmem:$0x1C800] =	vst v63  }
0x204: {  	_ =	swait.ge [sflag:s14], $0x3200  }
0x205: {  	[sflag:s14] =	ssyncset.done $0x0  }
0x206: {  	[sflag:s14] =	ssyncadd.s32 $0xFFFFCE00  }
0x207: {  	[spmem:s2] =	stream.indirect.scatter.add.f32 [tilespmem:s12], [sflag:$0x3], $0x80, s23, s11, $0xb8;
	[tilespmem:$0x1C800] =	vst v63  }
0x208: {  	_ =	swait.ge [sflag:s9], $0x3200  }
0x209: {  	[sflag:s9] =	ssyncset.done $0x0  }
0x20a: {  	[sflag:s9] =	ssyncadd.s32 $0xFFFFCE00  }
0x20b: {  	[tilespmem:s12], [sflag:$0x1] =	stream.indirect.gather [hbm4b:s4+s11], $0x80, s24, s11, $0xb8;
	[tilespmem:$0x1C800] =	vst v63  }
0x20c: {  	_ =	swait.ge [sflag:s15], $0x3200  }
0x20d: {  	[sflag:s15] =	ssyncset.done $0x0  }
0x20e: {  	[sflag:s15] =	ssyncadd.s32 $0xFFFFCE00  }
0x20f: {  	[spmem:s2] =	stream.indirect.scatter.add.f32 [tilespmem:s13], [sflag:$0x3], $0x80, s25, s11, $0xb8;
	[tilespmem:$0x1C800] =	vst v63  }
0x210: {  	_ =	swait.ge [sflag:s9], $0x3200  }
0x211: {  	[sflag:s9] =	ssyncset.done $0x0  }
0x212: {  	[sflag:s9] =	ssyncadd.s32 $0xFFFFCE00  }
0x213: {  	[tilespmem:s13], [sflag:$0x2] =	stream.indirect.gather [hbm4b:s4+s11], $0x80, s26, s11, $0xb8;
	[tilespmem:$0x1C800] =	vst v63  }
0x214: {  	_ =	swait.ge [sflag:s14], $0x3200  }
0x215: {  	[sflag:s14] =	ssyncset.done $0x0  }
0x216: {  	[sflag:s14] =	ssyncadd.s32 $0xFFFFCE00  }
0x217: {  	[spmem:s2] =	stream.indirect.scatter.add.f32 [tilespmem:s12], [sflag:$0x3], $0x80, s28, s11, $0xb8;
	[tilespmem:$0x1C800] =	vst v63  }
0x218: {  	_ =	swait.ge [sflag:s9], $0x3200  }
0x219: {  	[sflag:s9] =	ssyncset.done $0x0  }
0x21a: {  	[sflag:s9] =	ssyncadd.s32 $0xFFFFCE00  }
0x21b: {  	[tilespmem:s12], [sflag:$0x1] =	stream.indirect.gather [hbm4b:s4+s11], $0x80, s29, s11, $0xb8;
	[tilespmem:$0x1C800] =	vst v63  }
0x21c: {  	_ =	swait.ge [sflag:s15], $0x3200  }
0x21d: {  	[sflag:s15] =	ssyncset.done $0x0  }
0x21e: {  	[sflag:s15] =	ssyncadd.s32 $0xFFFFCE00  }
0x21f: {  	[spmem:s2] =	stream.indirect.scatter.add.f32 [tilespmem:s13], [sflag:$0x3], $0x80, s30, s11, $0xb8;
	[tilespmem:$0x1C800] =	vst v63  }
0x220: {  	_ =	swait.ge [sflag:s9], $0x3200  }
0x221: {  	[sflag:s9] =	ssyncset.done $0x0  }
0x222: {  	[sflag:s9] =	ssyncadd.s32 $0xFFFFCE00  }
0x223: {  	[tilespmem:s13], [sflag:$0x2] =	stream.indirect.gather [hbm4b:s4+s11], $0x80, s31, s11, $0xb8;
	[tilespmem:$0x1C800] =	vst v63  }
0x224: {  	_ =	swait.ge [sflag:s14], $0x3200  }
0x225: {  	[sflag:s14] =	ssyncset.done $0x0  }
0x226: {  	[sflag:s14] =	ssyncadd.s32 $0xFFFFCE00  }
0x227: {  	[spmem:s2] =	stream.indirect.scatter.add.f32 [tilespmem:s12], [sflag:$0x3], $0x80, s1, s11, $0xb8;
	[tilespmem:$0x1C800] =	vst v63  }
0x228: {  	_ =	swait.ge [sflag:s9], $0x3200  }
0x229: {  	[sflag:s9] =	ssyncset.done $0x0  }
0x22a: {  	[sflag:s9] =	ssyncadd.s32 $0xFFFFCE00  }
0x22b: {  	_ =	swait.ge [sflag:s15], $0x3200  }
0x22c: {  	[sflag:s15] =	ssyncset.done $0x0  }
0x22d: {  	[sflag:s15] =	ssyncadd.s32 $0xFFFFCE00  }
0x22e: {  	[spmem:s2] =	stream.indirect.scatter.add.f32 [tilespmem:s13], [sflag:$0x3], $0x80, s0, s11, $0xb8;
	[tilespmem:$0x1C800] =	vst v63  }
0x22f: {  	_ =	swait.ge [sflag:s9], $0x3200  }
0x230: {  	[sflag:s9] =	ssyncset.done $0x0  }
0x231: {  	s7 =	stileid.u32;
	[sflag:s9] =	ssyncadd.s32 $0xFFFFCE00  }
0x232: {  	s6 =	sshll.u32 s7, $0x6;
	[bflag:$0x0] =	sbarrier.arrive $0xFFFF  }
0x233: {  	s6 =	sor.u32 $0x1C03, s6;
	s8 =	sshrl.u32 s5, $0x3;
	s16 =	rddreg [dreg:$0x1b]  }
0x234: {  	[hbm:s16], [sflag:s6] =	dma.local [spmem:s8], $0x2800  }
0x235: {  	_ =	swait.ge [sflag:s9], $0x2800  }
0x236: {  	s8 =	rddreg [dreg:$0x1d]  }
0x237: {  	s16 =	rddreg [dreg:$0x1c];
	s7 =	sadd.s32 $0x1, s8  }
0x238: {  	p0 =	sne.s32 s7, s16  }
.Ltmp3:
0x239: {  	_ = 	snop;
	(pc) =	sbr.rel @p0 .LBB2_1-.Ltmp3, $3  }
0x23a: {  	_ =	sdelay $0x1  }
0x23b: {  	[sflag:s9] =	ssyncset.done $0x0  }
0x23c: {  	[sflag:s9] =	ssyncadd.s32 $0xFFFFD800  }
0x23d: {  	_ =	sfence.sel $0x180000  }
0x23e: {  	[bflag:$0x0] =	sbarrier.arrive $0xFFFF  }
0x23f: {  	_ =	strace $0x9000004D  }
0x240: {  	s0 =	stileid.u32;
	[bflag:$0x2] =	sbarrier.arrive $0xFFFF  }
0x241: {  	p0 =	sne.s32 s0, $0x0;
	s0 =	rddreg [dreg:$0x3]  }
0x242: {  	s0 =	sadd.s32 @!p0 $0x100000, s0  }
0x243: {  	[sflag:s0] =	ssyncadd.tile.s32 @!p0 $0x1;
	_ =	shalt  }
.Lfunc_end2:
_tile_overlayer_lowered:
.L_overlay_start_2:
0x244: {  	(tag) =	ssettag $0x2  }
0x245: {  	s0 =	rddreg [dreg:$0x0];
	s2 =	stileid.u32  }
0x246: {  	s1 =	rddreg [dreg:$0x1];
	p0 =	sne.s32 s2, $0x0  }
0x247: {  	s3 =	rddreg [dreg:$0x2];
	[bflag:$0x3] =	sbarrier.arrive $0xFFFF;
	s2 =	simm.s32 @!p0 $0x1C03  }
0x248: {  	[timem:s3], [sflag:s2] =	dma.local @!p0 [hbm:s0], s1  }
0x249: {  	s0 =	simm.s32 @!p0 $0x3  }
0x24a: {  	_ =	swait.ge @!p0 [sflag:s0], s1  }
0x24b: {  	s1 =	ssub.s32 @!p0 $0x0, s1;
	[sflag:s0] =	ssyncset.done @!p0 $0x0  }
0x24c: {  	[sflag:s0] =	ssyncadd.s32 @!p0 s1  }
0x24d: {  	[bflag:$0x3] =	sbarrier.arrive $0xFFFF  }
0x24e: {  	_ =	shalt  }

// kernel: kernel.7.cloned.1.call-start
scs
__scs_entry_jumppad:
0x0: {  	(pc) =	sbr.rel $0x88, $3  }
0x1: {  	(tag) =	ssettag $0x0;
	lr =	simm.s32 $0x1  }
0x2: {  	[smem:$0x3F99] =	sst lr;
	_ =	strace $0xD0000000  }
0x3: {  	_ = 	snop  }
0x4: {  	_ = 	snop  }
0x5: {  	_ = 	snop  }
0x6: {  	_ = 	snop  }
0x7: {  	_ = 	snop  }
__scs_overlays_trampoline_lowered:
0x8: {  	[smem:$0x3FA8] =	sst s0  }
0x9: {  	[smem:$0x3FA9] =	sst s1  }
0xa: {  	[smem:$0x3FAA] =	sst s2  }
0xb: {  	[smem:$0x3FAB] =	sst s3  }
0xc: {  	[smem:$0x3FAC] =	sst s4  }
0xd: {  	[smem:$0x3FAD] =	sst s5  }
0xe: {  	[smem:$0x3FAE] =	sst s6  }
0xf: {  	[smem:$0x3FAF] =	sst s7  }
0x10: {  	[smem:$0x3FB0] =	sst s8  }
0x11: {  	[smem:$0x3FB1] =	sst s9;
	s0 =	simm.s32 @!p0 $0x0  }
0x12: {  	s1 =	sld [smem:$0x3F97];
	s0 =	simm.s32 @p0 $0x1  }
0x13: {  	[smem:$0x3FB2] =	sst s0;
	s0 =	simm.s32 @!p1 $0x0  }
0x14: {  	s2 =	sld [smem:$0x3F96];
	s0 =	simm.s32 @p1 $0x1  }
0x15: {  	[smem:$0x3FB3] =	sst s0;
	s0 =	simm.s32 @!p2 $0x0  }
0x16: {  	s3 =	sld [smem:$0x3FDB];
	s0 =	simm.s32 @p2 $0x1  }
0x17: {  	s4 =	simm.s32 $0x1BF5;
	[smem:$0x3FB5] =	sst s0  }
0x18: {  	s0 =	sld [smem:$0x3F98];
	_ =	swait.ge [sflag:s4], $0x0  }
0x19: {  	s7 =	sld [smem:$0x3F99]  }
0x1a: {  	s8 =	sadd.s32 $0xFFFFE003, lr  }
0x1b: {  	s9 =	sadd.s32 $0xFFFFFEF7, lr;
	s5 =	simm.s32 $0xFFFFFFFF;
	p2 =	slt.u32 s8, $0xFFFFF086  }
0x1c: {  	p1 =	slt.u32 s9, $0xF7A;
	s5 =	simm.s32 @!p2 $0x0  }
0x1d: {  	s5 =	simm.s32 @p1 $0x1;
	p0 =	seq.s32 s7, s2  }
0x1e: {  	s7 =	smul.u32 @!p0 $0xF7A, s2;
	p2 =	seq.s32 @!p0 s5, $0x0  }
0x1f: {  	s9 =	smul.u32 $0xF7A, s1;
	s8 =	simm.s32 @!p0 $0x1BF5;
	p2 =	por !p2, p0  }
0x20: {  	[sflag:s8] =	ssyncset.s32 @!p0 $0xFFFFF086;
	s6 =	sadd.s32 @!p0 s3, s7;
	s7 =	simm.s32 @!p0 $0x108  }
0x21: {  	s3 =	sadd.s32 s3, s9;
	s6 =	sadd.s32 @!p0 $0x88, s6;
	s7 =	simm.s32 @p2 $0x1082  }
0x22: {  	[simem:s7], [sflag:s8] =	dma.local @!p0 [hbm:s6], $0xF7A  }
0x23: {  	s9 =	sor.u32 $0xD0000000, s2;
	s6 =	simm.s32 $0x108;
	_ =	swait.ge @!p0 [sflag:s8], $0x0  }
0x24: {  	s3 =	sadd.s32 $0x88, s3;
	s6 =	simm.s32 @!p1 $0x1082;
	[sflag:s4] =	ssyncset.s32 $0xFFFFF086  }
0x25: {  	[simem:s6], [sflag:s4] =	dma.local [hbm:s3], $0xF7A  }
0x26: {  	[smem:$0x3F99] =	sst s1;
	(tag) =	ssettag s2;
	_ =	strace s9  }
0x27: {  	s1 =	sld [smem:$0x3FA9]  }
0x28: {  	s2 =	sld [smem:$0x3FAA]  }
0x29: {  	s4 =	sld [smem:$0x3FAC]  }
0x2a: {  	p0 =	seq.s32 s5, $0x0;
	s5 =	sld [smem:$0x3FAD]  }
0x2b: {  	s6 =	sld [smem:$0x3FAE]  }
0x2c: {  	s7 =	sld [smem:$0x3FAF]  }
0x2d: {  	s3 =	simm.s32 $0x108;
	s8 =	sld [smem:$0x3FB0]  }
0x2e: {  	s3 =	simm.s32 @!p0 $0x1082;
	s9 =	sld [smem:$0x3FB1]  }
0x2f: {  	lr =	sadd.s32 s0, s3;
	s0 =	sld [smem:$0x3FA8]  }
0x30: {  	s3 =	sld [smem:$0x3FAB]  }
0x31: {  	[smem:$0x3FB4] =	sst s10  }
0x32: {  	s10 =	sld [smem:$0x3FB2];
	_ =	sdelay $0x3  }
0x33: {  	p0 =	seq.s32 s10, $0x1;
	s10 =	sld [smem:$0x3FB4];
	_ =	sdelay $0x3  }
0x34: {  	[smem:$0x3FB4] =	sst s10  }
0x35: {  	s10 =	sld [smem:$0x3FB3];
	_ =	sdelay $0x3  }
0x36: {  	p1 =	seq.s32 s10, $0x1;
	s10 =	sld [smem:$0x3FB4];
	_ =	sdelay $0x3  }
0x37: {  	[smem:$0x3FB4] =	sst s10  }
0x38: {  	s10 =	sld [smem:$0x3FB5]  }
0x39: {  	_ = 	snop;
	(pc) =	sbr.ind lr, $3  }
0x3a: {  	_ = 	snop  }
0x3b: {  	_ = 	snop  }
0x3c: {  	p2 =	seq.s32 s10, $0x1;
	s10 =	sld [smem:$0x3FB4]  }
0x3d: {  	_ =	shalt  }
0x3e: {  	_ =	shalt  }
0x3f: {  	_ =	shalt  }
0x40: {  	_ =	shalt  }
0x41: {  	_ =	shalt  }
0x42: {  	_ =	shalt  }
0x43: {  	_ =	shalt  }
0x44: {  	_ =	shalt  }
0x45: {  	_ =	shalt  }
0x46: {  	_ =	shalt  }
0x47: {  	_ =	shalt  }
0x48: {  	_ =	shalt  }
0x49: {  	_ =	shalt  }
0x4a: {  	_ =	shalt  }
0x4b: {  	_ =	shalt  }
0x4c: {  	_ =	shalt  }
0x4d: {  	_ =	shalt  }
0x4e: {  	_ =	shalt  }
0x4f: {  	_ =	shalt  }
0x50: {  	_ =	shalt  }
0x51: {  	_ =	shalt  }
0x52: {  	_ =	shalt  }
0x53: {  	_ =	shalt  }
0x54: {  	_ =	shalt  }
0x55: {  	_ =	shalt  }
0x56: {  	_ =	shalt  }
0x57: {  	_ =	shalt  }
0x58: {  	_ =	shalt  }
0x59: {  	_ =	shalt  }
0x5a: {  	_ =	shalt  }
0x5b: {  	_ =	shalt  }
0x5c: {  	_ =	shalt  }
0x5d: {  	_ =	shalt  }
0x5e: {  	_ =	shalt  }
0x5f: {  	_ =	shalt  }
0x60: {  	_ =	shalt  }
0x61: {  	_ =	shalt  }
0x62: {  	_ =	shalt  }
0x63: {  	_ =	shalt  }
0x64: {  	_ =	shalt  }
0x65: {  	_ =	shalt  }
0x66: {  	_ =	shalt  }
0x67: {  	_ =	shalt  }
0x68: {  	_ =	shalt  }
0x69: {  	_ =	shalt  }
0x6a: {  	_ =	shalt  }
0x6b: {  	_ =	shalt  }
0x6c: {  	_ =	shalt  }
0x6d: {  	_ =	shalt  }
0x6e: {  	_ =	shalt  }
0x6f: {  	_ =	shalt  }
0x70: {  	_ =	shalt  }
0x71: {  	_ =	shalt  }
0x72: {  	_ =	shalt  }
0x73: {  	_ =	shalt  }
0x74: {  	_ =	shalt  }
0x75: {  	_ =	shalt  }
0x76: {  	_ =	shalt  }
0x77: {  	_ =	shalt  }
0x78: {  	_ =	shalt  }
0x79: {  	_ =	shalt  }
0x7a: {  	_ =	shalt  }
0x7b: {  	_ =	shalt  }
0x7c: {  	_ =	shalt  }
0x7d: {  	_ =	shalt  }
0x7e: {  	_ =	shalt  }
0x7f: {  	_ =	shalt  }
0x80: {  	_ =	shalt  }
0x81: {  	_ =	shalt  }
0x82: {  	_ =	shalt  }
0x83: {  	_ =	shalt  }
0x84: {  	_ =	shalt  }
0x85: {  	_ =	shalt  }
0x86: {  	_ =	shalt  }
0x87: {  	_ =	shalt  }
.Lfunc_end0:
.L_simem_size_0:
called_computation_lowered:
.L_overlay_start_0:
0x88: {  	s2 =	sld [smem:$0x3FD9]  }
0x89: {  	s3 =	sld [smem:$0x3FFE];
	_ =	sdelay $0x1  }
0x8a: {  	s1 =	srdreg.scid  }
0x8b: {  	s0 =	sand.u32 $0x1, s1  }
0x8c: {  	s16 =	sshll.u32 s0, $0xA;
	s2 =	sadd.s32 s3, s2  }
0x8d: {  	s2 =	sadd.s32 s2, s16  }
0x8e: {  	[smem:$0x3FC0] =	sst s2  }
0x8f: {  	_ = 	snop  }
0x90: {  	(tm) =	ssettm $0x1  }
0x91: {  	s17 =	sld [smem:$0x3FFB];
	_ =	sdelay $0x3  }
0x92: {  	_ =	strace s17  }
0x93: {  	s2 =	sld [smem:$0x3FFC];
	_ =	sdelay $0x3  }
0x94: {  	_ =	strace s2  }
0x95: {  	s2 =	sld [smem:$0x3FFD];
	_ =	sdelay $0x3  }
0x96: {  	_ =	strace s2  }
0x97: {  	_ =	strace $0x8FFFFFFF  }
0x98: {  	s18 =	sld [smem:$0x3FDB];
	_ =	sdelay $0x1  }
0x99: {  	s19 =	simm.s32 $_scs_section_size  }
0x9a: {  	s4 =	simm.s32 $_size__tile_overlayer_lowered;
	s5 =	simm.s32 $_tile_overlayer_lowered  }
0x9b: {  	s22 =	simm.s32 $0x1BFF;
	s21 =	sshll.u32 s5, $0x1;
	s2 =	sadd.s32 s19, s18  }
0x9c: {  	s6 =	simm.s32 $0x0;
	s20 =	sshll.u32 s4, $0x1;
	s4 =	sadd.s32 s21, s2  }
0x9d: {  	[timem:s6], [sflag:s22] =	dma.local [hbm:s4], s20  }
0x9e: {  	_ =	swait.ge [sflag:s22], s20  }
0x9f: {  	s3 =	ssub.s32 $0x0, s20;
	[sflag:s22] =	ssyncset.done $0x0  }
0xa0: {  	[sflag:s22] =	ssyncadd.s32 s3;
	_ =	sdelay $0x1  }
0xa1: {  	s23 =	simm.s32 $0x1B8B  }
0xa2: {  	_ =	swait.ge [sflag:s23], $0x1  }
0xa3: {  	[sflag:s23] =	ssyncset.done $0x0  }
0xa4: {  	s25 =	simm.s32 $0x1B8E;
	s24 =	sld [smem:$0x3FFE];
	[sflag:s23] =	ssyncadd.s32 $0xFFFFFFFF  }
0xa5: {  	s26 =	simm.s32 $execute0_lowered;
	[smem:$0x3FD2] =	sst s25  }
0xa6: {  	s4 =	sshll.u32 s26, $0x1;
	_ =	strace $0x80000046;
	[dreg:$0x1] =	wrdreg $0xFFFFFFFF  }
0xa7: {  	s28 =	simm.s32 $_size_execute0_lowered;
	s2 =	sadd.s32 s2, s4;
	[dreg:$0x0] =	wrdreg $0x0  }
0xa8: {  	s4 =	sshll.u32 s28, $0x1;
	[dreg:$0x2] =	wrdreg s2  }
0xa9: {  	[dreg:$0x3] =	wrdreg s4  }
0xaa: {  	[dreg:$0x4] =	wrdreg $0xC0  }
0xab: {  	_ =	task [dreg:s6], $0x5FFFF  }
0xac: {  	[dreg:$0x1] =	wrdreg $0xFFFFFFFF  }
0xad: {  	[dreg:$0x0] =	wrdreg $0x60  }
0xae: {  	[dreg:$0x2] =	wrdreg s24  }
0xaf: {  	[dreg:$0x3] =	wrdreg $0x48000  }
0xb0: {  	[dreg:$0x4] =	wrdreg $0x9  }
0xb1: {  	_ =	task.clear_ibuf [dreg:s6], $0x5FFFF;
	_ =	strace $0x90000046  }
0xb2: {  	s29 =	simm.s32 $0x9;
	_ =	strace $0x80000048  }
0xb3: {  	_ =	swait.ge [sflag:s29], $0x1  }
0xb4: {  	[sflag:s29] =	ssyncadd.s32 $0xFFFFFFFF  }
0xb5: {  	_ =	strace $0x90000048  }
0xb6: {  	_ =	sfence  }
0xb7: {  	s30 =	sld [smem:$0x0];
	_ =	sdelay $0x2  }
0xb8: {  	s31 =	sshll.u32 s1, $0xD;
	s1 =	sshrl.u32 s1, $0x2  }
0xb9: {  	s3 =	sand.u32 $0x4000, s31;
	s1 =	sadd.s32 s1, s30  }
0xba: {  	s0 =	sor.u32 s3, s0;
	s1 =	sshll.u32 s1, $0x11  }
0xbb: {  	s0 =	sor.u32 s1, s0  }
0xbc: {  	s0 =	sadd.s32 $0x8F2B, s0  }
0xbd: {  	[sflag:s0] =	ssyncadd.remote.s32 $0x1  }
0xbe: {  	_ =	sfence.sel $0xFFFF  }
0xbf: {  	[dreg:$0x0] =	wrdreg $0xFFFFFFFF;
	(pc) =	sbr.abs _section_cstart, $3  }
0xc0: {  	[dreg:$0x1] =	wrdreg $0xFFFFFFFF  }
0xc1: {  	_ =	task.clear_ibuf [dreg:s6], $0x2FFFF;
	_ =	strace $0x9FFFFFFF  }
0xc2: {  	(tm) =	ssettm $0x7FFFFFFF  }
0xc3: {  	_ =	shalt  }
tec
execute0_lowered:
.L_overlay_start_1:
0x0: {  	(tag) =	ssettag $0x1  }
0x1: {  	s0 =	srdreg.scid;
	s1 =	rddreg [dreg:$0x0]  }
0x2: {  	s7 =	stileid.u32;
	s2 =	rddreg [dreg:$0x1];
	s3 =	simm.s32 $0x0  }
0x3: {  	s9 =	simm.s32 $0x1;
	s10 =	simm.s32 $0x64;
	s11 =	simm.s32 $0xC00  }
0x4: {  	s12 =	simm.s32 $0x80;
	s13 =	simm.s32 $0x100;
	s14 =	simm.s32 $0x180  }
0x5: {  	s15 =	simm.s32 $0x200;
	s16 =	simm.s32 $0x280;
	s17 =	simm.s32 $0x300  }
0x6: {  	s18 =	simm.s32 $0x380;
	s19 =	simm.s32 $0x400;
	s20 =	simm.s32 $0x480  }
0x7: {  	s21 =	simm.s32 $0x500;
	s22 =	simm.s32 $0x580;
	s4 =	smul.u32 $0x7800, s7  }
0x8: {  	s28 =	simm.s32 $0x800;
	s29 =	simm.s32 $0x880;
	s23 =	smul.u32 $0x14000, s7  }
0x9: {  	s30 =	simm.s32 $0x900;
	s0 =	sand.u32 $0x1, s0;
	s7 =	smul.u32 $0x50000, s7  }
0xa: {  	s31 =	simm.s32 $0x980;
	[smem:$0x7FF] =	sst s3;
	s5 =	smul.u32 $0x3C00, s0  }
0xb: {  	s6 =	smul.u32 $0x140000, s0;
	_ =	strace $0x80000047;
	s0 =	ssub.s32 $0x2, s0  }
0xc: {  	s25 =	sshrl.u32 s0, $0x1;
	s26 =	sshrl.u32 s7, $0x2;
	s4 =	sadd.s32 s5, s4  }
0xd: {  	s24 =	sadd.s32 s23, s6;
	s0 =	ssub.s32 s0, s25;
	s23 =	simm.s32 $0x600  }
0xe: {  	s25 =	simm.s32 $0x700;
	s4 =	sshrl.u32 s4, $0x3;
	s0 =	smax.u32 s0, $0x1  }
0xf: {  	s8 =	sadd.s32 s4, s1;
	s4 =	sshrl.u32 s24, $0x3;
	[dreg:$0x4] =	wrdreg s0  }
0x10: {  	s24 =	simm.s32 $0x680;
	s1 =	sadd.s32 s4, s1;
	s4 =	sadd.s32 s26, s2  }
0x11: {  	s7 =	sadd.s32 $0x1E00, s8;
	s8 =	simm.s32 $0x4000;
	s1 =	sadd.s32 $0x10E00, s1  }
0x12: {  	v0 =	vimm.f32 $0.0e+00;
	v1 =	vimm.f32 $1.000000000e+00;
	s26 =	simm.s32 $0x780;
	[dreg:$0x3] =	wrdreg s1;
	s1 =	simm.s32 $0x0  }
.LBB2_1:
0x13: {  	s0 =	sand.u32 $0x1E00, s3  }
0x14: {  	[dreg:$0x5] =	wrdreg s1;
	s6 =	sand.u32 $0x70, s3;
	s0 =	sshrl.u32 s0, $0x2  }
0x15: {  	s5 =	simm.s32 $0x40;
	s1 =	sor.u32 s6, s0;
	s6 =	simm.s32 $0x0  }
.LBB2_2:
0x16: {  	p0 =	sne.s32 s5, $0x1FC0  }
0x17: {  	[tilespmem:s1+$0x4000] =	vst v0;
	s6 =	sadd.s32 $0x10, s6;
	s0 =	smov.u32 s5;
	s5 =	sadd.s32 $0x40, s5  }
.Ltmp0:
0x18: {  	(pc) =	sbr.rel @p0 .LBB2_2-.Ltmp0, $4  }
0x19: {  	_ = 	snop  }
0x1a: {  	s0 =	sand.u32 $0x1E00, s0  }
0x1b: {  	s1 =	sand.u32 $0x70, s6;
	s0 =	sshrl.u32 s0, $0x2  }
0x1c: {  	s1 =	sor.u32 s1, s0;
	s0 =	simm.s32 $0x0  }
0x1d: {  	s6 =	sand.u32 $0x70, s0  }
0x1e: {  	s5 =	sand.u32 $0xFE00, s0;
	[dreg:$0x6] =	wrdreg s6  }
0x1f: {  	[tilespmem:s1+$0x4000] =	vst v0;
	s6 =	sshrl.u32 s5, $0x2;
	s1 =	rddreg [dreg:$0x6]  }
0x20: {  	s5 =	simm.s32 $0x40;
	s1 =	sor.u32 s1, s6  }
.LBB2_4:
0x21: {  	p0 =	sne.s32 s5, $0xC7C0  }
0x22: {  	[tilespmem:s1+$0xC00] =	vst v1;
	s0 =	sadd.s32 $0x10, s0;
	s1 =	smov.u32 s5;
	s5 =	sadd.s32 $0x40, s5  }
.Ltmp1:
0x23: {  	(pc) =	sbr.rel @p0 .LBB2_4-.Ltmp1, $4  }
0x24: {  	_ = 	snop  }
0x25: {  	s1 =	sand.u32 $0xFE00, s1  }
0x26: {  	s6 =	sand.u32 $0x70, s0;
	s1 =	sshrl.u32 s1, $0x2  }
0x27: {  	s1 =	sor.u32 s6, s1  }
0x28: {  	[tilespmem:s1+$0xC00] =	vst v1;
	s0 =	sadd.s32 $0x0, s4  }
0x29: {  	[spmem:s0] =	stream.linear.scatter [tilespmem:s8], [sflag:$0x1], $0x800, $0x38;
	[tilespmem:$0x18800] =	vst v63  }
0x2a: {  	s0 =	simm.s32 $0x2000;
	_ =	swait.ge [sflag:s9], $0x800  }
.LBB2_6:
0x2b: {  	s1 =	sshra.s32 s0, $0x2;
	[sflag:s9] =	ssyncset.done $0x0;
	p0 =	sne.s32 s0, $0x4E000  }
.Ltmp2:
0x2c: {  	s1 =	sadd.s32 s1, s4;
	[sflag:s9] =	ssyncadd.s32 $0xFFFFF800;
	(pc) =	sbr.rel @p0 .LBB2_6-.Ltmp2, $3  }
0x2d: {  	[spmem:s1] =	stream.linear.scatter [tilespmem:s8], [sflag:$0x1], $0x800, $0x38;
	[tilespmem:$0x18800] =	vst v63  }
0x2e: {  	s0 =	sadd.s32 $0x2000, s0;
	_ =	sdelay $0x1  }
0x2f: {  	_ =	swait.ge [sflag:s9], $0x800  }
0x30: {  	[sflag:s9] =	ssyncset.done $0x0  }
0x31: {  	[sflag:s9] =	ssyncadd.s32 $0xFFFFF800  }
0x32: {  	s0 =	sadd.s32 $0x0, s7;
	[bflag:$0x0] =	sbarrier.arrive $0xFFFF  }
0x33: {  	[tilespmem:s3], [sflag:$0x1] =	stream.linear.gather [hbm4b:s0+s3], $0xA00, $0x38;
	[tilespmem:$0x18800] =	vst v63  }
0x34: {  	_ =	swait.ge [sflag:s9], $0xA00  }
0x35: {  	[sflag:s9] =	ssyncset.done $0x0  }
0x36: {  	[sflag:s9] =	ssyncadd.s32 $0xFFFFF600  }
0x37: {  	[spmem:s2] =	stream.indirect.scatter.add.f32 [tilespmem:s11], [sflag:$0x1], $0x80, s3, s10, $0xb8;
	[tilespmem:$0x18800] =	vst v63  }
0x38: {  	_ =	swait.ge [sflag:s9], $0x3200  }
0x39: {  	[sflag:s9] =	ssyncset.done $0x0  }
0x3a: {  	[sflag:s9] =	ssyncadd.s32 $0xFFFFCE00  }
0x3b: {  	[spmem:s2] =	stream.indirect.scatter.add.f32 [tilespmem:s11], [sflag:$0x1], $0x80, s12, s10, $0xb8;
	[tilespmem:$0x18800] =	vst v63  }
0x3c: {  	_ =	swait.ge [sflag:s9], $0x3200  }
0x3d: {  	[sflag:s9] =	ssyncset.done $0x0  }
0x3e: {  	[sflag:s9] =	ssyncadd.s32 $0xFFFFCE00  }
0x3f: {  	[spmem:s2] =	stream.indirect.scatter.add.f32 [tilespmem:s11], [sflag:$0x1], $0x80, s13, s10, $0xb8;
	[tilespmem:$0x18800] =	vst v63  }
0x40: {  	_ =	swait.ge [sflag:s9], $0x3200  }
0x41: {  	[sflag:s9] =	ssyncset.done $0x0  }
0x42: {  	[sflag:s9] =	ssyncadd.s32 $0xFFFFCE00  }
0x43: {  	[spmem:s2] =	stream.indirect.scatter.add.f32 [tilespmem:s11], [sflag:$0x1], $0x80, s14, s10, $0xb8;
	[tilespmem:$0x18800] =	vst v63  }
0x44: {  	_ =	swait.ge [sflag:s9], $0x3200  }
0x45: {  	[sflag:s9] =	ssyncset.done $0x0  }
0x46: {  	[sflag:s9] =	ssyncadd.s32 $0xFFFFCE00  }
0x47: {  	[spmem:s2] =	stream.indirect.scatter.add.f32 [tilespmem:s11], [sflag:$0x1], $0x80, s15, s10, $0xb8;
	[tilespmem:$0x18800] =	vst v63  }
0x48: {  	_ =	swait.ge [sflag:s9], $0x3200  }
0x49: {  	[sflag:s9] =	ssyncset.done $0x0  }
0x4a: {  	[sflag:s9] =	ssyncadd.s32 $0xFFFFCE00  }
0x4b: {  	[spmem:s2] =	stream.indirect.scatter.add.f32 [tilespmem:s11], [sflag:$0x1], $0x80, s16, s10, $0xb8;
	[tilespmem:$0x18800] =	vst v63  }
0x4c: {  	_ =	swait.ge [sflag:s9], $0x3200  }
0x4d: {  	[sflag:s9] =	ssyncset.done $0x0  }
0x4e: {  	[sflag:s9] =	ssyncadd.s32 $0xFFFFCE00  }
0x4f: {  	[spmem:s2] =	stream.indirect.scatter.add.f32 [tilespmem:s11], [sflag:$0x1], $0x80, s17, s10, $0xb8;
	[tilespmem:$0x18800] =	vst v63  }
0x50: {  	_ =	swait.ge [sflag:s9], $0x3200  }
0x51: {  	[sflag:s9] =	ssyncset.done $0x0  }
0x52: {  	[sflag:s9] =	ssyncadd.s32 $0xFFFFCE00  }
0x53: {  	[spmem:s2] =	stream.indirect.scatter.add.f32 [tilespmem:s11], [sflag:$0x1], $0x80, s18, s10, $0xb8;
	[tilespmem:$0x18800] =	vst v63  }
0x54: {  	_ =	swait.ge [sflag:s9], $0x3200  }
0x55: {  	[sflag:s9] =	ssyncset.done $0x0  }
0x56: {  	[sflag:s9] =	ssyncadd.s32 $0xFFFFCE00  }
0x57: {  	[spmem:s2] =	stream.indirect.scatter.add.f32 [tilespmem:s11], [sflag:$0x1], $0x80, s19, s10, $0xb8;
	[tilespmem:$0x18800] =	vst v63  }
0x58: {  	_ =	swait.ge [sflag:s9], $0x3200  }
0x59: {  	[sflag:s9] =	ssyncset.done $0x0  }
0x5a: {  	[sflag:s9] =	ssyncadd.s32 $0xFFFFCE00  }
0x5b: {  	[spmem:s2] =	stream.indirect.scatter.add.f32 [tilespmem:s11], [sflag:$0x1], $0x80, s20, s10, $0xb8;
	[tilespmem:$0x18800] =	vst v63  }
0x5c: {  	_ =	swait.ge [sflag:s9], $0x3200  }
0x5d: {  	[sflag:s9] =	ssyncset.done $0x0  }
0x5e: {  	[sflag:s9] =	ssyncadd.s32 $0xFFFFCE00  }
0x5f: {  	[spmem:s2] =	stream.indirect.scatter.add.f32 [tilespmem:s11], [sflag:$0x1], $0x80, s21, s10, $0xb8;
	[tilespmem:$0x18800] =	vst v63  }
0x60: {  	_ =	swait.ge [sflag:s9], $0x3200  }
0x61: {  	[sflag:s9] =	ssyncset.done $0x0  }
0x62: {  	[sflag:s9] =	ssyncadd.s32 $0xFFFFCE00  }
0x63: {  	[spmem:s2] =	stream.indirect.scatter.add.f32 [tilespmem:s11], [sflag:$0x1], $0x80, s22, s10, $0xb8;
	[tilespmem:$0x18800] =	vst v63  }
0x64: {  	_ =	swait.ge [sflag:s9], $0x3200  }
0x65: {  	[sflag:s9] =	ssyncset.done $0x0  }
0x66: {  	[sflag:s9] =	ssyncadd.s32 $0xFFFFCE00  }
0x67: {  	[spmem:s2] =	stream.indirect.scatter.add.f32 [tilespmem:s11], [sflag:$0x1], $0x80, s23, s10, $0xb8;
	[tilespmem:$0x18800] =	vst v63  }
0x68: {  	_ =	swait.ge [sflag:s9], $0x3200  }
0x69: {  	[sflag:s9] =	ssyncset.done $0x0  }
0x6a: {  	[sflag:s9] =	ssyncadd.s32 $0xFFFFCE00  }
0x6b: {  	[spmem:s2] =	stream.indirect.scatter.add.f32 [tilespmem:s11], [sflag:$0x1], $0x80, s24, s10, $0xb8;
	[tilespmem:$0x18800] =	vst v63  }
0x6c: {  	_ =	swait.ge [sflag:s9], $0x3200  }
0x6d: {  	[sflag:s9] =	ssyncset.done $0x0  }
0x6e: {  	[sflag:s9] =	ssyncadd.s32 $0xFFFFCE00  }
0x6f: {  	[spmem:s2] =	stream.indirect.scatter.add.f32 [tilespmem:s11], [sflag:$0x1], $0x80, s25, s10, $0xb8;
	[tilespmem:$0x18800] =	vst v63  }
0x70: {  	_ =	swait.ge [sflag:s9], $0x3200  }
0x71: {  	[sflag:s9] =	ssyncset.done $0x0  }
0x72: {  	[sflag:s9] =	ssyncadd.s32 $0xFFFFCE00  }
0x73: {  	[spmem:s2] =	stream.indirect.scatter.add.f32 [tilespmem:s11], [sflag:$0x1], $0x80, s26, s10, $0xb8;
	[tilespmem:$0x18800] =	vst v63  }
0x74: {  	_ =	swait.ge [sflag:s9], $0x3200  }
0x75: {  	[sflag:s9] =	ssyncset.done $0x0  }
0x76: {  	[sflag:s9] =	ssyncadd.s32 $0xFFFFCE00  }
0x77: {  	[spmem:s2] =	stream.indirect.scatter.add.f32 [tilespmem:s11], [sflag:$0x1], $0x80, s28, s10, $0xb8;
	[tilespmem:$0x18800] =	vst v63  }
0x78: {  	_ =	swait.ge [sflag:s9], $0x3200  }
0x79: {  	[sflag:s9] =	ssyncset.done $0x0  }
0x7a: {  	[sflag:s9] =	ssyncadd.s32 $0xFFFFCE00  }
0x7b: {  	[spmem:s2] =	stream.indirect.scatter.add.f32 [tilespmem:s11], [sflag:$0x1], $0x80, s29, s10, $0xb8;
	[tilespmem:$0x18800] =	vst v63  }
0x7c: {  	_ =	swait.ge [sflag:s9], $0x3200  }
0x7d: {  	[sflag:s9] =	ssyncset.done $0x0  }
0x7e: {  	[sflag:s9] =	ssyncadd.s32 $0xFFFFCE00  }
0x7f: {  	[spmem:s2] =	stream.indirect.scatter.add.f32 [tilespmem:s11], [sflag:$0x1], $0x80, s30, s10, $0xb8;
	[tilespmem:$0x18800] =	vst v63  }
0x80: {  	_ =	swait.ge [sflag:s9], $0x3200  }
0x81: {  	[sflag:s9] =	ssyncset.done $0x0  }
0x82: {  	[sflag:s9] =	ssyncadd.s32 $0xFFFFCE00  }
0x83: {  	[spmem:s2] =	stream.indirect.scatter.add.f32 [tilespmem:s11], [sflag:$0x1], $0x80, s31, s10, $0xb8;
	[tilespmem:$0x18800] =	vst v63  }
0x84: {  	_ =	swait.ge [sflag:s9], $0x3200  }
0x85: {  	s6 =	simm.s32 $0x300;
	s0 =	simm.s32 $0x180;
	[sflag:s9] =	ssyncset.done $0x0  }
.LBB2_8:
0x86: {  	s1 =	sadd.s32 s0, s7  }
0x87: {  	[sflag:s9] =	ssyncadd.s32 $0xFFFFCE00;
	s0 =	smov.u32 s6;
	s5 =	sadd.s32 $0x180, s6  }
0x88: {  	[tilespmem:s3], [sflag:$0x1] =	stream.linear.gather [hbm4b:s1+s3], $0xA00, $0x38;
	[tilespmem:$0x18800] =	vst v63  }
0x89: {  	p0 =	sne.s32 s6, $0x600;
	_ =	swait.ge [sflag:s9], $0xA00  }
0x8a: {  	[sflag:s9] =	ssyncset.done $0x0  }
0x8b: {  	[sflag:s9] =	ssyncadd.s32 $0xFFFFF600  }
0x8c: {  	[spmem:s2] =	stream.indirect.scatter.add.f32 [tilespmem:s11], [sflag:$0x1], $0x80, s3, s10, $0xb8;
	[tilespmem:$0x18800] =	vst v63  }
0x8d: {  	_ =	swait.ge [sflag:s9], $0x3200  }
0x8e: {  	[sflag:s9] =	ssyncset.done $0x0  }
0x8f: {  	[sflag:s9] =	ssyncadd.s32 $0xFFFFCE00  }
0x90: {  	[spmem:s2] =	stream.indirect.scatter.add.f32 [tilespmem:s11], [sflag:$0x1], $0x80, s12, s10, $0xb8;
	[tilespmem:$0x18800] =	vst v63  }
0x91: {  	_ =	swait.ge [sflag:s9], $0x3200  }
0x92: {  	[sflag:s9] =	ssyncset.done $0x0  }
0x93: {  	[sflag:s9] =	ssyncadd.s32 $0xFFFFCE00  }
0x94: {  	[spmem:s2] =	stream.indirect.scatter.add.f32 [tilespmem:s11], [sflag:$0x1], $0x80, s13, s10, $0xb8;
	[tilespmem:$0x18800] =	vst v63  }
0x95: {  	_ =	swait.ge [sflag:s9], $0x3200  }
0x96: {  	[sflag:s9] =	ssyncset.done $0x0  }
0x97: {  	[sflag:s9] =	ssyncadd.s32 $0xFFFFCE00  }
0x98: {  	[spmem:s2] =	stream.indirect.scatter.add.f32 [tilespmem:s11], [sflag:$0x1], $0x80, s14, s10, $0xb8;
	[tilespmem:$0x18800] =	vst v63  }
0x99: {  	_ =	swait.ge [sflag:s9], $0x3200  }
0x9a: {  	[sflag:s9] =	ssyncset.done $0x0  }
0x9b: {  	[sflag:s9] =	ssyncadd.s32 $0xFFFFCE00  }
0x9c: {  	[spmem:s2] =	stream.indirect.scatter.add.f32 [tilespmem:s11], [sflag:$0x1], $0x80, s15, s10, $0xb8;
	[tilespmem:$0x18800] =	vst v63  }
0x9d: {  	_ =	swait.ge [sflag:s9], $0x3200  }
0x9e: {  	[sflag:s9] =	ssyncset.done $0x0  }
0x9f: {  	[sflag:s9] =	ssyncadd.s32 $0xFFFFCE00  }
0xa0: {  	[spmem:s2] =	stream.indirect.scatter.add.f32 [tilespmem:s11], [sflag:$0x1], $0x80, s16, s10, $0xb8;
	[tilespmem:$0x18800] =	vst v63  }
0xa1: {  	_ =	swait.ge [sflag:s9], $0x3200  }
0xa2: {  	[sflag:s9] =	ssyncset.done $0x0  }
0xa3: {  	[sflag:s9] =	ssyncadd.s32 $0xFFFFCE00  }
0xa4: {  	[spmem:s2] =	stream.indirect.scatter.add.f32 [tilespmem:s11], [sflag:$0x1], $0x80, s17, s10, $0xb8;
	[tilespmem:$0x18800] =	vst v63  }
0xa5: {  	_ =	swait.ge [sflag:s9], $0x3200  }
0xa6: {  	[sflag:s9] =	ssyncset.done $0x0  }
0xa7: {  	[sflag:s9] =	ssyncadd.s32 $0xFFFFCE00  }
0xa8: {  	[spmem:s2] =	stream.indirect.scatter.add.f32 [tilespmem:s11], [sflag:$0x1], $0x80, s18, s10, $0xb8;
	[tilespmem:$0x18800] =	vst v63  }
0xa9: {  	_ =	swait.ge [sflag:s9], $0x3200  }
0xaa: {  	[sflag:s9] =	ssyncset.done $0x0  }
0xab: {  	[sflag:s9] =	ssyncadd.s32 $0xFFFFCE00  }
0xac: {  	[spmem:s2] =	stream.indirect.scatter.add.f32 [tilespmem:s11], [sflag:$0x1], $0x80, s19, s10, $0xb8;
	[tilespmem:$0x18800] =	vst v63  }
0xad: {  	_ =	swait.ge [sflag:s9], $0x3200  }
0xae: {  	[sflag:s9] =	ssyncset.done $0x0  }
0xaf: {  	[sflag:s9] =	ssyncadd.s32 $0xFFFFCE00  }
0xb0: {  	[spmem:s2] =	stream.indirect.scatter.add.f32 [tilespmem:s11], [sflag:$0x1], $0x80, s20, s10, $0xb8;
	[tilespmem:$0x18800] =	vst v63  }
0xb1: {  	_ =	swait.ge [sflag:s9], $0x3200  }
0xb2: {  	[sflag:s9] =	ssyncset.done $0x0  }
0xb3: {  	[sflag:s9] =	ssyncadd.s32 $0xFFFFCE00  }
0xb4: {  	[spmem:s2] =	stream.indirect.scatter.add.f32 [tilespmem:s11], [sflag:$0x1], $0x80, s21, s10, $0xb8;
	[tilespmem:$0x18800] =	vst v63  }
0xb5: {  	_ =	swait.ge [sflag:s9], $0x3200  }
0xb6: {  	[sflag:s9] =	ssyncset.done $0x0  }
0xb7: {  	[sflag:s9] =	ssyncadd.s32 $0xFFFFCE00  }
0xb8: {  	[spmem:s2] =	stream.indirect.scatter.add.f32 [tilespmem:s11], [sflag:$0x1], $0x80, s22, s10, $0xb8;
	[tilespmem:$0x18800] =	vst v63  }
0xb9: {  	_ =	swait.ge [sflag:s9], $0x3200  }
0xba: {  	[sflag:s9] =	ssyncset.done $0x0  }
0xbb: {  	[sflag:s9] =	ssyncadd.s32 $0xFFFFCE00  }
0xbc: {  	[spmem:s2] =	stream.indirect.scatter.add.f32 [tilespmem:s11], [sflag:$0x1], $0x80, s23, s10, $0xb8;
	[tilespmem:$0x18800] =	vst v63  }
0xbd: {  	_ =	swait.ge [sflag:s9], $0x3200  }
0xbe: {  	[sflag:s9] =	ssyncset.done $0x0  }
0xbf: {  	[sflag:s9] =	ssyncadd.s32 $0xFFFFCE00  }
0xc0: {  	[spmem:s2] =	stream.indirect.scatter.add.f32 [tilespmem:s11], [sflag:$0x1], $0x80, s24, s10, $0xb8;
	[tilespmem:$0x18800] =	vst v63  }
0xc1: {  	_ =	swait.ge [sflag:s9], $0x3200  }
0xc2: {  	[sflag:s9] =	ssyncset.done $0x0  }
0xc3: {  	[sflag:s9] =	ssyncadd.s32 $0xFFFFCE00  }
0xc4: {  	[spmem:s2] =	stream.indirect.scatter.add.f32 [tilespmem:s11], [sflag:$0x1], $0x80, s25, s10, $0xb8;
	[tilespmem:$0x18800] =	vst v63  }
0xc5: {  	_ =	swait.ge [sflag:s9], $0x3200  }
0xc6: {  	[sflag:s9] =	ssyncset.done $0x0  }
0xc7: {  	[sflag:s9] =	ssyncadd.s32 $0xFFFFCE00  }
0xc8: {  	[spmem:s2] =	stream.indirect.scatter.add.f32 [tilespmem:s11], [sflag:$0x1], $0x80, s26, s10, $0xb8;
	[tilespmem:$0x18800] =	vst v63  }
0xc9: {  	_ =	swait.ge [sflag:s9], $0x3200  }
0xca: {  	[sflag:s9] =	ssyncset.done $0x0  }
0xcb: {  	[sflag:s9] =	ssyncadd.s32 $0xFFFFCE00  }
0xcc: {  	[spmem:s2] =	stream.indirect.scatter.add.f32 [tilespmem:s11], [sflag:$0x1], $0x80, s28, s10, $0xb8;
	[tilespmem:$0x18800] =	vst v63  }
0xcd: {  	_ =	swait.ge [sflag:s9], $0x3200  }
0xce: {  	[sflag:s9] =	ssyncset.done $0x0  }
0xcf: {  	[sflag:s9] =	ssyncadd.s32 $0xFFFFCE00  }
0xd0: {  	[spmem:s2] =	stream.indirect.scatter.add.f32 [tilespmem:s11], [sflag:$0x1], $0x80, s29, s10, $0xb8;
	[tilespmem:$0x18800] =	vst v63  }
0xd1: {  	_ =	swait.ge [sflag:s9], $0x3200  }
0xd2: {  	[sflag:s9] =	ssyncset.done $0x0  }
0xd3: {  	[sflag:s9] =	ssyncadd.s32 $0xFFFFCE00  }
0xd4: {  	[spmem:s2] =	stream.indirect.scatter.add.f32 [tilespmem:s11], [sflag:$0x1], $0x80, s30, s10, $0xb8;
	[tilespmem:$0x18800] =	vst v63  }
0xd5: {  	_ =	swait.ge [sflag:s9], $0x3200  }
.Ltmp3:
0xd6: {  	[sflag:s9] =	ssyncset.done $0x0;
	(pc) =	sbr.rel @p0 .LBB2_8-.Ltmp3, $4  }
0xd7: {  	[sflag:s9] =	ssyncadd.s32 $0xFFFFCE00  }
0xd8: {  	[spmem:s2] =	stream.indirect.scatter.add.f32 [tilespmem:s11], [sflag:$0x1], $0x80, s31, s10, $0xb8;
	[tilespmem:$0x18800] =	vst v63  }
0xd9: {  	_ =	swait.ge [sflag:s9], $0x3200  }
0xda: {  	s6 =	smov.u32 s5;
	[sflag:s9] =	ssyncset.done $0x0  }
0xdb: {  	s0 =	sadd.s32 s0, s7;
	[sflag:s9] =	ssyncadd.s32 $0xFFFFCE00  }
0xdc: {  	[tilespmem:s3], [sflag:$0x1] =	stream.linear.gather [hbm4b:s0+s3], $0xA00, $0x38;
	[tilespmem:$0x18800] =	vst v63  }
0xdd: {  	_ =	swait.ge [sflag:s9], $0xA00  }
0xde: {  	[sflag:s9] =	ssyncset.done $0x0  }
0xdf: {  	[sflag:s9] =	ssyncadd.s32 $0xFFFFF600  }
0xe0: {  	[spmem:s2] =	stream.indirect.scatter.add.f32 [tilespmem:s11], [sflag:$0x1], $0x80, s3, s10, $0xb8;
	[tilespmem:$0x18800] =	vst v63  }
0xe1: {  	_ =	swait.ge [sflag:s9], $0x3200  }
0xe2: {  	[sflag:s9] =	ssyncset.done $0x0  }
0xe3: {  	[sflag:s9] =	ssyncadd.s32 $0xFFFFCE00  }
0xe4: {  	[spmem:s2] =	stream.indirect.scatter.add.f32 [tilespmem:s11], [sflag:$0x1], $0x80, s12, s10, $0xb8;
	[tilespmem:$0x18800] =	vst v63  }
0xe5: {  	_ =	swait.ge [sflag:s9], $0x3200  }
0xe6: {  	[sflag:s9] =	ssyncset.done $0x0  }
0xe7: {  	[sflag:s9] =	ssyncadd.s32 $0xFFFFCE00  }
0xe8: {  	[spmem:s2] =	stream.indirect.scatter.add.f32 [tilespmem:s11], [sflag:$0x1], $0x80, s13, s10, $0xb8;
	[tilespmem:$0x18800] =	vst v63  }
0xe9: {  	_ =	swait.ge [sflag:s9], $0x3200  }
0xea: {  	[sflag:s9] =	ssyncset.done $0x0  }
0xeb: {  	[sflag:s9] =	ssyncadd.s32 $0xFFFFCE00  }
0xec: {  	[spmem:s2] =	stream.indirect.scatter.add.f32 [tilespmem:s11], [sflag:$0x1], $0x80, s14, s10, $0xb8;
	[tilespmem:$0x18800] =	vst v63  }
0xed: {  	_ =	swait.ge [sflag:s9], $0x3200  }
0xee: {  	[sflag:s9] =	ssyncset.done $0x0  }
0xef: {  	[sflag:s9] =	ssyncadd.s32 $0xFFFFCE00  }
0xf0: {  	[spmem:s2] =	stream.indirect.scatter.add.f32 [tilespmem:s11], [sflag:$0x1], $0x80, s15, s10, $0xb8;
	[tilespmem:$0x18800] =	vst v63  }
0xf1: {  	_ =	swait.ge [sflag:s9], $0x3200  }
0xf2: {  	[sflag:s9] =	ssyncset.done $0x0  }
0xf3: {  	[sflag:s9] =	ssyncadd.s32 $0xFFFFCE00  }
0xf4: {  	[spmem:s2] =	stream.indirect.scatter.add.f32 [tilespmem:s11], [sflag:$0x1], $0x80, s16, s10, $0xb8;
	[tilespmem:$0x18800] =	vst v63  }
0xf5: {  	_ =	swait.ge [sflag:s9], $0x3200  }
0xf6: {  	[sflag:s9] =	ssyncset.done $0x0  }
0xf7: {  	[sflag:s9] =	ssyncadd.s32 $0xFFFFCE00  }
0xf8: {  	[spmem:s2] =	stream.indirect.scatter.add.f32 [tilespmem:s11], [sflag:$0x1], $0x80, s17, s10, $0xb8;
	[tilespmem:$0x18800] =	vst v63  }
0xf9: {  	_ =	swait.ge [sflag:s9], $0x3200  }
0xfa: {  	[sflag:s9] =	ssyncset.done $0x0  }
0xfb: {  	[sflag:s9] =	ssyncadd.s32 $0xFFFFCE00  }
0xfc: {  	[spmem:s2] =	stream.indirect.scatter.add.f32 [tilespmem:s11], [sflag:$0x1], $0x80, s18, s10, $0xb8;
	[tilespmem:$0x18800] =	vst v63  }
0xfd: {  	_ =	swait.ge [sflag:s9], $0x3200  }
0xfe: {  	[sflag:s9] =	ssyncset.done $0x0  }
0xff: {  	[sflag:s9] =	ssyncadd.s32 $0xFFFFCE00  }
0x100: {  	[spmem:s2] =	stream.indirect.scatter.add.f32 [tilespmem:s11], [sflag:$0x1], $0x80, s19, s10, $0xb8;
	[tilespmem:$0x18800] =	vst v63  }
0x101: {  	_ =	swait.ge [sflag:s9], $0x3200  }
0x102: {  	[sflag:s9] =	ssyncset.done $0x0  }
0x103: {  	[sflag:s9] =	ssyncadd.s32 $0xFFFFCE00  }
0x104: {  	[spmem:s2] =	stream.indirect.scatter.add.f32 [tilespmem:s11], [sflag:$0x1], $0x80, s20, s10, $0xb8;
	[tilespmem:$0x18800] =	vst v63  }
0x105: {  	_ =	swait.ge [sflag:s9], $0x3200  }
0x106: {  	[sflag:s9] =	ssyncset.done $0x0  }
0x107: {  	[sflag:s9] =	ssyncadd.s32 $0xFFFFCE00  }
0x108: {  	[spmem:s2] =	stream.indirect.scatter.add.f32 [tilespmem:s11], [sflag:$0x1], $0x80, s21, s10, $0xb8;
	[tilespmem:$0x18800] =	vst v63  }
0x109: {  	_ =	swait.ge [sflag:s9], $0x3200  }
0x10a: {  	[sflag:s9] =	ssyncset.done $0x0  }
0x10b: {  	[sflag:s9] =	ssyncadd.s32 $0xFFFFCE00  }
0x10c: {  	[spmem:s2] =	stream.indirect.scatter.add.f32 [tilespmem:s11], [sflag:$0x1], $0x80, s22, s10, $0xb8;
	[tilespmem:$0x18800] =	vst v63  }
0x10d: {  	_ =	swait.ge [sflag:s9], $0x3200  }
0x10e: {  	[sflag:s9] =	ssyncset.done $0x0  }
0x10f: {  	[sflag:s9] =	ssyncadd.s32 $0xFFFFCE00  }
0x110: {  	[spmem:s2] =	stream.indirect.scatter.add.f32 [tilespmem:s11], [sflag:$0x1], $0x80, s23, s10, $0xb8;
	[tilespmem:$0x18800] =	vst v63  }
0x111: {  	_ =	swait.ge [sflag:s9], $0x3200  }
0x112: {  	[sflag:s9] =	ssyncset.done $0x0  }
0x113: {  	[sflag:s9] =	ssyncadd.s32 $0xFFFFCE00  }
0x114: {  	[spmem:s2] =	stream.indirect.scatter.add.f32 [tilespmem:s11], [sflag:$0x1], $0x80, s24, s10, $0xb8;
	[tilespmem:$0x18800] =	vst v63  }
0x115: {  	_ =	swait.ge [sflag:s9], $0x3200  }
0x116: {  	[sflag:s9] =	ssyncset.done $0x0  }
0x117: {  	[sflag:s9] =	ssyncadd.s32 $0xFFFFCE00  }
0x118: {  	[spmem:s2] =	stream.indirect.scatter.add.f32 [tilespmem:s11], [sflag:$0x1], $0x80, s25, s10, $0xb8;
	[tilespmem:$0x18800] =	vst v63  }
0x119: {  	_ =	swait.ge [sflag:s9], $0x3200  }
0x11a: {  	[sflag:s9] =	ssyncset.done $0x0  }
0x11b: {  	[sflag:s9] =	ssyncadd.s32 $0xFFFFCE00  }
0x11c: {  	[spmem:s2] =	stream.indirect.scatter.add.f32 [tilespmem:s11], [sflag:$0x1], $0x80, s26, s10, $0xb8;
	[tilespmem:$0x18800] =	vst v63  }
0x11d: {  	_ =	swait.ge [sflag:s9], $0x3200  }
0x11e: {  	[sflag:s9] =	ssyncset.done $0x0  }
0x11f: {  	[sflag:s9] =	ssyncadd.s32 $0xFFFFCE00  }
0x120: {  	[spmem:s2] =	stream.indirect.scatter.add.f32 [tilespmem:s11], [sflag:$0x1], $0x80, s28, s10, $0xb8;
	[tilespmem:$0x18800] =	vst v63  }
0x121: {  	_ =	swait.ge [sflag:s9], $0x3200  }
0x122: {  	[sflag:s9] =	ssyncset.done $0x0  }
0x123: {  	[sflag:s9] =	ssyncadd.s32 $0xFFFFCE00  }
0x124: {  	[spmem:s2] =	stream.indirect.scatter.add.f32 [tilespmem:s11], [sflag:$0x1], $0x80, s29, s10, $0xb8;
	[tilespmem:$0x18800] =	vst v63  }
0x125: {  	_ =	swait.ge [sflag:s9], $0x3200  }
0x126: {  	[sflag:s9] =	ssyncset.done $0x0  }
0x127: {  	[sflag:s9] =	ssyncadd.s32 $0xFFFFCE00  }
0x128: {  	[spmem:s2] =	stream.indirect.scatter.add.f32 [tilespmem:s11], [sflag:$0x1], $0x80, s30, s10, $0xb8;
	[tilespmem:$0x18800] =	vst v63  }
0x129: {  	_ =	swait.ge [sflag:s9], $0x3200  }
0x12a: {  	[sflag:s9] =	ssyncset.done $0x0  }
0x12b: {  	[sflag:s9] =	ssyncadd.s32 $0xFFFFCE00  }
0x12c: {  	[spmem:s2] =	stream.indirect.scatter.add.f32 [tilespmem:s11], [sflag:$0x1], $0x80, s31, s10, $0xb8;
	[tilespmem:$0x18800] =	vst v63  }
0x12d: {  	_ =	swait.ge [sflag:s9], $0x3200  }
0x12e: {  	[sflag:s9] =	ssyncset.done $0x0  }
0x12f: {  	s1 =	stileid.u32;
	[sflag:s9] =	ssyncadd.s32 $0xFFFFCE00  }
0x130: {  	s0 =	sshll.u32 s1, $0x6;
	[bflag:$0x0] =	sbarrier.arrive $0xFFFF  }
0x131: {  	s1 =	sshrl.u32 s4, $0x3;
	s0 =	sor.u32 $0x1C01, s0;
	s5 =	rddreg [dreg:$0x3]  }
0x132: {  	[hbm:s5], [sflag:s0] =	dma.local [spmem:s1], $0x2800  }
0x133: {  	_ =	swait.ge [sflag:s9], $0x2800  }
0x134: {  	s5 =	rddreg [dreg:$0x5]  }
0x135: {  	s6 =	rddreg [dreg:$0x4];
	s1 =	sadd.s32 $0x1, s5  }
0x136: {  	p0 =	sne.s32 s1, s6  }
.Ltmp4:
0x137: {  	_ = 	snop;
	(pc) =	sbr.rel @p0 .LBB2_1-.Ltmp4, $3  }
0x138: {  	_ =	sdelay $0x1  }
0x139: {  	[sflag:s9] =	ssyncset.done $0x0  }
0x13a: {  	[sflag:s9] =	ssyncadd.s32 $0xFFFFD800  }
0x13b: {  	_ =	sfence.sel $0x180000  }
0x13c: {  	[bflag:$0x0] =	sbarrier.arrive $0xFFFF  }
0x13d: {  	_ =	strace $0x90000047  }
0x13e: {  	s0 =	stileid.u32;
	[bflag:$0x2] =	sbarrier.arrive $0xFFFF  }
0x13f: {  	p0 =	sne.s32 s0, $0x0;
	s0 =	rddreg [dreg:$0x2]  }
0x140: {  	s0 =	sadd.s32 @!p0 $0x100000, s0  }
0x141: {  	[sflag:s0] =	ssyncadd.tile.s32 @!p0 $0x1;
	_ =	shalt  }
.Lfunc_end2:
_tile_overlayer_lowered:
.L_overlay_start_2:
0x142: {  	(tag) =	ssettag $0x2  }
0x143: {  	s0 =	rddreg [dreg:$0x0];
	s2 =	stileid.u32  }
0x144: {  	s1 =	rddreg [dreg:$0x1];
	p0 =	sne.s32 s2, $0x0  }
0x145: {  	s3 =	rddreg [dreg:$0x2];
	[bflag:$0x3] =	sbarrier.arrive $0xFFFF;
	s2 =	simm.s32 @!p0 $0x1C01  }
0x146: {  	[timem:s3], [sflag:s2] =	dma.local @!p0 [hbm:s0], s1  }
0x147: {  	s0 =	simm.s32 @!p0 $0x1  }
0x148: {  	_ =	swait.ge @!p0 [sflag:s0], s1  }
0x149: {  	s1 =	ssub.s32 @!p0 $0x0, s1;
	[sflag:s0] =	ssyncset.done @!p0 $0x0  }
0x14a: {  	[sflag:s0] =	ssyncadd.s32 @!p0 s1  }
0x14b: {  	[bflag:$0x3] =	sbarrier.arrive $0xFFFF  }
0x14c: {  	_ =	shalt  }

</sc_bundles>
